<compile_context>
chip_gen: v7x
topology: tpu7x:2x2x1
jax: 0.10.2.dev20260603
libtpu: 0.0.44.dev20260713+nightly
codegen_flags: <defaults>
</compile_context>

<pallas_src>
import functools

import jax
import jax.numpy as jnp
from jax import lax
from jax.experimental import pallas as pl
from jax.experimental.pallas import tpu as pltpu
from jax.experimental.pallas import tpu_sc as plsc

_N = 10000
_E = 320000
_D = 128
_DEPTH = 3
_K = 96
_C = 105
_NC = 2
_NS = 16
_NW = _NC * _NS
_EPW = _C * _K
_EPAD = _NW * _EPW
_NPAD = 10112
_RPT = _NPAD // _NS
_BLK = 2000
_GRID = _N // _BLK


def _sc_scatter_rows(table, src1, dst1, zeros, gather):
    w_dim = table.shape[1]
    mesh = plsc.VectorSubcoreMesh(core_axis_name="c", subcore_axis_name="s")

    @functools.partial(
        pl.kernel,
        out_type=jax.ShapeDtypeStruct((_NC, _NPAD, w_dim), jnp.float32),
        mesh=mesh,
        scratch_types=(
            [pltpu.VMEM((_EPW,), jnp.int32)]
            + [pltpu.VMEM((_K,), jnp.int32)] * _DEPTH
            + [pltpu.VMEM((_K, w_dim), jnp.float32)] * _DEPTH
            + [pltpu.SemaphoreType.DMA] * (2 * _DEPTH)
            + [pltpu.VMEM_SHARED((_NPAD, w_dim), jnp.float32)]
        ),
    )
    def k(table_hbm, src_hbm, dst_hbm, zeros_hbm, out_hbm, srcv, *rest):
        dbufs = rest[:_DEPTH]
        rbufs = rest[_DEPTH:2 * _DEPTH]
        gsems = rest[2 * _DEPTH:3 * _DEPTH]
        dsems = rest[3 * _DEPTH:4 * _DEPTH]
        accum = rest[-1]
        c = lax.axis_index("c")
        s = lax.axis_index("s")
        w = c * _NS + s
        base = w * _EPW

        pltpu.sync_copy(zeros_hbm, accum.at[pl.ds(s * _RPT, _RPT)])
        if gather:
            pltpu.sync_copy(src_hbm.at[pl.ds(base, _EPW)], srcv)
        else:
            pltpu.sync_copy(table_hbm, rbufs[0])

        def issue_d(j, b):
            pltpu.async_copy(dst_hbm.at[pl.ds(base + j * _K, _K)],
                             dbufs[b], dsems[b])

        def wait_d(j, b):
            pltpu.make_async_copy(dst_hbm.at[pl.ds(base + j * _K, _K)],
                                  dbufs[b], dsems[b]).wait()

        def issue_g(j, b):
            pltpu.async_copy(table_hbm.at[srcv.at[pl.ds(j * _K, _K)]],
                             rbufs[b], gsems[b])

        def wait_g(j, b):
            pltpu.make_async_copy(table_hbm.at[srcv.at[pl.ds(j * _K, _K)]],
                                  rbufs[b], gsems[b]).wait()

        for b in range(_DEPTH):
            issue_d(b, b)
            if gather:
                issue_g(b, b)
        plsc.subcore_barrier()

        if gather:
            def body(i, carry):
                j0 = _DEPTH * i
                for b in range(_DEPTH):
                    wait_g(j0 + b, b)
                    wait_d(j0 + b, b)
                    pltpu.sync_copy(rbufs[b], accum.at[dbufs[b]], add=True)
                    issue_g(j0 + b + _DEPTH, b)
                    issue_d(j0 + b + _DEPTH, b)
                return carry
        else:
            def body(i, carry):
                j0 = _DEPTH * i
                for b in range(_DEPTH):
                    wait_d(j0 + b, b)
                    pltpu.sync_copy(rbufs[0], accum.at[dbufs[b]], add=True)
                    issue_d(j0 + b + _DEPTH, b)
                return carry

        lax.fori_loop(0, _C // _DEPTH - 1, body, 0)
        for b in range(_DEPTH):
            j = _C - _DEPTH + b
            if gather:
                wait_g(j, b)
                wait_d(j, b)
                pltpu.sync_copy(rbufs[b], accum.at[dbufs[b]], add=True)
            else:
                wait_d(j, b)
                pltpu.sync_copy(rbufs[0], accum.at[dbufs[b]], add=True)
        plsc.subcore_barrier()
        pltpu.sync_copy(accum.at[pl.ds(s * _RPT, _RPT)],
                        out_hbm.at[c, pl.ds(s * _RPT, _RPT)])

    return k(table, src1, dst1, zeros)


def _dot(a, b):
    return lax.dot_general(a, b, (((1,), (0,)), ((), ())),
                           preferred_element_type=jnp.float32)


def _ln(t, g, b):
    m = jnp.mean(t, axis=-1, keepdims=True)
    v = jnp.mean((t - m) ** 2, axis=-1, keepdims=True)
    return (t - m) * lax.rsqrt(v + 1e-5) * g + b


def _gelu(t):
    return 0.5 * t * (1.0 + lax.erf(t * 0.7071067811865476))


def _dinv_of(dp_ref):
    deg = dp_ref[0][:, :1] + dp_ref[1][:, :1] + 1.0
    return lax.rsqrt(deg)


_ROW = lambda i: (i, 0)
_FIX = lambda i: (0, 0)


def _spec(shape, imap):
    return pl.BlockSpec(shape, imap)


def _pair_spec():
    return pl.BlockSpec((2, _BLK, _D), lambda i: (0, i, 0))


def _deg_spec():
    return pl.BlockSpec((2, _BLK, _D), lambda i: (0, i, 0))


def _tc0_body(x_ref, pw_ref, pb_ref, g1_ref, b1_ref, dp_ref, w0_ref,
              h0_ref, gs0_ref):
    h = _dot(x_ref[...], pw_ref[...]) + pb_ref[...]
    h = _ln(h, g1_ref[...], b1_ref[...])
    dinv = _dinv_of(dp_ref)
    h0_ref[...] = h
    gs0_ref[...] = _dot(h, w0_ref[...]) * dinv


def _tc_proj(x, proj_W, proj_b, ln1_g, ln1_b, degp, W0):
    return pl.pallas_call(
        _tc0_body,
        grid=(_GRID,),
        in_specs=[
            _spec((_BLK, _D), _ROW),
            _spec((_D, _D), _FIX),
            _spec((1, _D), _FIX),
            _spec((1, _D), _FIX),
            _spec((1, _D), _FIX),
            _deg_spec(),
            _spec((_D, _D), _FIX),
        ],
        out_specs=[_spec((_BLK, _D), _ROW)] * 2,
        out_shape=[jax.ShapeDtypeStruct((_N, _D), jnp.float32)] * 2,
    )(x, proj_W, proj_b, ln1_g, ln1_b, degp, W0)


def _hop_body(p_ref, gsp_ref, dp_ref, b_ref, wn_ref, h_ref, gs_ref):
    dinv = _dinv_of(dp_ref)
    agg = p_ref[0] + p_ref[1] + gsp_ref[...]
    h = _gelu(agg * dinv + b_ref[...])
    h_ref[...] = h
    gs_ref[...] = _dot(h, wn_ref[...]) * dinv


def _tc_hop(p, gsp, degp, bias, Wn):
    return pl.pallas_call(
        _hop_body,
        grid=(_GRID,),
        in_specs=[
            _pair_spec(),
            _spec((_BLK, _D), _ROW),
            _deg_spec(),
            _spec((1, _D), _FIX),
            _spec((_D, _D), _FIX),
        ],
        out_specs=[_spec((_BLK, _D), _ROW)] * 2,
        out_shape=[jax.ShapeDtypeStruct((_N, _D), jnp.float32)] * 2,
    )(p, gsp, degp, bias, Wn)


def _fin_body(p_ref, gs2_ref, dp_ref, b2_ref, h0_ref, h1_ref, h2_ref,
              w1_ref, b1m_ref, w2_ref, b2m_ref, g2_ref, bb2_ref, out_ref):
    dinv = _dinv_of(dp_ref)
    agg = p_ref[0] + p_ref[1] + gs2_ref[...]
    h3 = _gelu(agg * dinv + b2_ref[...])
    w1 = w1_ref[...]
    m = (_dot(h0_ref[...], w1[0:_D]) + _dot(h1_ref[...], w1[_D:2 * _D])
         + _dot(h2_ref[...], w1[2 * _D:3 * _D]) + _dot(h3, w1[3 * _D:4 * _D])
         + b1m_ref[...])
    m = _gelu(m)
    o = _dot(m, w2_ref[...]) + b2m_ref[...]
    out_ref[...] = _ln(o, g2_ref[...], bb2_ref[...])


def _tc_final(p, gs2, degp, b2, h0, h1, h2,
              mlp_W1, mlp_b1, mlp_W2, mlp_b2, ln2_g, ln2_b):
    return pl.pallas_call(
        _fin_body,
        grid=(_GRID,),
        in_specs=[
            _pair_spec(),
            _spec((_BLK, _D), _ROW),
            _deg_spec(),
            _spec((1, _D), _FIX),
            _spec((_BLK, _D), _ROW),
            _spec((_BLK, _D), _ROW),
            _spec((_BLK, _D), _ROW),
            _spec((4 * _D, _D), _FIX),
            _spec((1, _D), _FIX),
            _spec((_D, _D), _FIX),
            _spec((1, _D), _FIX),
            _spec((1, _D), _FIX),
            _spec((1, _D), _FIX),
        ],
        out_specs=_spec((_BLK, _D), _ROW),
        out_shape=jax.ShapeDtypeStruct((_N, _D), jnp.float32),
    )(p, gs2, degp, b2, h0, h1, h2,
      mlp_W1, mlp_b1, mlp_W2, mlp_b2, ln2_g, ln2_b)


def kernel(x, edge_index, proj_W, proj_b, ln1_g, ln1_b, gcn_Ws, gcn_bs,
           mlp_W1, mlp_b1, mlp_W2, mlp_b2, ln2_g, ln2_b):
    f32 = jnp.float32
    padw = _EPW - _E // _NW
    pad_src = jnp.zeros((_NW, padw), edge_index.dtype)
    pad_dst = jnp.broadcast_to(
        _N + jnp.arange(padw, dtype=edge_index.dtype), (_NW, padw))
    src1 = jnp.concatenate(
        [edge_index[0].reshape(_NW, _E // _NW), pad_src], axis=1).reshape(_EPAD)
    dst1 = jnp.concatenate(
        [edge_index[1].reshape(_NW, _E // _NW), pad_dst], axis=1).reshape(_EPAD)
    ones = jnp.ones((_K, _D), f32)
    zeros = jnp.zeros((_RPT, _D), f32)
    row = lambda v: v.reshape(1, _D)

    degp = _sc_scatter_rows(ones, src1, dst1, zeros, gather=False)

    h0, gs0 = _tc_proj(x, proj_W, row(proj_b), row(ln1_g), row(ln1_b),
                       degp, gcn_Ws[0])
    p = _sc_scatter_rows(gs0, src1, dst1, zeros, gather=True)
    h1, gs1 = _tc_hop(p, gs0, degp, row(gcn_bs[0]), gcn_Ws[1])
    p = _sc_scatter_rows(gs1, src1, dst1, zeros, gather=True)
    h2, gs2 = _tc_hop(p, gs1, degp, row(gcn_bs[1]), gcn_Ws[2])
    p = _sc_scatter_rows(gs2, src1, dst1, zeros, gather=True)
    return _tc_final(p, gs2, degp, row(gcn_bs[2]), h0, h1, h2,
                     mlp_W1, row(mlp_b1), mlp_W2, row(mlp_b2),
                     row(ln2_g), row(ln2_b))

# --- scband reference (transcript-rebuilt; emitter-appended) ---
"""Pipeline reference for scband-gcncontext-paper-76948634075448 (READ-ONLY COPY).

The authoritative reference and input builder live on the scoring server;
editing this copy changes nothing except your own understanding.
"""

import jax, jax.numpy as jnp
import numpy as np

N = 10000
E = 320000
DIN = 128
DH = 128
NHOPS = 3


def layer_norm(t, g, b, eps=1e-5):
    m = jnp.mean(t, axis=-1, keepdims=True)
    v = jnp.var(t, axis=-1, keepdims=True)
    return (t - m) / jnp.sqrt(v + eps) * g + b


def gelu(t):
    return jax.nn.gelu(t, approximate=False)


def gcn_conv(x, edge_index, W, b):
    n = x.shape[0]
    loop = jnp.arange(n, dtype=edge_index.dtype)
    src = jnp.concatenate([edge_index[0], loop])
    dst = jnp.concatenate([edge_index[1], loop])
    ones = jnp.ones(src.shape[0], x.dtype)
    deg = jnp.zeros(n, x.dtype).at[dst].add(ones)
    dinv = jnp.where(deg > 0, 1.0 / jnp.sqrt(deg), 0.0)
    norm = dinv[src] * dinv[dst]
    h = x @ W
    msg = h[src] * norm[:, None]
    out = jnp.zeros_like(h).at[dst].add(msg)
    return out + b


def setup_inputs(seed: int = 0) -> dict:
    key = jax.random.key(seed)
    ks = jax.random.split(key, 16)
    s = 0.02
    inp = {}
    inp["x"] = jax.random.normal(ks[0], (N, DIN), jnp.float32)
    inp["edge_index"] = jax.random.randint(ks[1], (2, E), 0, N, jnp.int32)
    inp["proj_W"] = jax.random.normal(ks[2], (DIN, DH), jnp.float32) * s
    inp["proj_b"] = jnp.zeros((DH,), jnp.float32)
    inp["ln1_g"] = jnp.ones((DH,), jnp.float32)
    inp["ln1_b"] = jnp.zeros((DH,), jnp.float32)
    inp["gcn_Ws"] = jax.random.normal(ks[3], (NHOPS, DH, DH), jnp.float32) * s
    inp["gcn_bs"] = jnp.zeros((NHOPS, DH), jnp.float32)
    cat_dim = (NHOPS + 1) * DH
    inp["mlp_W1"] = jax.random.normal(ks[4], (cat_dim, DH), jnp.float32) * s
    inp["mlp_b1"] = jnp.zeros((DH,), jnp.float32)
    inp["mlp_W2"] = jax.random.normal(ks[5], (DH, DH), jnp.float32) * s
    inp["mlp_b2"] = jnp.zeros((DH,), jnp.float32)
    inp["ln2_g"] = jnp.ones((DH,), jnp.float32)
    inp["ln2_b"] = jnp.zeros((DH,), jnp.float32)
    return inp


def reference(x, edge_index, proj_W, proj_b, ln1_g, ln1_b, gcn_Ws, gcn_bs,
              mlp_W1, mlp_b1, mlp_W2, mlp_b2, ln2_g, ln2_b):
    h = layer_norm(x @ proj_W + proj_b, ln1_g, ln1_b)
    hs = [h]
    cur = h
    for i in range(NHOPS):
        cur = gelu(gcn_conv(cur, edge_index, gcn_Ws[i], gcn_bs[i]))
        hs.append(cur)
    cat = jnp.concatenate(hs, axis=-1)
    out = gelu(cat @ mlp_W1 + mlp_b1)
    out = out @ mlp_W2 + mlp_b2
    return layer_norm(out, ln2_g, ln2_b)

if __name__ == "__main__":
    import jax
    _d = setup_inputs()
    print(jax.jit(kernel)(*tuple(_d.values())))

</pallas_src>

<mosaic_0001>
#map = affine_map<(d0, d1) -> (0, 0)>
#map1 = affine_map<(d0, d1) -> (0)>
#map2 = affine_map<(d0, d1) -> (0, 0, 0)>
module attributes {stable_mosaic.version = 14 : i64} {
  func.func @k(%arg0: i32, %arg1: i32, %arg2: memref<96x128xf32, #tpu.memory_space<hbm>>, %arg3: memref<322560xi32, #tpu.memory_space<hbm>>, %arg4: memref<322560xi32, #tpu.memory_space<hbm>>, %arg5: memref<632x128xf32, #tpu.memory_space<hbm>>, %arg6: memref<2x10112x128xf32, #tpu.memory_space<hbm>>, %arg7: memref<10080xi32, #tpu.memory_space<vmem>>, %arg8: memref<96xi32, #tpu.memory_space<vmem>>, %arg9: memref<96xi32, #tpu.memory_space<vmem>>, %arg10: memref<96xi32, #tpu.memory_space<vmem>>, %arg11: memref<96x128xf32, #tpu.memory_space<vmem>>, %arg12: memref<96x128xf32, #tpu.memory_space<vmem>>, %arg13: memref<96x128xf32, #tpu.memory_space<vmem>>, %arg14: memref<!tpu.dma_semaphore, #tpu.memory_space<semaphore_mem>>, %arg15: memref<!tpu.dma_semaphore, #tpu.memory_space<semaphore_mem>>, %arg16: memref<!tpu.dma_semaphore, #tpu.memory_space<semaphore_mem>>, %arg17: memref<!tpu.dma_semaphore, #tpu.memory_space<semaphore_mem>>, %arg18: memref<!tpu.dma_semaphore, #tpu.memory_space<semaphore_mem>>, %arg19: memref<!tpu.dma_semaphore, #tpu.memory_space<semaphore_mem>>, %arg20: memref<10112x128xf32, #tpu.memory_space<vmem_shared>>) attributes {dimension_semantics = [#tpu.dimension_semantics<core_parallel>, #tpu.dimension_semantics<subcore_parallel>], iteration_bounds = array<i64: 2, 16>, scalar_prefetch = 0 : i64, scratch_operands = 14 : i64, tpu.core_type = #tpu.core_type<sc_vector_subcore>, window_params = [{transform_indices = #map}, {transform_indices = #map1}, {transform_indices = #map1}, {transform_indices = #map}, {transform_indices = #map2}]} {
    %mul3A = arith.constant 16 : i32
    %mul3A_0 = arith.muli %arg0, %mul3A : i32
    %add3A = arith.addi %mul3A_0, %arg1 : i32
    %mul3A_1 = arith.constant 10080 : i32
    %mul3A_2 = arith.muli %add3A, %mul3A_1 : i32
    %mul3A_3 = arith.constant 632 : i32
    %mul3A_4 = arith.muli %arg1, %mul3A_3 : i32
    "tpu.region"() ({
      %run_scoped3A = tpu.sem_alloc : memref<!tpu.dma_semaphore, #tpu.memory_space<semaphore_mem>>
      %dma_start3A_37 = arith.constant 0 : i32
      %dma_start3A_38 = tpu.memref_slice %arg20[%mul3A_4, %dma_start3A_37] : memref<10112x128xf32, #tpu.memory_space<vmem_shared>> -> memref<632x128xf32, #tpu.memory_space<vmem_shared>>
      tpu.enqueue_dma source(%arg5 : memref<632x128xf32, #tpu.memory_space<hbm>>) target(%dma_start3A_38 : memref<632x128xf32, #tpu.memory_space<vmem_shared>>) target_semaphore(%run_scoped3A : memref<!tpu.dma_semaphore, #tpu.memory_space<semaphore_mem>>)
      %dma_wait3A_39 = arith.constant 0 : i32
      %dma_wait3A_40 = tpu.memref_slice %arg20[%mul3A_4, %dma_wait3A_39] : memref<10112x128xf32, #tpu.memory_space<vmem_shared>> -> memref<632x128xf32, #tpu.memory_space<vmem_shared>>
      tpu.wait_dma2 semaphore(%run_scoped3A : memref<!tpu.dma_semaphore, #tpu.memory_space<semaphore_mem>>) src(%arg5 : memref<632x128xf32, #tpu.memory_space<hbm>>) dst(%dma_wait3A_40 : memref<632x128xf32, #tpu.memory_space<vmem_shared>>)
      tpu.yield
    }) : () -> ()
    "tpu.region"() ({
      %run_scoped3A = tpu.sem_alloc : memref<!tpu.dma_semaphore, #tpu.memory_space<semaphore_mem>>
      tpu.enqueue_dma source(%arg2 : memref<96x128xf32, #tpu.memory_space<hbm>>) target(%arg11 : memref<96x128xf32, #tpu.memory_space<vmem>>) target_semaphore(%run_scoped3A : memref<!tpu.dma_semaphore, #tpu.memory_space<semaphore_mem>>)
      tpu.wait_dma2 semaphore(%run_scoped3A : memref<!tpu.dma_semaphore, #tpu.memory_space<semaphore_mem>>) src(%arg2 : memref<96x128xf32, #tpu.memory_space<hbm>>) dst(%arg11 : memref<96x128xf32, #tpu.memory_space<vmem>>)
      tpu.yield
    }) : () -> ()
    %add3A_5 = arith.constant 0 : i32
    %add3A_6 = arith.addi %mul3A_2, %add3A_5 : i32
    %dma_start3A = tpu.memref_slice %arg4[%add3A_6] : memref<322560xi32, #tpu.memory_space<hbm>> -> memref<96xi32, #tpu.memory_space<hbm>>
    %dma_start3A_7 = tpu.memref_slice %arg4[%add3A_6] : memref<322560xi32, #tpu.memory_space<hbm>> -> memref<96xi32, #tpu.memory_space<hbm>>
    tpu.enqueue_dma source(%dma_start3A_7 : memref<96xi32, #tpu.memory_space<hbm>>) target(%arg8 : memref<96xi32, #tpu.memory_space<vmem>>) target_semaphore(%arg17 : memref<!tpu.dma_semaphore, #tpu.memory_space<semaphore_mem>>)
    %add3A_8 = arith.constant 96 : i32
    %add3A_9 = arith.addi %mul3A_2, %add3A_8 : i32
    %dma_start3A_10 = tpu.memref_slice %arg4[%add3A_9] : memref<322560xi32, #tpu.memory_space<hbm>> -> memref<96xi32, #tpu.memory_space<hbm>>
    %dma_start3A_11 = tpu.memref_slice %arg4[%add3A_9] : memref<322560xi32, #tpu.memory_space<hbm>> -> memref<96xi32, #tpu.memory_space<hbm>>
    tpu.enqueue_dma source(%dma_start3A_11 : memref<96xi32, #tpu.memory_space<hbm>>) target(%arg9 : memref<96xi32, #tpu.memory_space<vmem>>) target_semaphore(%arg18 : memref<!tpu.dma_semaphore, #tpu.memory_space<semaphore_mem>>)
    %add3A_12 = arith.constant 192 : i32
    %add3A_13 = arith.addi %mul3A_2, %add3A_12 : i32
    %dma_start3A_14 = tpu.memref_slice %arg4[%add3A_13] : memref<322560xi32, #tpu.memory_space<hbm>> -> memref<96xi32, #tpu.memory_space<hbm>>
    %dma_start3A_15 = tpu.memref_slice %arg4[%add3A_13] : memref<322560xi32, #tpu.memory_space<hbm>> -> memref<96xi32, #tpu.memory_space<hbm>>
    tpu.enqueue_dma source(%dma_start3A_15 : memref<96xi32, #tpu.memory_space<hbm>>) target(%arg10 : memref<96xi32, #tpu.memory_space<vmem>>) target_semaphore(%arg19 : memref<!tpu.dma_semaphore, #tpu.memory_space<semaphore_mem>>)
    %barrier3A = arith.constant 0 : index
    tpu.barrier barrier_id(%barrier3A)
    %scan3A = arith.constant 0 : i32
    %scan3A_16 = arith.constant 0 : i32
    %scan3A_17 = arith.constant 34 : i32
    %scan3A_18 = arith.addi %scan3A_16, %scan3A_17 : i32
    %scan3A_19 = arith.constant 1 : i32
    scf.for %scan3A_37 = %scan3A_16 to %scan3A_18 step %scan3A_19  : i32 {
      %mul3A_38 = arith.constant 3 : i32
      %mul3A_39 = arith.muli %mul3A_38, %scan3A_37 : i32
      %add3A_40 = arith.constant 0 : i32
      %add3A_41 = arith.addi %mul3A_39, %add3A_40 : i32
      %mul3A_42 = arith.constant 96 : i32
      %mul3A_43 = arith.muli %add3A_41, %mul3A_42 : i32
      %add3A_44 = arith.addi %mul3A_2, %mul3A_43 : i32
      %dma_wait3A_45 = tpu.memref_slice %arg4[%add3A_44] : memref<322560xi32, #tpu.memory_space<hbm>> -> memref<96xi32, #tpu.memory_space<hbm>>
      %dma_wait3A_46 = tpu.memref_slice %arg4[%add3A_44] : memref<322560xi32, #tpu.memory_space<hbm>> -> memref<96xi32, #tpu.memory_space<hbm>>
      tpu.wait_dma2 semaphore(%arg17 : memref<!tpu.dma_semaphore, #tpu.memory_space<semaphore_mem>>) src(%dma_wait3A_46 : memref<96xi32, #tpu.memory_space<hbm>>) dst(%arg8 : memref<96xi32, #tpu.memory_space<vmem>>)
      "tpu.region"() ({
        %run_scoped3A = tpu.sem_alloc : memref<!tpu.dma_semaphore, #tpu.memory_space<semaphore_mem>>
        %dma_start3A_88 = arith.constant 0 : i32
        %dma_start3A_89 = arith.constant 0 : i32
        %dma_start3A_90 = tpu.memref_slice %arg20[%dma_start3A_88, %dma_start3A_89] : memref<10112x128xf32, #tpu.memory_space<vmem_shared>> -> memref<10112x128xf32, #tpu.memory_space<vmem_shared>>
        tpu.enqueue_indirect_dma source(%arg11 : memref<96x128xf32, #tpu.memory_space<vmem>>) target(%dma_start3A_90 : memref<10112x128xf32, #tpu.memory_space<vmem_shared>>) offsets(%arg8 : memref<96xi32, #tpu.memory_space<vmem>>) semaphore(%run_scoped3A : memref<!tpu.dma_semaphore, #tpu.memory_space<semaphore_mem>>) {add = true}
        %dma_wait3A_91 = arith.constant 0 : i32
        %dma_wait3A_92 = arith.constant 0 : i32
        %dma_wait3A_93 = tpu.memref_slice %arg20[%dma_wait3A_91, %dma_wait3A_92] : memref<10112x128xf32, #tpu.memory_space<vmem_shared>> -> memref<10112x128xf32, #tpu.memory_space<vmem_shared>>
        tpu.wait_indirect_dma semaphore(%run_scoped3A : memref<!tpu.dma_semaphore, #tpu.memory_space<semaphore_mem>>) src(%arg11 : memref<96x128xf32, #tpu.memory_space<vmem>>) dst(%dma_wait3A_93 : memref<10112x128xf32, #tpu.memory_space<vmem_shared>>)
        tpu.yield
      }) : () -> ()
      %add3A_47 = arith.constant 0 : i32
      %add3A_48 = arith.addi %mul3A_39, %add3A_47 : i32
      %add3A_49 = arith.constant 3 : i32
      %add3A_50 = arith.addi %add3A_48, %add3A_49 : i32
      %mul3A_51 = arith.constant 96 : i32
      %mul3A_52 = arith.muli %add3A_50, %mul3A_51 : i32
      %add3A_53 = arith.addi %mul3A_2, %mul3A_52 : i32
      %dma_start3A_54 = tpu.memref_slice %arg4[%add3A_53] : memref<322560xi32, #tpu.memory_space<hbm>> -> memref<96xi32, #tpu.memory_space<hbm>>
      %dma_start3A_55 = tpu.memref_slice %arg4[%add3A_53] : memref<322560xi32, #tpu.memory_space<hbm>> -> memref<96xi32, #tpu.memory_space<hbm>>
      tpu.enqueue_dma source(%dma_start3A_55 : memref<96xi32, #tpu.memory_space<hbm>>) target(%arg8 : memref<96xi32, #tpu.memory_space<vmem>>) target_semaphore(%arg17 : memref<!tpu.dma_semaphore, #tpu.memory_space<semaphore_mem>>)
      %add3A_56 = arith.constant 1 : i32
      %add3A_57 = arith.addi %mul3A_39, %add3A_56 : i32
      %mul3A_58 = arith.constant 96 : i32
      %mul3A_59 = arith.muli %add3A_57, %mul3A_58 : i32
      %add3A_60 = arith.addi %mul3A_2, %mul3A_59 : i32
      %dma_wait3A_61 = tpu.memref_slice %arg4[%add3A_60] : memref<322560xi32, #tpu.memory_space<hbm>> -> memref<96xi32, #tpu.memory_space<hbm>>
      %dma_wait3A_62 = tpu.memref_slice %arg4[%add3A_60] : memref<322560xi32, #tpu.memory_space<hbm>> -> memref<96xi32, #tpu.memory_space<hbm>>
      tpu.wait_dma2 semaphore(%arg18 : memref<!tpu.dma_semaphore, #tpu.memory_space<semaphore_mem>>) src(%dma_wait3A_62 : memref<96xi32, #tpu.memory_space<hbm>>) dst(%arg9 : memref<96xi32, #tpu.memory_space<vmem>>)
      "tpu.region"() ({
        %run_scoped3A = tpu.sem_alloc : memref<!tpu.dma_semaphore, #tpu.memory_space<semaphore_mem>>
        %dma_start3A_88 = arith.constant 0 : i32
        %dma_start3A_89 = arith.constant 0 : i32
        %dma_start3A_90 = tpu.memref_slice %arg20[%dma_start3A_88, %dma_start3A_89] : memref<10112x128xf32, #tpu.memory_space<vmem_shared>> -> memref<10112x128xf32, #tpu.memory_space<vmem_shared>>
        tpu.enqueue_indirect_dma source(%arg11 : memref<96x128xf32, #tpu.memory_space<vmem>>) target(%dma_start3A_90 : memref<10112x128xf32, #tpu.memory_space<vmem_shared>>) offsets(%arg9 : memref<96xi32, #tpu.memory_space<vmem>>) semaphore(%run_scoped3A : memref<!tpu.dma_semaphore, #tpu.memory_space<semaphore_mem>>) {add = true}
        %dma_wait3A_91 = arith.constant 0 : i32
        %dma_wait3A_92 = arith.constant 0 : i32
        %dma_wait3A_93 = tpu.memref_slice %arg20[%dma_wait3A_91, %dma_wait3A_92] : memref<10112x128xf32, #tpu.memory_space<vmem_shared>> -> memref<10112x128xf32, #tpu.memory_space<vmem_shared>>
        tpu.wait_indirect_dma semaphore(%run_scoped3A : memref<!tpu.dma_semaphore, #tpu.memory_space<semaphore_mem>>) src(%arg11 : memref<96x128xf32, #tpu.memory_space<vmem>>) dst(%dma_wait3A_93 : memref<10112x128xf32, #tpu.memory_space<vmem_shared>>)
        tpu.yield
      }) : () -> ()
      %add3A_63 = arith.constant 1 : i32
      %add3A_64 = arith.addi %mul3A_39, %add3A_63 : i32
      %add3A_65 = arith.constant 3 : i32
      %add3A_66 = arith.addi %add3A_64, %add3A_65 : i32
      %mul3A_67 = arith.constant 96 : i32
      %mul3A_68 = arith.muli %add3A_66, %mul3A_67 : i32
      %add3A_69 = arith.addi %mul3A_2, %mul3A_68 : i32
      %dma_start3A_70 = tpu.memref_slice %arg4[%add3A_69] : memref<322560xi32, #tpu.memory_space<hbm>> -> memref<96xi32, #tpu.memory_space<hbm>>
      %dma_start3A_71 = tpu.memref_slice %arg4[%add3A_69] : memref<322560xi32, #tpu.memory_space<hbm>> -> memref<96xi32, #tpu.memory_space<hbm>>
      tpu.enqueue_dma source(%dma_start3A_71 : memref<96xi32, #tpu.memory_space<hbm>>) target(%arg9 : memref<96xi32, #tpu.memory_space<vmem>>) target_semaphore(%arg18 : memref<!tpu.dma_semaphore, #tpu.memory_space<semaphore_mem>>)
      %add3A_72 = arith.constant 2 : i32
      %add3A_73 = arith.addi %mul3A_39, %add3A_72 : i32
      %mul3A_74 = arith.constant 96 : i32
      %mul3A_75 = arith.muli %add3A_73, %mul3A_74 : i32
      %add3A_76 = arith.addi %mul3A_2, %mul3A_75 : i32
      %dma_wait3A_77 = tpu.memref_slice %arg4[%add3A_76] : memref<322560xi32, #tpu.memory_space<hbm>> -> memref<96xi32, #tpu.memory_space<hbm>>
      %dma_wait3A_78 = tpu.memref_slice %arg4[%add3A_76] : memref<322560xi32, #tpu.memory_space<hbm>> -> memref<96xi32, #tpu.memory_space<hbm>>
      tpu.wait_dma2 semaphore(%arg19 : memref<!tpu.dma_semaphore, #tpu.memory_space<semaphore_mem>>) src(%dma_wait3A_78 : memref<96xi32, #tpu.memory_space<hbm>>) dst(%arg10 : memref<96xi32, #tpu.memory_space<vmem>>)
      "tpu.region"() ({
        %run_scoped3A = tpu.sem_alloc : memref<!tpu.dma_semaphore, #tpu.memory_space<semaphore_mem>>
        %dma_start3A_88 = arith.constant 0 : i32
        %dma_start3A_89 = arith.constant 0 : i32
        %dma_start3A_90 = tpu.memref_slice %arg20[%dma_start3A_88, %dma_start3A_89] : memref<10112x128xf32, #tpu.memory_space<vmem_shared>> -> memref<10112x128xf32, #tpu.memory_space<vmem_shared>>
        tpu.enqueue_indirect_dma source(%arg11 : memref<96x128xf32, #tpu.memory_space<vmem>>) target(%dma_start3A_90 : memref<10112x128xf32, #tpu.memory_space<vmem_shared>>) offsets(%arg10 : memref<96xi32, #tpu.memory_space<vmem>>) semaphore(%run_scoped3A : memref<!tpu.dma_semaphore, #tpu.memory_space<semaphore_mem>>) {add = true}
        %dma_wait3A_91 = arith.constant 0 : i32
        %dma_wait3A_92 = arith.constant 0 : i32
        %dma_wait3A_93 = tpu.memref_slice %arg20[%dma_wait3A_91, %dma_wait3A_92] : memref<10112x128xf32, #tpu.memory_space<vmem_shared>> -> memref<10112x128xf32, #tpu.memory_space<vmem_shared>>
        tpu.wait_indirect_dma semaphore(%run_scoped3A : memref<!tpu.dma_semaphore, #tpu.memory_space<semaphore_mem>>) src(%arg11 : memref<96x128xf32, #tpu.memory_space<vmem>>) dst(%dma_wait3A_93 : memref<10112x128xf32, #tpu.memory_space<vmem_shared>>)
        tpu.yield
      }) : () -> ()
      %add3A_79 = arith.constant 2 : i32
      %add3A_80 = arith.addi %mul3A_39, %add3A_79 : i32
      %add3A_81 = arith.constant 3 : i32
      %add3A_82 = arith.addi %add3A_80, %add3A_81 : i32
      %mul3A_83 = arith.constant 96 : i32
      %mul3A_84 = arith.muli %add3A_82, %mul3A_83 : i32
      %add3A_85 = arith.addi %mul3A_2, %mul3A_84 : i32
      %dma_start3A_86 = tpu.memref_slice %arg4[%add3A_85] : memref<322560xi32, #tpu.memory_space<hbm>> -> memref<96xi32, #tpu.memory_space<hbm>>
      %dma_start3A_87 = tpu.memref_slice %arg4[%add3A_85] : memref<322560xi32, #tpu.memory_space<hbm>> -> memref<96xi32, #tpu.memory_space<hbm>>
      tpu.enqueue_dma source(%dma_start3A_87 : memref<96xi32, #tpu.memory_space<hbm>>) target(%arg10 : memref<96xi32, #tpu.memory_space<vmem>>) target_semaphore(%arg19 : memref<!tpu.dma_semaphore, #tpu.memory_space<semaphore_mem>>)
    }
    %scan3A_20 = arith.constant 34 : i32
    %add3A_21 = arith.constant 9792 : i32
    %add3A_22 = arith.addi %mul3A_2, %add3A_21 : i32
    %dma_wait3A = tpu.memref_slice %arg4[%add3A_22] : memref<322560xi32, #tpu.memory_space<hbm>> -> memref<96xi32, #tpu.memory_space<hbm>>
    %dma_wait3A_23 = tpu.memref_slice %arg4[%add3A_22] : memref<322560xi32, #tpu.memory_space<hbm>> -> memref<96xi32, #tpu.memory_space<hbm>>
    tpu.wait_dma2 semaphore(%arg17 : memref<!tpu.dma_semaphore, #tpu.memory_space<semaphore_mem>>) src(%dma_wait3A_23 : memref<96xi32, #tpu.memory_space<hbm>>) dst(%arg8 : memref<96xi32, #tpu.memory_space<vmem>>)
    "tpu.region"() ({
      %run_scoped3A = tpu.sem_alloc : memref<!tpu.dma_semaphore, #tpu.memory_space<semaphore_mem>>
      %dma_start3A_37 = arith.constant 0 : i32
      %dma_start3A_38 = arith.constant 0 : i32
      %dma_start3A_39 = tpu.memref_slice %arg20[%dma_start3A_37, %dma_start3A_38] : memref<10112x128xf32, #tpu.memory_space<vmem_shared>> -> memref<10112x128xf32, #tpu.memory_space<vmem_shared>>
      tpu.enqueue_indirect_dma source(%arg11 : memref<96x128xf32, #tpu.memory_space<vmem>>) target(%dma_start3A_39 : memref<10112x128xf32, #tpu.memory_space<vmem_shared>>) offsets(%arg8 : memref<96xi32, #tpu.memory_space<vmem>>) semaphore(%run_scoped3A : memref<!tpu.dma_semaphore, #tpu.memory_space<semaphore_mem>>) {add = true}
      %dma_wait3A_40 = arith.constant 0 : i32
      %dma_wait3A_41 = arith.constant 0 : i32
      %dma_wait3A_42 = tpu.memref_slice %arg20[%dma_wait3A_40, %dma_wait3A_41] : memref<10112x128xf32, #tpu.memory_space<vmem_shared>> -> memref<10112x128xf32, #tpu.memory_space<vmem_shared>>
      tpu.wait_indirect_dma semaphore(%run_scoped3A : memref<!tpu.dma_semaphore, #tpu.memory_space<semaphore_mem>>) src(%arg11 : memref<96x128xf32, #tpu.memory_space<vmem>>) dst(%dma_wait3A_42 : memref<10112x128xf32, #tpu.memory_space<vmem_shared>>)
      tpu.yield
    }) : () -> ()
    %add3A_24 = arith.constant 9888 : i32
    %add3A_25 = arith.addi %mul3A_2, %add3A_24 : i32
    %dma_wait3A_26 = tpu.memref_slice %arg4[%add3A_25] : memref<322560xi32, #tpu.memory_space<hbm>> -> memref<96xi32, #tpu.memory_space<hbm>>
    %dma_wait3A_27 = tpu.memref_slice %arg4[%add3A_25] : memref<322560xi32, #tpu.memory_space<hbm>> -> memref<96xi32, #tpu.memory_space<hbm>>
    tpu.wait_dma2 semaphore(%arg18 : memref<!tpu.dma_semaphore, #tpu.memory_space<semaphore_mem>>) src(%dma_wait3A_27 : memref<96xi32, #tpu.memory_space<hbm>>) dst(%arg9 : memref<96xi32, #tpu.memory_space<vmem>>)
    "tpu.region"() ({
      %run_scoped3A = tpu.sem_alloc : memref<!tpu.dma_semaphore, #tpu.memory_space<semaphore_mem>>
      %dma_start3A_37 = arith.constant 0 : i32
      %dma_start3A_38 = arith.constant 0 : i32
      %dma_start3A_39 = tpu.memref_slice %arg20[%dma_start3A_37, %dma_start3A_38] : memref<10112x128xf32, #tpu.memory_space<vmem_shared>> -> memref<10112x128xf32, #tpu.memory_space<vmem_shared>>
      tpu.enqueue_indirect_dma source(%arg11 : memref<96x128xf32, #tpu.memory_space<vmem>>) target(%dma_start3A_39 : memref<10112x128xf32, #tpu.memory_space<vmem_shared>>) offsets(%arg9 : memref<96xi32, #tpu.memory_space<vmem>>) semaphore(%run_scoped3A : memref<!tpu.dma_semaphore, #tpu.memory_space<semaphore_mem>>) {add = true}
      %dma_wait3A_40 = arith.constant 0 : i32
      %dma_wait3A_41 = arith.constant 0 : i32
      %dma_wait3A_42 = tpu.memref_slice %arg20[%dma_wait3A_40, %dma_wait3A_41] : memref<10112x128xf32, #tpu.memory_space<vmem_shared>> -> memref<10112x128xf32, #tpu.memory_space<vmem_shared>>
      tpu.wait_indirect_dma semaphore(%run_scoped3A : memref<!tpu.dma_semaphore, #tpu.memory_space<semaphore_mem>>) src(%arg11 : memref<96x128xf32, #tpu.memory_space<vmem>>) dst(%dma_wait3A_42 : memref<10112x128xf32, #tpu.memory_space<vmem_shared>>)
      tpu.yield
    }) : () -> ()
    %add3A_28 = arith.constant 9984 : i32
    %add3A_29 = arith.addi %mul3A_2, %add3A_28 : i32
    %dma_wait3A_30 = tpu.memref_slice %arg4[%add3A_29] : memref<322560xi32, #tpu.memory_space<hbm>> -> memref<96xi32, #tpu.memory_space<hbm>>
    %dma_wait3A_31 = tpu.memref_slice %arg4[%add3A_29] : memref<322560xi32, #tpu.memory_space<hbm>> -> memref<96xi32, #tpu.memory_space<hbm>>
    tpu.wait_dma2 semaphore(%arg19 : memref<!tpu.dma_semaphore, #tpu.memory_space<semaphore_mem>>) src(%dma_wait3A_31 : memref<96xi32, #tpu.memory_space<hbm>>) dst(%arg10 : memref<96xi32, #tpu.memory_space<vmem>>)
    "tpu.region"() ({
      %run_scoped3A = tpu.sem_alloc : memref<!tpu.dma_semaphore, #tpu.memory_space<semaphore_mem>>
      %dma_start3A_37 = arith.constant 0 : i32
      %dma_start3A_38 = arith.constant 0 : i32
      %dma_start3A_39 = tpu.memref_slice %arg20[%dma_start3A_37, %dma_start3A_38] : memref<10112x128xf32, #tpu.memory_space<vmem_shared>> -> memref<10112x128xf32, #tpu.memory_space<vmem_shared>>
      tpu.enqueue_indirect_dma source(%arg11 : memref<96x128xf32, #tpu.memory_space<vmem>>) target(%dma_start3A_39 : memref<10112x128xf32, #tpu.memory_space<vmem_shared>>) offsets(%arg10 : memref<96xi32, #tpu.memory_space<vmem>>) semaphore(%run_scoped3A : memref<!tpu.dma_semaphore, #tpu.memory_space<semaphore_mem>>) {add = true}
      %dma_wait3A_40 = arith.constant 0 : i32
      %dma_wait3A_41 = arith.constant 0 : i32
      %dma_wait3A_42 = tpu.memref_slice %arg20[%dma_wait3A_40, %dma_wait3A_41] : memref<10112x128xf32, #tpu.memory_space<vmem_shared>> -> memref<10112x128xf32, #tpu.memory_space<vmem_shared>>
      tpu.wait_indirect_dma semaphore(%run_scoped3A : memref<!tpu.dma_semaphore, #tpu.memory_space<semaphore_mem>>) src(%arg11 : memref<96x128xf32, #tpu.memory_space<vmem>>) dst(%dma_wait3A_42 : memref<10112x128xf32, #tpu.memory_space<vmem_shared>>)
      tpu.yield
    }) : () -> ()
    %barrier3A_32 = arith.constant 0 : index
    tpu.barrier barrier_id(%barrier3A_32)
    %mul3A_33 = arith.constant 632 : i32
    %mul3A_34 = arith.muli %arg1, %mul3A_33 : i32
    %mul3A_35 = arith.constant 632 : i32
    %mul3A_36 = arith.muli %arg1, %mul3A_35 : i32
    "tpu.region"() ({
      %run_scoped3A = tpu.sem_alloc : memref<!tpu.dma_semaphore, #tpu.memory_space<semaphore_mem>>
      %dma_start3A_37 = arith.constant 0 : i32
      %dma_start3A_38 = tpu.memref_slice %arg6[%arg0, %mul3A_36, %dma_start3A_37] : memref<2x10112x128xf32, #tpu.memory_space<hbm>> -> memref<1x632x128xf32, #tpu.memory_space<hbm>>
      %dma_start3A_39 = tpu.memref_squeeze %dma_start3A_38 : memref<1x632x128xf32, #tpu.memory_space<hbm>> -> memref<632x128xf32, #tpu.memory_space<hbm>>
      %dma_start3A_40 = arith.constant 0 : i32
      %dma_start3A_41 = tpu.memref_slice %arg20[%mul3A_34, %dma_start3A_40] : memref<10112x128xf32, #tpu.memory_space<vmem_shared>> -> memref<632x128xf32, #tpu.memory_space<vmem_shared>>
      tpu.enqueue_dma source(%dma_start3A_41 : memref<632x128xf32, #tpu.memory_space<vmem_shared>>) target(%dma_start3A_39 : memref<632x128xf32, #tpu.memory_space<hbm>>) target_semaphore(%run_scoped3A : memref<!tpu.dma_semaphore, #tpu.memory_space<semaphore_mem>>)
      %dma_wait3A_42 = arith.constant 0 : i32
      %dma_wait3A_43 = tpu.memref_slice %arg6[%arg0, %mul3A_36, %dma_wait3A_42] : memref<2x10112x128xf32, #tpu.memory_space<hbm>> -> memref<1x632x128xf32, #tpu.memory_space<hbm>>
      %dma_wait3A_44 = tpu.memref_squeeze %dma_wait3A_43 : memref<1x632x128xf32, #tpu.memory_space<hbm>> -> memref<632x128xf32, #tpu.memory_space<hbm>>
      %dma_wait3A_45 = arith.constant 0 : i32
      %dma_wait3A_46 = tpu.memref_slice %arg20[%mul3A_34, %dma_wait3A_45] : memref<10112x128xf32, #tpu.memory_space<vmem_shared>> -> memref<632x128xf32, #tpu.memory_space<vmem_shared>>
      tpu.wait_dma2 semaphore(%run_scoped3A : memref<!tpu.dma_semaphore, #tpu.memory_space<semaphore_mem>>) src(%dma_wait3A_46 : memref<632x128xf32, #tpu.memory_space<vmem_shared>>) dst(%dma_wait3A_44 : memref<632x128xf32, #tpu.memory_space<hbm>>)
      tpu.yield
    }) : () -> ()
    return
  }
}

#map = affine_map<(d0, d1) -> (0, 0)>
#map1 = affine_map<(d0, d1) -> (0)>
#map2 = affine_map<(d0, d1) -> (0, 0, 0)>
module attributes {stable_mosaic.version = 14 : i64} {
  func.func @k(%arg0: i32, %arg1: i32, %arg2: memref<10000x128xf32, #tpu.memory_space<hbm>>, %arg3: memref<322560xi32, #tpu.memory_space<hbm>>, %arg4: memref<322560xi32, #tpu.memory_space<hbm>>, %arg5: memref<632x128xf32, #tpu.memory_space<hbm>>, %arg6: memref<2x10112x128xf32, #tpu.memory_space<hbm>>, %arg7: memref<10080xi32, #tpu.memory_space<vmem>>, %arg8: memref<96xi32, #tpu.memory_space<vmem>>, %arg9: memref<96xi32, #tpu.memory_space<vmem>>, %arg10: memref<96xi32, #tpu.memory_space<vmem>>, %arg11: memref<96x128xf32, #tpu.memory_space<vmem>>, %arg12: memref<96x128xf32, #tpu.memory_space<vmem>>, %arg13: memref<96x128xf32, #tpu.memory_space<vmem>>, %arg14: memref<!tpu.dma_semaphore, #tpu.memory_space<semaphore_mem>>, %arg15: memref<!tpu.dma_semaphore, #tpu.memory_space<semaphore_mem>>, %arg16: memref<!tpu.dma_semaphore, #tpu.memory_space<semaphore_mem>>, %arg17: memref<!tpu.dma_semaphore, #tpu.memory_space<semaphore_mem>>, %arg18: memref<!tpu.dma_semaphore, #tpu.memory_space<semaphore_mem>>, %arg19: memref<!tpu.dma_semaphore, #tpu.memory_space<semaphore_mem>>, %arg20: memref<10112x128xf32, #tpu.memory_space<vmem_shared>>) attributes {dimension_semantics = [#tpu.dimension_semantics<core_parallel>, #tpu.dimension_semantics<subcore_parallel>], iteration_bounds = array<i64: 2, 16>, scalar_prefetch = 0 : i64, scratch_operands = 14 : i64, tpu.core_type = #tpu.core_type<sc_vector_subcore>, window_params = [{transform_indices = #map}, {transform_indices = #map1}, {transform_indices = #map1}, {transform_indices = #map}, {transform_indices = #map2}]} {
    %mul3A = arith.constant 16 : i32
    %mul3A_0 = arith.muli %arg0, %mul3A : i32
    %add3A = arith.addi %mul3A_0, %arg1 : i32
    %mul3A_1 = arith.constant 10080 : i32
    %mul3A_2 = arith.muli %add3A, %mul3A_1 : i32
    %mul3A_3 = arith.constant 632 : i32
    %mul3A_4 = arith.muli %arg1, %mul3A_3 : i32
    "tpu.region"() ({
      %run_scoped3A = tpu.sem_alloc : memref<!tpu.dma_semaphore, #tpu.memory_space<semaphore_mem>>
      %dma_start3A_67 = arith.constant 0 : i32
      %dma_start3A_68 = tpu.memref_slice %arg20[%mul3A_4, %dma_start3A_67] : memref<10112x128xf32, #tpu.memory_space<vmem_shared>> -> memref<632x128xf32, #tpu.memory_space<vmem_shared>>
      tpu.enqueue_dma source(%arg5 : memref<632x128xf32, #tpu.memory_space<hbm>>) target(%dma_start3A_68 : memref<632x128xf32, #tpu.memory_space<vmem_shared>>) target_semaphore(%run_scoped3A : memref<!tpu.dma_semaphore, #tpu.memory_space<semaphore_mem>>)
      %dma_wait3A_69 = arith.constant 0 : i32
      %dma_wait3A_70 = tpu.memref_slice %arg20[%mul3A_4, %dma_wait3A_69] : memref<10112x128xf32, #tpu.memory_space<vmem_shared>> -> memref<632x128xf32, #tpu.memory_space<vmem_shared>>
      tpu.wait_dma2 semaphore(%run_scoped3A : memref<!tpu.dma_semaphore, #tpu.memory_space<semaphore_mem>>) src(%arg5 : memref<632x128xf32, #tpu.memory_space<hbm>>) dst(%dma_wait3A_70 : memref<632x128xf32, #tpu.memory_space<vmem_shared>>)
      tpu.yield
    }) : () -> ()
    "tpu.region"() ({
      %run_scoped3A = tpu.sem_alloc : memref<!tpu.dma_semaphore, #tpu.memory_space<semaphore_mem>>
      %dma_start3A_67 = tpu.memref_slice %arg3[%mul3A_2] : memref<322560xi32, #tpu.memory_space<hbm>> -> memref<10080xi32, #tpu.memory_space<hbm>>
      %dma_start3A_68 = tpu.memref_slice %arg3[%mul3A_2] : memref<322560xi32, #tpu.memory_space<hbm>> -> memref<10080xi32, #tpu.memory_space<hbm>>
      tpu.enqueue_dma source(%dma_start3A_68 : memref<10080xi32, #tpu.memory_space<hbm>>) target(%arg7 : memref<10080xi32, #tpu.memory_space<vmem>>) target_semaphore(%run_scoped3A : memref<!tpu.dma_semaphore, #tpu.memory_space<semaphore_mem>>)
      %dma_wait3A_69 = tpu.memref_slice %arg3[%mul3A_2] : memref<322560xi32, #tpu.memory_space<hbm>> -> memref<10080xi32, #tpu.memory_space<hbm>>
      %dma_wait3A_70 = tpu.memref_slice %arg3[%mul3A_2] : memref<322560xi32, #tpu.memory_space<hbm>> -> memref<10080xi32, #tpu.memory_space<hbm>>
      tpu.wait_dma2 semaphore(%run_scoped3A : memref<!tpu.dma_semaphore, #tpu.memory_space<semaphore_mem>>) src(%dma_wait3A_70 : memref<10080xi32, #tpu.memory_space<hbm>>) dst(%arg7 : memref<10080xi32, #tpu.memory_space<vmem>>)
      tpu.yield
    }) : () -> ()
    %add3A_5 = arith.constant 0 : i32
    %add3A_6 = arith.addi %mul3A_2, %add3A_5 : i32
    %dma_start3A = tpu.memref_slice %arg4[%add3A_6] : memref<322560xi32, #tpu.memory_space<hbm>> -> memref<96xi32, #tpu.memory_space<hbm>>
    %dma_start3A_7 = tpu.memref_slice %arg4[%add3A_6] : memref<322560xi32, #tpu.memory_space<hbm>> -> memref<96xi32, #tpu.memory_space<hbm>>
    tpu.enqueue_dma source(%dma_start3A_7 : memref<96xi32, #tpu.memory_space<hbm>>) target(%arg8 : memref<96xi32, #tpu.memory_space<vmem>>) target_semaphore(%arg17 : memref<!tpu.dma_semaphore, #tpu.memory_space<semaphore_mem>>)
    %dma_start3A_8 = arith.constant 0 : i32
    %dma_start3A_9 = tpu.memref_slice %arg7[%dma_start3A_8] : memref<10080xi32, #tpu.memory_space<vmem>> -> memref<96xi32, #tpu.memory_space<vmem>>
    %dma_start3A_10 = arith.constant 0 : i32
    %dma_start3A_11 = arith.constant 0 : i32
    %dma_start3A_12 = tpu.memref_slice %arg2[%dma_start3A_10, %dma_start3A_11] : memref<10000x128xf32, #tpu.memory_space<hbm>> -> memref<10000x128xf32, #tpu.memory_space<hbm>>
    tpu.enqueue_indirect_dma source(%dma_start3A_12 : memref<10000x128xf32, #tpu.memory_space<hbm>>) target(%arg11 : memref<96x128xf32, #tpu.memory_space<vmem>>) offsets(%dma_start3A_9 : memref<96xi32, #tpu.memory_space<vmem>>) semaphore(%arg14 : memref<!tpu.dma_semaphore, #tpu.memory_space<semaphore_mem>>)
    %add3A_13 = arith.constant 96 : i32
    %add3A_14 = arith.addi %mul3A_2, %add3A_13 : i32
    %dma_start3A_15 = tpu.memref_slice %arg4[%add3A_14] : memref<322560xi32, #tpu.memory_space<hbm>> -> memref<96xi32, #tpu.memory_space<hbm>>
    %dma_start3A_16 = tpu.memref_slice %arg4[%add3A_14] : memref<322560xi32, #tpu.memory_space<hbm>> -> memref<96xi32, #tpu.memory_space<hbm>>
    tpu.enqueue_dma source(%dma_start3A_16 : memref<96xi32, #tpu.memory_space<hbm>>) target(%arg9 : memref<96xi32, #tpu.memory_space<vmem>>) target_semaphore(%arg18 : memref<!tpu.dma_semaphore, #tpu.memory_space<semaphore_mem>>)
    %dma_start3A_17 = arith.constant 96 : i32
    %dma_start3A_18 = tpu.memref_slice %arg7[%dma_start3A_17] : memref<10080xi32, #tpu.memory_space<vmem>> -> memref<96xi32, #tpu.memory_space<vmem>>
    %dma_start3A_19 = arith.constant 0 : i32
    %dma_start3A_20 = arith.constant 0 : i32
    %dma_start3A_21 = tpu.memref_slice %arg2[%dma_start3A_19, %dma_start3A_20] : memref<10000x128xf32, #tpu.memory_space<hbm>> -> memref<10000x128xf32, #tpu.memory_space<hbm>>
    tpu.enqueue_indirect_dma source(%dma_start3A_21 : memref<10000x128xf32, #tpu.memory_space<hbm>>) target(%arg12 : memref<96x128xf32, #tpu.memory_space<vmem>>) offsets(%dma_start3A_18 : memref<96xi32, #tpu.memory_space<vmem>>) semaphore(%arg15 : memref<!tpu.dma_semaphore, #tpu.memory_space<semaphore_mem>>)
    %add3A_22 = arith.constant 192 : i32
    %add3A_23 = arith.addi %mul3A_2, %add3A_22 : i32
    %dma_start3A_24 = tpu.memref_slice %arg4[%add3A_23] : memref<322560xi32, #tpu.memory_space<hbm>> -> memref<96xi32, #tpu.memory_space<hbm>>
    %dma_start3A_25 = tpu.memref_slice %arg4[%add3A_23] : memref<322560xi32, #tpu.memory_space<hbm>> -> memref<96xi32, #tpu.memory_space<hbm>>
    tpu.enqueue_dma source(%dma_start3A_25 : memref<96xi32, #tpu.memory_space<hbm>>) target(%arg10 : memref<96xi32, #tpu.memory_space<vmem>>) target_semaphore(%arg19 : memref<!tpu.dma_semaphore, #tpu.memory_space<semaphore_mem>>)
    %dma_start3A_26 = arith.constant 192 : i32
    %dma_start3A_27 = tpu.memref_slice %arg7[%dma_start3A_26] : memref<10080xi32, #tpu.memory_space<vmem>> -> memref<96xi32, #tpu.memory_space<vmem>>
    %dma_start3A_28 = arith.constant 0 : i32
    %dma_start3A_29 = arith.constant 0 : i32
    %dma_start3A_30 = tpu.memref_slice %arg2[%dma_start3A_28, %dma_start3A_29] : memref<10000x128xf32, #tpu.memory_space<hbm>> -> memref<10000x128xf32, #tpu.memory_space<hbm>>
    tpu.enqueue_indirect_dma source(%dma_start3A_30 : memref<10000x128xf32, #tpu.memory_space<hbm>>) target(%arg13 : memref<96x128xf32, #tpu.memory_space<vmem>>) offsets(%dma_start3A_27 : memref<96xi32, #tpu.memory_space<vmem>>) semaphore(%arg16 : memref<!tpu.dma_semaphore, #tpu.memory_space<semaphore_mem>>)
    %barrier3A = arith.constant 0 : index
    tpu.barrier barrier_id(%barrier3A)
    %scan3A = arith.constant 0 : i32
    %scan3A_31 = arith.constant 0 : i32
    %scan3A_32 = arith.constant 34 : i32
    %scan3A_33 = arith.addi %scan3A_31, %scan3A_32 : i32
    %scan3A_34 = arith.constant 1 : i32
    scf.for %scan3A_67 = %scan3A_31 to %scan3A_33 step %scan3A_34  : i32 {
      %mul3A_68 = arith.constant 3 : i32
      %mul3A_69 = arith.muli %mul3A_68, %scan3A_67 : i32
      %add3A_70 = arith.constant 0 : i32
      %add3A_71 = arith.addi %mul3A_69, %add3A_70 : i32
      %mul3A_72 = arith.constant 96 : i32
      %mul3A_73 = arith.muli %add3A_71, %mul3A_72 : i32
      %dma_wait3A_74 = tpu.memref_slice %arg7[%mul3A_73] : memref<10080xi32, #tpu.memory_space<vmem>> -> memref<96xi32, #tpu.memory_space<vmem>>
      %dma_wait3A_75 = arith.constant 0 : i32
      %dma_wait3A_76 = arith.constant 0 : i32
      %dma_wait3A_77 = tpu.memref_slice %arg2[%dma_wait3A_75, %dma_wait3A_76] : memref<10000x128xf32, #tpu.memory_space<hbm>> -> memref<10000x128xf32, #tpu.memory_space<hbm>>
      tpu.wait_indirect_dma semaphore(%arg14 : memref<!tpu.dma_semaphore, #tpu.memory_space<semaphore_mem>>) src(%dma_wait3A_77 : memref<10000x128xf32, #tpu.memory_space<hbm>>) dst(%arg11 : memref<96x128xf32, #tpu.memory_space<vmem>>)
      %add3A_78 = arith.constant 0 : i32
      %add3A_79 = arith.addi %mul3A_69, %add3A_78 : i32
      %mul3A_80 = arith.constant 96 : i32
      %mul3A_81 = arith.muli %add3A_79, %mul3A_80 : i32
      %add3A_82 = arith.addi %mul3A_2, %mul3A_81 : i32
      %dma_wait3A_83 = tpu.memref_slice %arg4[%add3A_82] : memref<322560xi32, #tpu.memory_space<hbm>> -> memref<96xi32, #tpu.memory_space<hbm>>
      %dma_wait3A_84 = tpu.memref_slice %arg4[%add3A_82] : memref<322560xi32, #tpu.memory_space<hbm>> -> memref<96xi32, #tpu.memory_space<hbm>>
      tpu.wait_dma2 semaphore(%arg17 : memref<!tpu.dma_semaphore, #tpu.memory_space<semaphore_mem>>) src(%dma_wait3A_84 : memref<96xi32, #tpu.memory_space<hbm>>) dst(%arg8 : memref<96xi32, #tpu.memory_space<vmem>>)
      "tpu.region"() ({
        %run_scoped3A = tpu.sem_alloc : memref<!tpu.dma_semaphore, #tpu.memory_space<semaphore_mem>>
        %dma_start3A_172 = arith.constant 0 : i32
        %dma_start3A_173 = arith.constant 0 : i32
        %dma_start3A_174 = tpu.memref_slice %arg20[%dma_start3A_172, %dma_start3A_173] : memref<10112x128xf32, #tpu.memory_space<vmem_shared>> -> memref<10112x128xf32, #tpu.memory_space<vmem_shared>>
        tpu.enqueue_indirect_dma source(%arg11 : memref<96x128xf32, #tpu.memory_space<vmem>>) target(%dma_start3A_174 : memref<10112x128xf32, #tpu.memory_space<vmem_shared>>) offsets(%arg8 : memref<96xi32, #tpu.memory_space<vmem>>) semaphore(%run_scoped3A : memref<!tpu.dma_semaphore, #tpu.memory_space<semaphore_mem>>) {add = true}
        %dma_wait3A_175 = arith.constant 0 : i32
        %dma_wait3A_176 = arith.constant 0 : i32
        %dma_wait3A_177 = tpu.memref_slice %arg20[%dma_wait3A_175, %dma_wait3A_176] : memref<10112x128xf32, #tpu.memory_space<vmem_shared>> -> memref<10112x128xf32, #tpu.memory_space<vmem_shared>>
        tpu.wait_indirect_dma semaphore(%run_scoped3A : memref<!tpu.dma_semaphore, #tpu.memory_space<semaphore_mem>>) src(%arg11 : memref<96x128xf32, #tpu.memory_space<vmem>>) dst(%dma_wait3A_177 : memref<10112x128xf32, #tpu.memory_space<vmem_shared>>)
        tpu.yield
      }) : () -> ()
      %add3A_85 = arith.constant 0 : i32
      %add3A_86 = arith.addi %mul3A_69, %add3A_85 : i32
      %add3A_87 = arith.constant 3 : i32
      %add3A_88 = arith.addi %add3A_86, %add3A_87 : i32
      %mul3A_89 = arith.constant 96 : i32
      %mul3A_90 = arith.muli %add3A_88, %mul3A_89 : i32
      %dma_start3A_91 = tpu.memref_slice %arg7[%mul3A_90] : memref<10080xi32, #tpu.memory_space<vmem>> -> memref<96xi32, #tpu.memory_space<vmem>>
      %dma_start3A_92 = arith.constant 0 : i32
      %dma_start3A_93 = arith.constant 0 : i32
      %dma_start3A_94 = tpu.memref_slice %arg2[%dma_start3A_92, %dma_start3A_93] : memref<10000x128xf32, #tpu.memory_space<hbm>> -> memref<10000x128xf32, #tpu.memory_space<hbm>>
      tpu.enqueue_indirect_dma source(%dma_start3A_94 : memref<10000x128xf32, #tpu.memory_space<hbm>>) target(%arg11 : memref<96x128xf32, #tpu.memory_space<vmem>>) offsets(%dma_start3A_91 : memref<96xi32, #tpu.memory_space<vmem>>) semaphore(%arg14 : memref<!tpu.dma_semaphore, #tpu.memory_space<semaphore_mem>>)
      %add3A_95 = arith.constant 0 : i32
      %add3A_96 = arith.addi %mul3A_69, %add3A_95 : i32
      %add3A_97 = arith.constant 3 : i32
      %add3A_98 = arith.addi %add3A_96, %add3A_97 : i32
      %mul3A_99 = arith.constant 96 : i32
      %mul3A_100 = arith.muli %add3A_98, %mul3A_99 : i32
      %add3A_101 = arith.addi %mul3A_2, %mul3A_100 : i32
      %dma_start3A_102 = tpu.memref_slice %arg4[%add3A_101] : memref<322560xi32, #tpu.memory_space<hbm>> -> memref<96xi32, #tpu.memory_space<hbm>>
      %dma_start3A_103 = tpu.memref_slice %arg4[%add3A_101] : memref<322560xi32, #tpu.memory_space<hbm>> -> memref<96xi32, #tpu.memory_space<hbm>>
      tpu.enqueue_dma source(%dma_start3A_103 : memref<96xi32, #tpu.memory_space<hbm>>) target(%arg8 : memref<96xi32, #tpu.memory_space<vmem>>) target_semaphore(%arg17 : memref<!tpu.dma_semaphore, #tpu.memory_space<semaphore_mem>>)
      %add3A_104 = arith.constant 1 : i32
      %add3A_105 = arith.addi %mul3A_69, %add3A_104 : i32
      %mul3A_106 = arith.constant 96 : i32
      %mul3A_107 = arith.muli %add3A_105, %mul3A_106 : i32
      %dma_wait3A_108 = tpu.memref_slice %arg7[%mul3A_107] : memref<10080xi32, #tpu.memory_space<vmem>> -> memref<96xi32, #tpu.memory_space<vmem>>
      %dma_wait3A_109 = arith.constant 0 : i32
      %dma_wait3A_110 = arith.constant 0 : i32
      %dma_wait3A_111 = tpu.memref_slice %arg2[%dma_wait3A_109, %dma_wait3A_110] : memref<10000x128xf32, #tpu.memory_space<hbm>> -> memref<10000x128xf32, #tpu.memory_space<hbm>>
      tpu.wait_indirect_dma semaphore(%arg15 : memref<!tpu.dma_semaphore, #tpu.memory_space<semaphore_mem>>) src(%dma_wait3A_111 : memref<10000x128xf32, #tpu.memory_space<hbm>>) dst(%arg12 : memref<96x128xf32, #tpu.memory_space<vmem>>)
      %add3A_112 = arith.constant 1 : i32
      %add3A_113 = arith.addi %mul3A_69, %add3A_112 : i32
      %mul3A_114 = arith.constant 96 : i32
      %mul3A_115 = arith.muli %add3A_113, %mul3A_114 : i32
      %add3A_116 = arith.addi %mul3A_2, %mul3A_115 : i32
      %dma_wait3A_117 = tpu.memref_slice %arg4[%add3A_116] : memref<322560xi32, #tpu.memory_space<hbm>> -> memref<96xi32, #tpu.memory_space<hbm>>
      %dma_wait3A_118 = tpu.memref_slice %arg4[%add3A_116] : memref<322560xi32, #tpu.memory_space<hbm>> -> memref<96xi32, #tpu.memory_space<hbm>>
      tpu.wait_dma2 semaphore(%arg18 : memref<!tpu.dma_semaphore, #tpu.memory_space<semaphore_mem>>) src(%dma_wait3A_118 : memref<96xi32, #tpu.memory_space<hbm>>) dst(%arg9 : memref<96xi32, #tpu.memory_space<vmem>>)
      "tpu.region"() ({
        %run_scoped3A = tpu.sem_alloc : memref<!tpu.dma_semaphore, #tpu.memory_space<semaphore_mem>>
        %dma_start3A_172 = arith.constant 0 : i32
        %dma_start3A_173 = arith.constant 0 : i32
        %dma_start3A_174 = tpu.memref_slice %arg20[%dma_start3A_172, %dma_start3A_173] : memref<10112x128xf32, #tpu.memory_space<vmem_shared>> -> memref<10112x128xf32, #tpu.memory_space<vmem_shared>>
        tpu.enqueue_indirect_dma source(%arg12 : memref<96x128xf32, #tpu.memory_space<vmem>>) target(%dma_start3A_174 : memref<10112x128xf32, #tpu.memory_space<vmem_shared>>) offsets(%arg9 : memref<96xi32, #tpu.memory_space<vmem>>) semaphore(%run_scoped3A : memref<!tpu.dma_semaphore, #tpu.memory_space<semaphore_mem>>) {add = true}
        %dma_wait3A_175 = arith.constant 0 : i32
        %dma_wait3A_176 = arith.constant 0 : i32
        %dma_wait3A_177 = tpu.memref_slice %arg20[%dma_wait3A_175, %dma_wait3A_176] : memref<10112x128xf32, #tpu.memory_space<vmem_shared>> -> memref<10112x128xf32, #tpu.memory_space<vmem_shared>>
        tpu.wait_indirect_dma semaphore(%run_scoped3A : memref<!tpu.dma_semaphore, #tpu.memory_space<semaphore_mem>>) src(%arg12 : memref<96x128xf32, #tpu.memory_space<vmem>>) dst(%dma_wait3A_177 : memref<10112x128xf32, #tpu.memory_space<vmem_shared>>)
        tpu.yield
      }) : () -> ()
      %add3A_119 = arith.constant 1 : i32
      %add3A_120 = arith.addi %mul3A_69, %add3A_119 : i32
      %add3A_121 = arith.constant 3 : i32
      %add3A_122 = arith.addi %add3A_120, %add3A_121 : i32
      %mul3A_123 = arith.constant 96 : i32
      %mul3A_124 = arith.muli %add3A_122, %mul3A_123 : i32
      %dma_start3A_125 = tpu.memref_slice %arg7[%mul3A_124] : memref<10080xi32, #tpu.memory_space<vmem>> -> memref<96xi32, #tpu.memory_space<vmem>>
      %dma_start3A_126 = arith.constant 0 : i32
      %dma_start3A_127 = arith.constant 0 : i32
      %dma_start3A_128 = tpu.memref_slice %arg2[%dma_start3A_126, %dma_start3A_127] : memref<10000x128xf32, #tpu.memory_space<hbm>> -> memref<10000x128xf32, #tpu.memory_space<hbm>>
      tpu.enqueue_indirect_dma source(%dma_start3A_128 : memref<10000x128xf32, #tpu.memory_space<hbm>>) target(%arg12 : memref<96x128xf32, #tpu.memory_space<vmem>>) offsets(%dma_start3A_125 : memref<96xi32, #tpu.memory_space<vmem>>) semaphore(%arg15 : memref<!tpu.dma_semaphore, #tpu.memory_space<semaphore_mem>>)
      %add3A_129 = arith.constant 1 : i32
      %add3A_130 = arith.addi %mul3A_69, %add3A_129 : i32
      %add3A_131 = arith.constant 3 : i32
      %add3A_132 = arith.addi %add3A_130, %add3A_131 : i32
      %mul3A_133 = arith.constant 96 : i32
      %mul3A_134 = arith.muli %add3A_132, %mul3A_133 : i32
      %add3A_135 = arith.addi %mul3A_2, %mul3A_134 : i32
      %dma_start3A_136 = tpu.memref_slice %arg4[%add3A_135] : memref<322560xi32, #tpu.memory_space<hbm>> -> memref<96xi32, #tpu.memory_space<hbm>>
      %dma_start3A_137 = tpu.memref_slice %arg4[%add3A_135] : memref<322560xi32, #tpu.memory_space<hbm>> -> memref<96xi32, #tpu.memory_space<hbm>>
      tpu.enqueue_dma source(%dma_start3A_137 : memref<96xi32, #tpu.memory_space<hbm>>) target(%arg9 : memref<96xi32, #tpu.memory_space<vmem>>) target_semaphore(%arg18 : memref<!tpu.dma_semaphore, #tpu.memory_space<semaphore_mem>>)
      %add3A_138 = arith.constant 2 : i32
      %add3A_139 = arith.addi %mul3A_69, %add3A_138 : i32
      %mul3A_140 = arith.constant 96 : i32
      %mul3A_141 = arith.muli %add3A_139, %mul3A_140 : i32
      %dma_wait3A_142 = tpu.memref_slice %arg7[%mul3A_141] : memref<10080xi32, #tpu.memory_space<vmem>> -> memref<96xi32, #tpu.memory_space<vmem>>
      %dma_wait3A_143 = arith.constant 0 : i32
      %dma_wait3A_144 = arith.constant 0 : i32
      %dma_wait3A_145 = tpu.memref_slice %arg2[%dma_wait3A_143, %dma_wait3A_144] : memref<10000x128xf32, #tpu.memory_space<hbm>> -> memref<10000x128xf32, #tpu.memory_space<hbm>>
      tpu.wait_indirect_dma semaphore(%arg16 : memref<!tpu.dma_semaphore, #tpu.memory_space<semaphore_mem>>) src(%dma_wait3A_145 : memref<10000x128xf32, #tpu.memory_space<hbm>>) dst(%arg13 : memref<96x128xf32, #tpu.memory_space<vmem>>)
      %add3A_146 = arith.constant 2 : i32
      %add3A_147 = arith.addi %mul3A_69, %add3A_146 : i32
      %mul3A_148 = arith.constant 96 : i32
      %mul3A_149 = arith.muli %add3A_147, %mul3A_148 : i32
      %add3A_150 = arith.addi %mul3A_2, %mul3A_149 : i32
      %dma_wait3A_151 = tpu.memref_slice %arg4[%add3A_150] : memref<322560xi32, #tpu.memory_space<hbm>> -> memref<96xi32, #tpu.memory_space<hbm>>
      %dma_wait3A_152 = tpu.memref_slice %arg4[%add3A_150] : memref<322560xi32, #tpu.memory_space<hbm>> -> memref<96xi32, #tpu.memory_space<hbm>>
      tpu.wait_dma2 semaphore(%arg19 : memref<!tpu.dma_semaphore, #tpu.memory_space<semaphore_mem>>) src(%dma_wait3A_152 : memref<96xi32, #tpu.memory_space<hbm>>) dst(%arg10 : memref<96xi32, #tpu.memory_space<vmem>>)
      "tpu.region"() ({
        %run_scoped3A = tpu.sem_alloc : memref<!tpu.dma_semaphore, #tpu.memory_space<semaphore_mem>>
        %dma_start3A_172 = arith.constant 0 : i32
        %dma_start3A_173 = arith.constant 0 : i32
        %dma_start3A_174 = tpu.memref_slice %arg20[%dma_start3A_172, %dma_start3A_173] : memref<10112x128xf32, #tpu.memory_space<vmem_shared>> -> memref<10112x128xf32, #tpu.memory_space<vmem_shared>>
        tpu.enqueue_indirect_dma source(%arg13 : memref<96x128xf32, #tpu.memory_space<vmem>>) target(%dma_start3A_174 : memref<10112x128xf32, #tpu.memory_space<vmem_shared>>) offsets(%arg10 : memref<96xi32, #tpu.memory_space<vmem>>) semaphore(%run_scoped3A : memref<!tpu.dma_semaphore, #tpu.memory_space<semaphore_mem>>) {add = true}
        %dma_wait3A_175 = arith.constant 0 : i32
        %dma_wait3A_176 = arith.constant 0 : i32
        %dma_wait3A_177 = tpu.memref_slice %arg20[%dma_wait3A_175, %dma_wait3A_176] : memref<10112x128xf32, #tpu.memory_space<vmem_shared>> -> memref<10112x128xf32, #tpu.memory_space<vmem_shared>>
        tpu.wait_indirect_dma semaphore(%run_scoped3A : memref<!tpu.dma_semaphore, #tpu.memory_space<semaphore_mem>>) src(%arg13 : memref<96x128xf32, #tpu.memory_space<vmem>>) dst(%dma_wait3A_177 : memref<10112x128xf32, #tpu.memory_space<vmem_shared>>)
        tpu.yield
      }) : () -> ()
      %add3A_153 = arith.constant 2 : i32
      %add3A_154 = arith.addi %mul3A_69, %add3A_153 : i32
      %add3A_155 = arith.constant 3 : i32
      %add3A_156 = arith.addi %add3A_154, %add3A_155 : i32
      %mul3A_157 = arith.constant 96 : i32
      %mul3A_158 = arith.muli %add3A_156, %mul3A_157 : i32
      %dma_start3A_159 = tpu.memref_slice %arg7[%mul3A_158] : memref<10080xi32, #tpu.memory_space<vmem>> -> memref<96xi32, #tpu.memory_space<vmem>>
      %dma_start3A_160 = arith.constant 0 : i32
      %dma_start3A_161 = arith.constant 0 : i32
      %dma_start3A_162 = tpu.memref_slice %arg2[%dma_start3A_160, %dma_start3A_161] : memref<10000x128xf32, #tpu.memory_space<hbm>> -> memref<10000x128xf32, #tpu.memory_space<hbm>>
      tpu.enqueue_indirect_dma source(%dma_start3A_162 : memref<10000x128xf32, #tpu.memory_space<hbm>>) target(%arg13 : memref<96x128xf32, #tpu.memory_space<vmem>>) offsets(%dma_start3A_159 : memref<96xi32, #tpu.memory_space<vmem>>) semaphore(%arg16 : memref<!tpu.dma_semaphore, #tpu.memory_space<semaphore_mem>>)
      %add3A_163 = arith.constant 2 : i32
      %add3A_164 = arith.addi %mul3A_69, %add3A_163 : i32
      %add3A_165 = arith.constant 3 : i32
      %add3A_166 = arith.addi %add3A_164, %add3A_165 : i32
      %mul3A_167 = arith.constant 96 : i32
      %mul3A_168 = arith.muli %add3A_166, %mul3A_167 : i32
      %add3A_169 = arith.addi %mul3A_2, %mul3A_168 : i32
      %dma_start3A_170 = tpu.memref_slice %arg4[%add3A_169] : memref<322560xi32, #tpu.memory_space<hbm>> -> memref<96xi32, #tpu.memory_space<hbm>>
      %dma_start3A_171 = tpu.memref_slice %arg4[%add3A_169] : memref<322560xi32, #tpu.memory_space<hbm>> -> memref<96xi32, #tpu.memory_space<hbm>>
      tpu.enqueue_dma source(%dma_start3A_171 : memref<96xi32, #tpu.memory_space<hbm>>) target(%arg10 : memref<96xi32, #tpu.memory_space<vmem>>) target_semaphore(%arg19 : memref<!tpu.dma_semaphore, #tpu.memory_space<semaphore_mem>>)
    }
    %scan3A_35 = arith.constant 34 : i32
    %dma_wait3A = arith.constant 9792 : i32
    %dma_wait3A_36 = tpu.memref_slice %arg7[%dma_wait3A] : memref<10080xi32, #tpu.memory_space<vmem>> -> memref<96xi32, #tpu.memory_space<vmem>>
    %dma_wait3A_37 = arith.constant 0 : i32
    %dma_wait3A_38 = arith.constant 0 : i32
    %dma_wait3A_39 = tpu.memref_slice %arg2[%dma_wait3A_37, %dma_wait3A_38] : memref<10000x128xf32, #tpu.memory_space<hbm>> -> memref<10000x128xf32, #tpu.memory_space<hbm>>
    tpu.wait_indirect_dma semaphore(%arg14 : memref<!tpu.dma_semaphore, #tpu.memory_space<semaphore_mem>>) src(%dma_wait3A_39 : memref<10000x128xf32, #tpu.memory_space<hbm>>) dst(%arg11 : memref<96x128xf32, #tpu.memory_space<vmem>>)
    %add3A_40 = arith.constant 9792 : i32
    %add3A_41 = arith.addi %mul3A_2, %add3A_40 : i32
    %dma_wait3A_42 = tpu.memref_slice %arg4[%add3A_41] : memref<322560xi32, #tpu.memory_space<hbm>> -> memref<96xi32, #tpu.memory_space<hbm>>
    %dma_wait3A_43 = tpu.memref_slice %arg4[%add3A_41] : memref<322560xi32, #tpu.memory_space<hbm>> -> memref<96xi32, #tpu.memory_space<hbm>>
    tpu.wait_dma2 semaphore(%arg17 : memref<!tpu.dma_semaphore, #tpu.memory_space<semaphore_mem>>) src(%dma_wait3A_43 : memref<96xi32, #tpu.memory_space<hbm>>) dst(%arg8 : memref<96xi32, #tpu.memory_space<vmem>>)
    "tpu.region"() ({
      %run_scoped3A = tpu.sem_alloc : memref<!tpu.dma_semaphore, #tpu.memory_space<semaphore_mem>>
      %dma_start3A_67 = arith.constant 0 : i32
      %dma_start3A_68 = arith.constant 0 : i32
      %dma_start3A_69 = tpu.memref_slice %arg20[%dma_start3A_67, %dma_start3A_68] : memref<10112x128xf32, #tpu.memory_space<vmem_shared>> -> memref<10112x128xf32, #tpu.memory_space<vmem_shared>>
      tpu.enqueue_indirect_dma source(%arg11 : memref<96x128xf32, #tpu.memory_space<vmem>>) target(%dma_start3A_69 : memref<10112x128xf32, #tpu.memory_space<vmem_shared>>) offsets(%arg8 : memref<96xi32, #tpu.memory_space<vmem>>) semaphore(%run_scoped3A : memref<!tpu.dma_semaphore, #tpu.memory_space<semaphore_mem>>) {add = true}
      %dma_wait3A_70 = arith.constant 0 : i32
      %dma_wait3A_71 = arith.constant 0 : i32
      %dma_wait3A_72 = tpu.memref_slice %arg20[%dma_wait3A_70, %dma_wait3A_71] : memref<10112x128xf32, #tpu.memory_space<vmem_shared>> -> memref<10112x128xf32, #tpu.memory_space<vmem_shared>>
      tpu.wait_indirect_dma semaphore(%run_scoped3A : memref<!tpu.dma_semaphore, #tpu.memory_space<semaphore_mem>>) src(%arg11 : memref<96x128xf32, #tpu.memory_space<vmem>>) dst(%dma_wait3A_72 : memref<10112x128xf32, #tpu.memory_space<vmem_shared>>)
      tpu.yield
    }) : () -> ()
    %dma_wait3A_44 = arith.constant 9888 : i32
    %dma_wait3A_45 = tpu.memref_slice %arg7[%dma_wait3A_44] : memref<10080xi32, #tpu.memory_space<vmem>> -> memref<96xi32, #tpu.memory_space<vmem>>
    %dma_wait3A_46 = arith.constant 0 : i32
    %dma_wait3A_47 = arith.constant 0 : i32
    %dma_wait3A_48 = tpu.memref_slice %arg2[%dma_wait3A_46, %dma_wait3A_47] : memref<10000x128xf32, #tpu.memory_space<hbm>> -> memref<10000x128xf32, #tpu.memory_space<hbm>>
    tpu.wait_indirect_dma semaphore(%arg15 : memref<!tpu.dma_semaphore, #tpu.memory_space<semaphore_mem>>) src(%dma_wait3A_48 : memref<10000x128xf32, #tpu.memory_space<hbm>>) dst(%arg12 : memref<96x128xf32, #tpu.memory_space<vmem>>)
    %add3A_49 = arith.constant 9888 : i32
    %add3A_50 = arith.addi %mul3A_2, %add3A_49 : i32
    %dma_wait3A_51 = tpu.memref_slice %arg4[%add3A_50] : memref<322560xi32, #tpu.memory_space<hbm>> -> memref<96xi32, #tpu.memory_space<hbm>>
    %dma_wait3A_52 = tpu.memref_slice %arg4[%add3A_50] : memref<322560xi32, #tpu.memory_space<hbm>> -> memref<96xi32, #tpu.memory_space<hbm>>
    tpu.wait_dma2 semaphore(%arg18 : memref<!tpu.dma_semaphore, #tpu.memory_space<semaphore_mem>>) src(%dma_wait3A_52 : memref<96xi32, #tpu.memory_space<hbm>>) dst(%arg9 : memref<96xi32, #tpu.memory_space<vmem>>)
    "tpu.region"() ({
      %run_scoped3A = tpu.sem_alloc : memref<!tpu.dma_semaphore, #tpu.memory_space<semaphore_mem>>
      %dma_start3A_67 = arith.constant 0 : i32
      %dma_start3A_68 = arith.constant 0 : i32
      %dma_start3A_69 = tpu.memref_slice %arg20[%dma_start3A_67, %dma_start3A_68] : memref<10112x128xf32, #tpu.memory_space<vmem_shared>> -> memref<10112x128xf32, #tpu.memory_space<vmem_shared>>
      tpu.enqueue_indirect_dma source(%arg12 : memref<96x128xf32, #tpu.memory_space<vmem>>) target(%dma_start3A_69 : memref<10112x128xf32, #tpu.memory_space<vmem_shared>>) offsets(%arg9 : memref<96xi32, #tpu.memory_space<vmem>>) semaphore(%run_scoped3A : memref<!tpu.dma_semaphore, #tpu.memory_space<semaphore_mem>>) {add = true}
      %dma_wait3A_70 = arith.constant 0 : i32
      %dma_wait3A_71 = arith.constant 0 : i32
      %dma_wait3A_72 = tpu.memref_slice %arg20[%dma_wait3A_70, %dma_wait3A_71] : memref<10112x128xf32, #tpu.memory_space<vmem_shared>> -> memref<10112x128xf32, #tpu.memory_space<vmem_shared>>
      tpu.wait_indirect_dma semaphore(%run_scoped3A : memref<!tpu.dma_semaphore, #tpu.memory_space<semaphore_mem>>) src(%arg12 : memref<96x128xf32, #tpu.memory_space<vmem>>) dst(%dma_wait3A_72 : memref<10112x128xf32, #tpu.memory_space<vmem_shared>>)
      tpu.yield
    }) : () -> ()
    %dma_wait3A_53 = arith.constant 9984 : i32
    %dma_wait3A_54 = tpu.memref_slice %arg7[%dma_wait3A_53] : memref<10080xi32, #tpu.memory_space<vmem>> -> memref<96xi32, #tpu.memory_space<vmem>>
    %dma_wait3A_55 = arith.constant 0 : i32
    %dma_wait3A_56 = arith.constant 0 : i32
    %dma_wait3A_57 = tpu.memref_slice %arg2[%dma_wait3A_55, %dma_wait3A_56] : memref<10000x128xf32, #tpu.memory_space<hbm>> -> memref<10000x128xf32, #tpu.memory_space<hbm>>
    tpu.wait_indirect_dma semaphore(%arg16 : memref<!tpu.dma_semaphore, #tpu.memory_space<semaphore_mem>>) src(%dma_wait3A_57 : memref<10000x128xf32, #tpu.memory_space<hbm>>) dst(%arg13 : memref<96x128xf32, #tpu.memory_space<vmem>>)
    %add3A_58 = arith.constant 9984 : i32
    %add3A_59 = arith.addi %mul3A_2, %add3A_58 : i32
    %dma_wait3A_60 = tpu.memref_slice %arg4[%add3A_59] : memref<322560xi32, #tpu.memory_space<hbm>> -> memref<96xi32, #tpu.memory_space<hbm>>
    %dma_wait3A_61 = tpu.memref_slice %arg4[%add3A_59] : memref<322560xi32, #tpu.memory_space<hbm>> -> memref<96xi32, #tpu.memory_space<hbm>>
    tpu.wait_dma2 semaphore(%arg19 : memref<!tpu.dma_semaphore, #tpu.memory_space<semaphore_mem>>) src(%dma_wait3A_61 : memref<96xi32, #tpu.memory_space<hbm>>) dst(%arg10 : memref<96xi32, #tpu.memory_space<vmem>>)
    "tpu.region"() ({
      %run_scoped3A = tpu.sem_alloc : memref<!tpu.dma_semaphore, #tpu.memory_space<semaphore_mem>>
      %dma_start3A_67 = arith.constant 0 : i32
      %dma_start3A_68 = arith.constant 0 : i32
      %dma_start3A_69 = tpu.memref_slice %arg20[%dma_start3A_67, %dma_start3A_68] : memref<10112x128xf32, #tpu.memory_space<vmem_shared>> -> memref<10112x128xf32, #tpu.memory_space<vmem_shared>>
      tpu.enqueue_indirect_dma source(%arg13 : memref<96x128xf32, #tpu.memory_space<vmem>>) target(%dma_start3A_69 : memref<10112x128xf32, #tpu.memory_space<vmem_shared>>) offsets(%arg10 : memref<96xi32, #tpu.memory_space<vmem>>) semaphore(%run_scoped3A : memref<!tpu.dma_semaphore, #tpu.memory_space<semaphore_mem>>) {add = true}
      %dma_wait3A_70 = arith.constant 0 : i32
      %dma_wait3A_71 = arith.constant 0 : i32
      %dma_wait3A_72 = tpu.memref_slice %arg20[%dma_wait3A_70, %dma_wait3A_71] : memref<10112x128xf32, #tpu.memory_space<vmem_shared>> -> memref<10112x128xf32, #tpu.memory_space<vmem_shared>>
      tpu.wait_indirect_dma semaphore(%run_scoped3A : memref<!tpu.dma_semaphore, #tpu.memory_space<semaphore_mem>>) src(%arg13 : memref<96x128xf32, #tpu.memory_space<vmem>>) dst(%dma_wait3A_72 : memref<10112x128xf32, #tpu.memory_space<vmem_shared>>)
      tpu.yield
    }) : () -> ()
    %barrier3A_62 = arith.constant 0 : index
    tpu.barrier barrier_id(%barrier3A_62)
    %mul3A_63 = arith.constant 632 : i32
    %mul3A_64 = arith.muli %arg1, %mul3A_63 : i32
    %mul3A_65 = arith.constant 632 : i32
    %mul3A_66 = arith.muli %arg1, %mul3A_65 : i32
    "tpu.region"() ({
      %run_scoped3A = tpu.sem_alloc : memref<!tpu.dma_semaphore, #tpu.memory_space<semaphore_mem>>
      %dma_start3A_67 = arith.constant 0 : i32
      %dma_start3A_68 = tpu.memref_slice %arg6[%arg0, %mul3A_66, %dma_start3A_67] : memref<2x10112x128xf32, #tpu.memory_space<hbm>> -> memref<1x632x128xf32, #tpu.memory_space<hbm>>
      %dma_start3A_69 = tpu.memref_squeeze %dma_start3A_68 : memref<1x632x128xf32, #tpu.memory_space<hbm>> -> memref<632x128xf32, #tpu.memory_space<hbm>>
      %dma_start3A_70 = arith.constant 0 : i32
      %dma_start3A_71 = tpu.memref_slice %arg20[%mul3A_64, %dma_start3A_70] : memref<10112x128xf32, #tpu.memory_space<vmem_shared>> -> memref<632x128xf32, #tpu.memory_space<vmem_shared>>
      tpu.enqueue_dma source(%dma_start3A_71 : memref<632x128xf32, #tpu.memory_space<vmem_shared>>) target(%dma_start3A_69 : memref<632x128xf32, #tpu.memory_space<hbm>>) target_semaphore(%run_scoped3A : memref<!tpu.dma_semaphore, #tpu.memory_space<semaphore_mem>>)
      %dma_wait3A_72 = arith.constant 0 : i32
      %dma_wait3A_73 = tpu.memref_slice %arg6[%arg0, %mul3A_66, %dma_wait3A_72] : memref<2x10112x128xf32, #tpu.memory_space<hbm>> -> memref<1x632x128xf32, #tpu.memory_space<hbm>>
      %dma_wait3A_74 = tpu.memref_squeeze %dma_wait3A_73 : memref<1x632x128xf32, #tpu.memory_space<hbm>> -> memref<632x128xf32, #tpu.memory_space<hbm>>
      %dma_wait3A_75 = arith.constant 0 : i32
      %dma_wait3A_76 = tpu.memref_slice %arg20[%mul3A_64, %dma_wait3A_75] : memref<10112x128xf32, #tpu.memory_space<vmem_shared>> -> memref<632x128xf32, #tpu.memory_space<vmem_shared>>
      tpu.wait_dma2 semaphore(%run_scoped3A : memref<!tpu.dma_semaphore, #tpu.memory_space<semaphore_mem>>) src(%dma_wait3A_76 : memref<632x128xf32, #tpu.memory_space<vmem_shared>>) dst(%dma_wait3A_74 : memref<632x128xf32, #tpu.memory_space<hbm>>)
      tpu.yield
    }) : () -> ()
    return
  }
}

#map = affine_map<(d0, d1) -> (0, 0)>
#map1 = affine_map<(d0, d1) -> (0)>
#map2 = affine_map<(d0, d1) -> (0, 0, 0)>
module attributes {stable_mosaic.version = 14 : i64} {
  func.func @k(%arg0: i32, %arg1: i32, %arg2: memref<10000x128xf32, #tpu.memory_space<hbm>>, %arg3: memref<322560xi32, #tpu.memory_space<hbm>>, %arg4: memref<322560xi32, #tpu.memory_space<hbm>>, %arg5: memref<632x128xf32, #tpu.memory_space<hbm>>, %arg6: memref<2x10112x128xf32, #tpu.memory_space<hbm>>, %arg7: memref<10080xi32, #tpu.memory_space<vmem>>, %arg8: memref<96xi32, #tpu.memory_space<vmem>>, %arg9: memref<96xi32, #tpu.memory_space<vmem>>, %arg10: memref<96xi32, #tpu.memory_space<vmem>>, %arg11: memref<96x128xf32, #tpu.memory_space<vmem>>, %arg12: memref<96x128xf32, #tpu.memory_space<vmem>>, %arg13: memref<96x128xf32, #tpu.memory_space<vmem>>, %arg14: memref<!tpu.dma_semaphore, #tpu.memory_space<semaphore_mem>>, %arg15: memref<!tpu.dma_semaphore, #tpu.memory_space<semaphore_mem>>, %arg16: memref<!tpu.dma_semaphore, #tpu.memory_space<semaphore_mem>>, %arg17: memref<!tpu.dma_semaphore, #tpu.memory_space<semaphore_mem>>, %arg18: memref<!tpu.dma_semaphore, #tpu.memory_space<semaphore_mem>>, %arg19: memref<!tpu.dma_semaphore, #tpu.memory_space<semaphore_mem>>, %arg20: memref<10112x128xf32, #tpu.memory_space<vmem_shared>>) attributes {dimension_semantics = [#tpu.dimension_semantics<core_parallel>, #tpu.dimension_semantics<subcore_parallel>], iteration_bounds = array<i64: 2, 16>, scalar_prefetch = 0 : i64, scratch_operands = 14 : i64, tpu.core_type = #tpu.core_type<sc_vector_subcore>, window_params = [{transform_indices = #map}, {transform_indices = #map1}, {transform_indices = #map1}, {transform_indices = #map}, {transform_indices = #map2}]} {
    %mul3A = arith.constant 16 : i32
    %mul3A_0 = arith.muli %arg0, %mul3A : i32
    %add3A = arith.addi %mul3A_0, %arg1 : i32
    %mul3A_1 = arith.constant 10080 : i32
    %mul3A_2 = arith.muli %add3A, %mul3A_1 : i32
    %mul3A_3 = arith.constant 632 : i32
    %mul3A_4 = arith.muli %arg1, %mul3A_3 : i32
    "tpu.region"() ({
      %run_scoped3A = tpu.sem_alloc : memref<!tpu.dma_semaphore, #tpu.memory_space<semaphore_mem>>
      %dma_start3A_67 = arith.constant 0 : i32
      %dma_start3A_68 = tpu.memref_slice %arg20[%mul3A_4, %dma_start3A_67] : memref<10112x128xf32, #tpu.memory_space<vmem_shared>> -> memref<632x128xf32, #tpu.memory_space<vmem_shared>>
      tpu.enqueue_dma source(%arg5 : memref<632x128xf32, #tpu.memory_space<hbm>>) target(%dma_start3A_68 : memref<632x128xf32, #tpu.memory_space<vmem_shared>>) target_semaphore(%run_scoped3A : memref<!tpu.dma_semaphore, #tpu.memory_space<semaphore_mem>>)
      %dma_wait3A_69 = arith.constant 0 : i32
      %dma_wait3A_70 = tpu.memref_slice %arg20[%mul3A_4, %dma_wait3A_69] : memref<10112x128xf32, #tpu.memory_space<vmem_shared>> -> memref<632x128xf32, #tpu.memory_space<vmem_shared>>
      tpu.wait_dma2 semaphore(%run_scoped3A : memref<!tpu.dma_semaphore, #tpu.memory_space<semaphore_mem>>) src(%arg5 : memref<632x128xf32, #tpu.memory_space<hbm>>) dst(%dma_wait3A_70 : memref<632x128xf32, #tpu.memory_space<vmem_shared>>)
      tpu.yield
    }) : () -> ()
    "tpu.region"() ({
      %run_scoped3A = tpu.sem_alloc : memref<!tpu.dma_semaphore, #tpu.memory_space<semaphore_mem>>
      %dma_start3A_67 = tpu.memref_slice %arg3[%mul3A_2] : memref<322560xi32, #tpu.memory_space<hbm>> -> memref<10080xi32, #tpu.memory_space<hbm>>
      %dma_start3A_68 = tpu.memref_slice %arg3[%mul3A_2] : memref<322560xi32, #tpu.memory_space<hbm>> -> memref<10080xi32, #tpu.memory_space<hbm>>
      tpu.enqueue_dma source(%dma_start3A_68 : memref<10080xi32, #tpu.memory_space<hbm>>) target(%arg7 : memref<10080xi32, #tpu.memory_space<vmem>>) target_semaphore(%run_scoped3A : memref<!tpu.dma_semaphore, #tpu.memory_space<semaphore_mem>>)
      %dma_wait3A_69 = tpu.memref_slice %arg3[%mul3A_2] : memref<322560xi32, #tpu.memory_space<hbm>> -> memref<10080xi32, #tpu.memory_space<hbm>>
      %dma_wait3A_70 = tpu.memref_slice %arg3[%mul3A_2] : memref<322560xi32, #tpu.memory_space<hbm>> -> memref<10080xi32, #tpu.memory_space<hbm>>
      tpu.wait_dma2 semaphore(%run_scoped3A : memref<!tpu.dma_semaphore, #tpu.memory_space<semaphore_mem>>) src(%dma_wait3A_70 : memref<10080xi32, #tpu.memory_space<hbm>>) dst(%arg7 : memref<10080xi32, #tpu.memory_space<vmem>>)
      tpu.yield
    }) : () -> ()
    %add3A_5 = arith.constant 0 : i32
    %add3A_6 = arith.addi %mul3A_2, %add3A_5 : i32
    %dma_start3A = tpu.memref_slice %arg4[%add3A_6] : memref<322560xi32, #tpu.memory_space<hbm>> -> memref<96xi32, #tpu.memory_space<hbm>>
    %dma_start3A_7 = tpu.memref_slice %arg4[%add3A_6] : memref<322560xi32, #tpu.memory_space<hbm>> -> memref<96xi32, #tpu.memory_space<hbm>>
    tpu.enqueue_dma source(%dma_start3A_7 : memref<96xi32, #tpu.memory_space<hbm>>) target(%arg8 : memref<96xi32, #tpu.memory_space<vmem>>) target_semaphore(%arg17 : memref<!tpu.dma_semaphore, #tpu.memory_space<semaphore_mem>>)
    %dma_start3A_8 = arith.constant 0 : i32
    %dma_start3A_9 = tpu.memref_slice %arg7[%dma_start3A_8] : memref<10080xi32, #tpu.memory_space<vmem>> -> memref<96xi32, #tpu.memory_space<vmem>>
    %dma_start3A_10 = arith.constant 0 : i32
    %dma_start3A_11 = arith.constant 0 : i32
    %dma_start3A_12 = tpu.memref_slice %arg2[%dma_start3A_10, %dma_start3A_11] : memref<10000x128xf32, #tpu.memory_space<hbm>> -> memref<10000x128xf32, #tpu.memory_space<hbm>>
    tpu.enqueue_indirect_dma source(%dma_start3A_12 : memref<10000x128xf32, #tpu.memory_space<hbm>>) target(%arg11 : memref<96x128xf32, #tpu.memory_space<vmem>>) offsets(%dma_start3A_9 : memref<96xi32, #tpu.memory_space<vmem>>) semaphore(%arg14 : memref<!tpu.dma_semaphore, #tpu.memory_space<semaphore_mem>>)
    %add3A_13 = arith.constant 96 : i32
    %add3A_14 = arith.addi %mul3A_2, %add3A_13 : i32
    %dma_start3A_15 = tpu.memref_slice %arg4[%add3A_14] : memref<322560xi32, #tpu.memory_space<hbm>> -> memref<96xi32, #tpu.memory_space<hbm>>
    %dma_start3A_16 = tpu.memref_slice %arg4[%add3A_14] : memref<322560xi32, #tpu.memory_space<hbm>> -> memref<96xi32, #tpu.memory_space<hbm>>
    tpu.enqueue_dma source(%dma_start3A_16 : memref<96xi32, #tpu.memory_space<hbm>>) target(%arg9 : memref<96xi32, #tpu.memory_space<vmem>>) target_semaphore(%arg18 : memref<!tpu.dma_semaphore, #tpu.memory_space<semaphore_mem>>)
    %dma_start3A_17 = arith.constant 96 : i32
    %dma_start3A_18 = tpu.memref_slice %arg7[%dma_start3A_17] : memref<10080xi32, #tpu.memory_space<vmem>> -> memref<96xi32, #tpu.memory_space<vmem>>
    %dma_start3A_19 = arith.constant 0 : i32
    %dma_start3A_20 = arith.constant 0 : i32
    %dma_start3A_21 = tpu.memref_slice %arg2[%dma_start3A_19, %dma_start3A_20] : memref<10000x128xf32, #tpu.memory_space<hbm>> -> memref<10000x128xf32, #tpu.memory_space<hbm>>
    tpu.enqueue_indirect_dma source(%dma_start3A_21 : memref<10000x128xf32, #tpu.memory_space<hbm>>) target(%arg12 : memref<96x128xf32, #tpu.memory_space<vmem>>) offsets(%dma_start3A_18 : memref<96xi32, #tpu.memory_space<vmem>>) semaphore(%arg15 : memref<!tpu.dma_semaphore, #tpu.memory_space<semaphore_mem>>)
    %add3A_22 = arith.constant 192 : i32
    %add3A_23 = arith.addi %mul3A_2, %add3A_22 : i32
    %dma_start3A_24 = tpu.memref_slice %arg4[%add3A_23] : memref<322560xi32, #tpu.memory_space<hbm>> -> memref<96xi32, #tpu.memory_space<hbm>>
    %dma_start3A_25 = tpu.memref_slice %arg4[%add3A_23] : memref<322560xi32, #tpu.memory_space<hbm>> -> memref<96xi32, #tpu.memory_space<hbm>>
    tpu.enqueue_dma source(%dma_start3A_25 : memref<96xi32, #tpu.memory_space<hbm>>) target(%arg10 : memref<96xi32, #tpu.memory_space<vmem>>) target_semaphore(%arg19 : memref<!tpu.dma_semaphore, #tpu.memory_space<semaphore_mem>>)
    %dma_start3A_26 = arith.constant 192 : i32
    %dma_start3A_27 = tpu.memref_slice %arg7[%dma_start3A_26] : memref<10080xi32, #tpu.memory_space<vmem>> -> memref<96xi32, #tpu.memory_space<vmem>>
    %dma_start3A_28 = arith.constant 0 : i32
    %dma_start3A_29 = arith.constant 0 : i32
    %dma_start3A_30 = tpu.memref_slice %arg2[%dma_start3A_28, %dma_start3A_29] : memref<10000x128xf32, #tpu.memory_space<hbm>> -> memref<10000x128xf32, #tpu.memory_space<hbm>>
    tpu.enqueue_indirect_dma source(%dma_start3A_30 : memref<10000x128xf32, #tpu.memory_space<hbm>>) target(%arg13 : memref<96x128xf32, #tpu.memory_space<vmem>>) offsets(%dma_start3A_27 : memref<96xi32, #tpu.memory_space<vmem>>) semaphore(%arg16 : memref<!tpu.dma_semaphore, #tpu.memory_space<semaphore_mem>>)
    %barrier3A = arith.constant 0 : index
    tpu.barrier barrier_id(%barrier3A)
    %scan3A = arith.constant 0 : i32
    %scan3A_31 = arith.constant 0 : i32
    %scan3A_32 = arith.constant 34 : i32
    %scan3A_33 = arith.addi %scan3A_31, %scan3A_32 : i32
    %scan3A_34 = arith.constant 1 : i32
    scf.for %scan3A_67 = %scan3A_31 to %scan3A_33 step %scan3A_34  : i32 {
      %mul3A_68 = arith.constant 3 : i32
      %mul3A_69 = arith.muli %mul3A_68, %scan3A_67 : i32
      %add3A_70 = arith.constant 0 : i32
      %add3A_71 = arith.addi %mul3A_69, %add3A_70 : i32
      %mul3A_72 = arith.constant 96 : i32
      %mul3A_73 = arith.muli %add3A_71, %mul3A_72 : i32
      %dma_wait3A_74 = tpu.memref_slice %arg7[%mul3A_73] : memref<10080xi32, #tpu.memory_space<vmem>> -> memref<96xi32, #tpu.memory_space<vmem>>
      %dma_wait3A_75 = arith.constant 0 : i32
      %dma_wait3A_76 = arith.constant 0 : i32
      %dma_wait3A_77 = tpu.memref_slice %arg2[%dma_wait3A_75, %dma_wait3A_76] : memref<10000x128xf32, #tpu.memory_space<hbm>> -> memref<10000x128xf32, #tpu.memory_space<hbm>>
      tpu.wait_indirect_dma semaphore(%arg14 : memref<!tpu.dma_semaphore, #tpu.memory_space<semaphore_mem>>) src(%dma_wait3A_77 : memref<10000x128xf32, #tpu.memory_space<hbm>>) dst(%arg11 : memref<96x128xf32, #tpu.memory_space<vmem>>)
      %add3A_78 = arith.constant 0 : i32
      %add3A_79 = arith.addi %mul3A_69, %add3A_78 : i32
      %mul3A_80 = arith.constant 96 : i32
      %mul3A_81 = arith.muli %add3A_79, %mul3A_80 : i32
      %add3A_82 = arith.addi %mul3A_2, %mul3A_81 : i32
      %dma_wait3A_83 = tpu.memref_slice %arg4[%add3A_82] : memref<322560xi32, #tpu.memory_space<hbm>> -> memref<96xi32, #tpu.memory_space<hbm>>
      %dma_wait3A_84 = tpu.memref_slice %arg4[%add3A_82] : memref<322560xi32, #tpu.memory_space<hbm>> -> memref<96xi32, #tpu.memory_space<hbm>>
      tpu.wait_dma2 semaphore(%arg17 : memref<!tpu.dma_semaphore, #tpu.memory_space<semaphore_mem>>) src(%dma_wait3A_84 : memref<96xi32, #tpu.memory_space<hbm>>) dst(%arg8 : memref<96xi32, #tpu.memory_space<vmem>>)
      "tpu.region"() ({
        %run_scoped3A = tpu.sem_alloc : memref<!tpu.dma_semaphore, #tpu.memory_space<semaphore_mem>>
        %dma_start3A_172 = arith.constant 0 : i32
        %dma_start3A_173 = arith.constant 0 : i32
        %dma_start3A_174 = tpu.memref_slice %arg20[%dma_start3A_172, %dma_start3A_173] : memref<10112x128xf32, #tpu.memory_space<vmem_shared>> -> memref<10112x128xf32, #tpu.memory_space<vmem_shared>>
        tpu.enqueue_indirect_dma source(%arg11 : memref<96x128xf32, #tpu.memory_space<vmem>>) target(%dma_start3A_174 : memref<10112x128xf32, #tpu.memory_space<vmem_shared>>) offsets(%arg8 : memref<96xi32, #tpu.memory_space<vmem>>) semaphore(%run_scoped3A : memref<!tpu.dma_semaphore, #tpu.memory_space<semaphore_mem>>) {add = true}
        %dma_wait3A_175 = arith.constant 0 : i32
        %dma_wait3A_176 = arith.constant 0 : i32
        %dma_wait3A_177 = tpu.memref_slice %arg20[%dma_wait3A_175, %dma_wait3A_176] : memref<10112x128xf32, #tpu.memory_space<vmem_shared>> -> memref<10112x128xf32, #tpu.memory_space<vmem_shared>>
        tpu.wait_indirect_dma semaphore(%run_scoped3A : memref<!tpu.dma_semaphore, #tpu.memory_space<semaphore_mem>>) src(%arg11 : memref<96x128xf32, #tpu.memory_space<vmem>>) dst(%dma_wait3A_177 : memref<10112x128xf32, #tpu.memory_space<vmem_shared>>)
        tpu.yield
      }) : () -> ()
      %add3A_85 = arith.constant 0 : i32
      %add3A_86 = arith.addi %mul3A_69, %add3A_85 : i32
      %add3A_87 = arith.constant 3 : i32
      %add3A_88 = arith.addi %add3A_86, %add3A_87 : i32
      %mul3A_89 = arith.constant 96 : i32
      %mul3A_90 = arith.muli %add3A_88, %mul3A_89 : i32
      %dma_start3A_91 = tpu.memref_slice %arg7[%mul3A_90] : memref<10080xi32, #tpu.memory_space<vmem>> -> memref<96xi32, #tpu.memory_space<vmem>>
      %dma_start3A_92 = arith.constant 0 : i32
      %dma_start3A_93 = arith.constant 0 : i32
      %dma_start3A_94 = tpu.memref_slice %arg2[%dma_start3A_92, %dma_start3A_93] : memref<10000x128xf32, #tpu.memory_space<hbm>> -> memref<10000x128xf32, #tpu.memory_space<hbm>>
      tpu.enqueue_indirect_dma source(%dma_start3A_94 : memref<10000x128xf32, #tpu.memory_space<hbm>>) target(%arg11 : memref<96x128xf32, #tpu.memory_space<vmem>>) offsets(%dma_start3A_91 : memref<96xi32, #tpu.memory_space<vmem>>) semaphore(%arg14 : memref<!tpu.dma_semaphore, #tpu.memory_space<semaphore_mem>>)
      %add3A_95 = arith.constant 0 : i32
      %add3A_96 = arith.addi %mul3A_69, %add3A_95 : i32
      %add3A_97 = arith.constant 3 : i32
      %add3A_98 = arith.addi %add3A_96, %add3A_97 : i32
      %mul3A_99 = arith.constant 96 : i32
      %mul3A_100 = arith.muli %add3A_98, %mul3A_99 : i32
      %add3A_101 = arith.addi %mul3A_2, %mul3A_100 : i32
      %dma_start3A_102 = tpu.memref_slice %arg4[%add3A_101] : memref<322560xi32, #tpu.memory_space<hbm>> -> memref<96xi32, #tpu.memory_space<hbm>>
      %dma_start3A_103 = tpu.memref_slice %arg4[%add3A_101] : memref<322560xi32, #tpu.memory_space<hbm>> -> memref<96xi32, #tpu.memory_space<hbm>>
      tpu.enqueue_dma source(%dma_start3A_103 : memref<96xi32, #tpu.memory_space<hbm>>) target(%arg8 : memref<96xi32, #tpu.memory_space<vmem>>) target_semaphore(%arg17 : memref<!tpu.dma_semaphore, #tpu.memory_space<semaphore_mem>>)
      %add3A_104 = arith.constant 1 : i32
      %add3A_105 = arith.addi %mul3A_69, %add3A_104 : i32
      %mul3A_106 = arith.constant 96 : i32
      %mul3A_107 = arith.muli %add3A_105, %mul3A_106 : i32
      %dma_wait3A_108 = tpu.memref_slice %arg7[%mul3A_107] : memref<10080xi32, #tpu.memory_space<vmem>> -> memref<96xi32, #tpu.memory_space<vmem>>
      %dma_wait3A_109 = arith.constant 0 : i32
      %dma_wait3A_110 = arith.constant 0 : i32
      %dma_wait3A_111 = tpu.memref_slice %arg2[%dma_wait3A_109, %dma_wait3A_110] : memref<10000x128xf32, #tpu.memory_space<hbm>> -> memref<10000x128xf32, #tpu.memory_space<hbm>>
      tpu.wait_indirect_dma semaphore(%arg15 : memref<!tpu.dma_semaphore, #tpu.memory_space<semaphore_mem>>) src(%dma_wait3A_111 : memref<10000x128xf32, #tpu.memory_space<hbm>>) dst(%arg12 : memref<96x128xf32, #tpu.memory_space<vmem>>)
      %add3A_112 = arith.constant 1 : i32
      %add3A_113 = arith.addi %mul3A_69, %add3A_112 : i32
      %mul3A_114 = arith.constant 96 : i32
      %mul3A_115 = arith.muli %add3A_113, %mul3A_114 : i32
      %add3A_116 = arith.addi %mul3A_2, %mul3A_115 : i32
      %dma_wait3A_117 = tpu.memref_slice %arg4[%add3A_116] : memref<322560xi32, #tpu.memory_space<hbm>> -> memref<96xi32, #tpu.memory_space<hbm>>
      %dma_wait3A_118 = tpu.memref_slice %arg4[%add3A_116] : memref<322560xi32, #tpu.memory_space<hbm>> -> memref<96xi32, #tpu.memory_space<hbm>>
      tpu.wait_dma2 semaphore(%arg18 : memref<!tpu.dma_semaphore, #tpu.memory_space<semaphore_mem>>) src(%dma_wait3A_118 : memref<96xi32, #tpu.memory_space<hbm>>) dst(%arg9 : memref<96xi32, #tpu.memory_space<vmem>>)
      "tpu.region"() ({
        %run_scoped3A = tpu.sem_alloc : memref<!tpu.dma_semaphore, #tpu.memory_space<semaphore_mem>>
        %dma_start3A_172 = arith.constant 0 : i32
        %dma_start3A_173 = arith.constant 0 : i32
        %dma_start3A_174 = tpu.memref_slice %arg20[%dma_start3A_172, %dma_start3A_173] : memref<10112x128xf32, #tpu.memory_space<vmem_shared>> -> memref<10112x128xf32, #tpu.memory_space<vmem_shared>>
        tpu.enqueue_indirect_dma source(%arg12 : memref<96x128xf32, #tpu.memory_space<vmem>>) target(%dma_start3A_174 : memref<10112x128xf32, #tpu.memory_space<vmem_shared>>) offsets(%arg9 : memref<96xi32, #tpu.memory_space<vmem>>) semaphore(%run_scoped3A : memref<!tpu.dma_semaphore, #tpu.memory_space<semaphore_mem>>) {add = true}
        %dma_wait3A_175 = arith.constant 0 : i32
        %dma_wait3A_176 = arith.constant 0 : i32
        %dma_wait3A_177 = tpu.memref_slice %arg20[%dma_wait3A_175, %dma_wait3A_176] : memref<10112x128xf32, #tpu.memory_space<vmem_shared>> -> memref<10112x128xf32, #tpu.memory_space<vmem_shared>>
        tpu.wait_indirect_dma semaphore(%run_scoped3A : memref<!tpu.dma_semaphore, #tpu.memory_space<semaphore_mem>>) src(%arg12 : memref<96x128xf32, #tpu.memory_space<vmem>>) dst(%dma_wait3A_177 : memref<10112x128xf32, #tpu.memory_space<vmem_shared>>)
        tpu.yield
      }) : () -> ()
      %add3A_119 = arith.constant 1 : i32
      %add3A_120 = arith.addi %mul3A_69, %add3A_119 : i32
      %add3A_121 = arith.constant 3 : i32
      %add3A_122 = arith.addi %add3A_120, %add3A_121 : i32
      %mul3A_123 = arith.constant 96 : i32
      %mul3A_124 = arith.muli %add3A_122, %mul3A_123 : i32
      %dma_start3A_125 = tpu.memref_slice %arg7[%mul3A_124] : memref<10080xi32, #tpu.memory_space<vmem>> -> memref<96xi32, #tpu.memory_space<vmem>>
      %dma_start3A_126 = arith.constant 0 : i32
      %dma_start3A_127 = arith.constant 0 : i32
      %dma_start3A_128 = tpu.memref_slice %arg2[%dma_start3A_126, %dma_start3A_127] : memref<10000x128xf32, #tpu.memory_space<hbm>> -> memref<10000x128xf32, #tpu.memory_space<hbm>>
      tpu.enqueue_indirect_dma source(%dma_start3A_128 : memref<10000x128xf32, #tpu.memory_space<hbm>>) target(%arg12 : memref<96x128xf32, #tpu.memory_space<vmem>>) offsets(%dma_start3A_125 : memref<96xi32, #tpu.memory_space<vmem>>) semaphore(%arg15 : memref<!tpu.dma_semaphore, #tpu.memory_space<semaphore_mem>>)
      %add3A_129 = arith.constant 1 : i32
      %add3A_130 = arith.addi %mul3A_69, %add3A_129 : i32
      %add3A_131 = arith.constant 3 : i32
      %add3A_132 = arith.addi %add3A_130, %add3A_131 : i32
      %mul3A_133 = arith.constant 96 : i32
      %mul3A_134 = arith.muli %add3A_132, %mul3A_133 : i32
      %add3A_135 = arith.addi %mul3A_2, %mul3A_134 : i32
      %dma_start3A_136 = tpu.memref_slice %arg4[%add3A_135] : memref<322560xi32, #tpu.memory_space<hbm>> -> memref<96xi32, #tpu.memory_space<hbm>>
      %dma_start3A_137 = tpu.memref_slice %arg4[%add3A_135] : memref<322560xi32, #tpu.memory_space<hbm>> -> memref<96xi32, #tpu.memory_space<hbm>>
      tpu.enqueue_dma source(%dma_start3A_137 : memref<96xi32, #tpu.memory_space<hbm>>) target(%arg9 : memref<96xi32, #tpu.memory_space<vmem>>) target_semaphore(%arg18 : memref<!tpu.dma_semaphore, #tpu.memory_space<semaphore_mem>>)
      %add3A_138 = arith.constant 2 : i32
      %add3A_139 = arith.addi %mul3A_69, %add3A_138 : i32
      %mul3A_140 = arith.constant 96 : i32
      %mul3A_141 = arith.muli %add3A_139, %mul3A_140 : i32
      %dma_wait3A_142 = tpu.memref_slice %arg7[%mul3A_141] : memref<10080xi32, #tpu.memory_space<vmem>> -> memref<96xi32, #tpu.memory_space<vmem>>
      %dma_wait3A_143 = arith.constant 0 : i32
      %dma_wait3A_144 = arith.constant 0 : i32
      %dma_wait3A_145 = tpu.memref_slice %arg2[%dma_wait3A_143, %dma_wait3A_144] : memref<10000x128xf32, #tpu.memory_space<hbm>> -> memref<10000x128xf32, #tpu.memory_space<hbm>>
      tpu.wait_indirect_dma semaphore(%arg16 : memref<!tpu.dma_semaphore, #tpu.memory_space<semaphore_mem>>) src(%dma_wait3A_145 : memref<10000x128xf32, #tpu.memory_space<hbm>>) dst(%arg13 : memref<96x128xf32, #tpu.memory_space<vmem>>)
      %add3A_146 = arith.constant 2 : i32
      %add3A_147 = arith.addi %mul3A_69, %add3A_146 : i32
      %mul3A_148 = arith.constant 96 : i32
      %mul3A_149 = arith.muli %add3A_147, %mul3A_148 : i32
      %add3A_150 = arith.addi %mul3A_2, %mul3A_149 : i32
      %dma_wait3A_151 = tpu.memref_slice %arg4[%add3A_150] : memref<322560xi32, #tpu.memory_space<hbm>> -> memref<96xi32, #tpu.memory_space<hbm>>
      %dma_wait3A_152 = tpu.memref_slice %arg4[%add3A_150] : memref<322560xi32, #tpu.memory_space<hbm>> -> memref<96xi32, #tpu.memory_space<hbm>>
      tpu.wait_dma2 semaphore(%arg19 : memref<!tpu.dma_semaphore, #tpu.memory_space<semaphore_mem>>) src(%dma_wait3A_152 : memref<96xi32, #tpu.memory_space<hbm>>) dst(%arg10 : memref<96xi32, #tpu.memory_space<vmem>>)
      "tpu.region"() ({
        %run_scoped3A = tpu.sem_alloc : memref<!tpu.dma_semaphore, #tpu.memory_space<semaphore_mem>>
        %dma_start3A_172 = arith.constant 0 : i32
        %dma_start3A_173 = arith.constant 0 : i32
        %dma_start3A_174 = tpu.memref_slice %arg20[%dma_start3A_172, %dma_start3A_173] : memref<10112x128xf32, #tpu.memory_space<vmem_shared>> -> memref<10112x128xf32, #tpu.memory_space<vmem_shared>>
        tpu.enqueue_indirect_dma source(%arg13 : memref<96x128xf32, #tpu.memory_space<vmem>>) target(%dma_start3A_174 : memref<10112x128xf32, #tpu.memory_space<vmem_shared>>) offsets(%arg10 : memref<96xi32, #tpu.memory_space<vmem>>) semaphore(%run_scoped3A : memref<!tpu.dma_semaphore, #tpu.memory_space<semaphore_mem>>) {add = true}
        %dma_wait3A_175 = arith.constant 0 : i32
        %dma_wait3A_176 = arith.constant 0 : i32
        %dma_wait3A_177 = tpu.memref_slice %arg20[%dma_wait3A_175, %dma_wait3A_176] : memref<10112x128xf32, #tpu.memory_space<vmem_shared>> -> memref<10112x128xf32, #tpu.memory_space<vmem_shared>>
        tpu.wait_indirect_dma semaphore(%run_scoped3A : memref<!tpu.dma_semaphore, #tpu.memory_space<semaphore_mem>>) src(%arg13 : memref<96x128xf32, #tpu.memory_space<vmem>>) dst(%dma_wait3A_177 : memref<10112x128xf32, #tpu.memory_space<vmem_shared>>)
        tpu.yield
      }) : () -> ()
      %add3A_153 = arith.constant 2 : i32
      %add3A_154 = arith.addi %mul3A_69, %add3A_153 : i32
      %add3A_155 = arith.constant 3 : i32
      %add3A_156 = arith.addi %add3A_154, %add3A_155 : i32
      %mul3A_157 = arith.constant 96 : i32
      %mul3A_158 = arith.muli %add3A_156, %mul3A_157 : i32
      %dma_start3A_159 = tpu.memref_slice %arg7[%mul3A_158] : memref<10080xi32, #tpu.memory_space<vmem>> -> memref<96xi32, #tpu.memory_space<vmem>>
      %dma_start3A_160 = arith.constant 0 : i32
      %dma_start3A_161 = arith.constant 0 : i32
      %dma_start3A_162 = tpu.memref_slice %arg2[%dma_start3A_160, %dma_start3A_161] : memref<10000x128xf32, #tpu.memory_space<hbm>> -> memref<10000x128xf32, #tpu.memory_space<hbm>>
      tpu.enqueue_indirect_dma source(%dma_start3A_162 : memref<10000x128xf32, #tpu.memory_space<hbm>>) target(%arg13 : memref<96x128xf32, #tpu.memory_space<vmem>>) offsets(%dma_start3A_159 : memref<96xi32, #tpu.memory_space<vmem>>) semaphore(%arg16 : memref<!tpu.dma_semaphore, #tpu.memory_space<semaphore_mem>>)
      %add3A_163 = arith.constant 2 : i32
      %add3A_164 = arith.addi %mul3A_69, %add3A_163 : i32
      %add3A_165 = arith.constant 3 : i32
      %add3A_166 = arith.addi %add3A_164, %add3A_165 : i32
      %mul3A_167 = arith.constant 96 : i32
      %mul3A_168 = arith.muli %add3A_166, %mul3A_167 : i32
      %add3A_169 = arith.addi %mul3A_2, %mul3A_168 : i32
      %dma_start3A_170 = tpu.memref_slice %arg4[%add3A_169] : memref<322560xi32, #tpu.memory_space<hbm>> -> memref<96xi32, #tpu.memory_space<hbm>>
      %dma_start3A_171 = tpu.memref_slice %arg4[%add3A_169] : memref<322560xi32, #tpu.memory_space<hbm>> -> memref<96xi32, #tpu.memory_space<hbm>>
      tpu.enqueue_dma source(%dma_start3A_171 : memref<96xi32, #tpu.memory_space<hbm>>) target(%arg10 : memref<96xi32, #tpu.memory_space<vmem>>) target_semaphore(%arg19 : memref<!tpu.dma_semaphore, #tpu.memory_space<semaphore_mem>>)
    }
    %scan3A_35 = arith.constant 34 : i32
    %dma_wait3A = arith.constant 9792 : i32
    %dma_wait3A_36 = tpu.memref_slice %arg7[%dma_wait3A] : memref<10080xi32, #tpu.memory_space<vmem>> -> memref<96xi32, #tpu.memory_space<vmem>>
    %dma_wait3A_37 = arith.constant 0 : i32
    %dma_wait3A_38 = arith.constant 0 : i32
    %dma_wait3A_39 = tpu.memref_slice %arg2[%dma_wait3A_37, %dma_wait3A_38] : memref<10000x128xf32, #tpu.memory_space<hbm>> -> memref<10000x128xf32, #tpu.memory_space<hbm>>
    tpu.wait_indirect_dma semaphore(%arg14 : memref<!tpu.dma_semaphore, #tpu.memory_space<semaphore_mem>>) src(%dma_wait3A_39 : memref<10000x128xf32, #tpu.memory_space<hbm>>) dst(%arg11 : memref<96x128xf32, #tpu.memory_space<vmem>>)
    %add3A_40 = arith.constant 9792 : i32
    %add3A_41 = arith.addi %mul3A_2, %add3A_40 : i32
    %dma_wait3A_42 = tpu.memref_slice %arg4[%add3A_41] : memref<322560xi32, #tpu.memory_space<hbm>> -> memref<96xi32, #tpu.memory_space<hbm>>
    %dma_wait3A_43 = tpu.memref_slice %arg4[%add3A_41] : memref<322560xi32, #tpu.memory_space<hbm>> -> memref<96xi32, #tpu.memory_space<hbm>>
    tpu.wait_dma2 semaphore(%arg17 : memref<!tpu.dma_semaphore, #tpu.memory_space<semaphore_mem>>) src(%dma_wait3A_43 : memref<96xi32, #tpu.memory_space<hbm>>) dst(%arg8 : memref<96xi32, #tpu.memory_space<vmem>>)
    "tpu.region"() ({
      %run_scoped3A = tpu.sem_alloc : memref<!tpu.dma_semaphore, #tpu.memory_space<semaphore_mem>>
      %dma_start3A_67 = arith.constant 0 : i32
      %dma_start3A_68 = arith.constant 0 : i32
      %dma_start3A_69 = tpu.memref_slice %arg20[%dma_start3A_67, %dma_start3A_68] : memref<10112x128xf32, #tpu.memory_space<vmem_shared>> -> memref<10112x128xf32, #tpu.memory_space<vmem_shared>>
      tpu.enqueue_indirect_dma source(%arg11 : memref<96x128xf32, #tpu.memory_space<vmem>>) target(%dma_start3A_69 : memref<10112x128xf32, #tpu.memory_space<vmem_shared>>) offsets(%arg8 : memref<96xi32, #tpu.memory_space<vmem>>) semaphore(%run_scoped3A : memref<!tpu.dma_semaphore, #tpu.memory_space<semaphore_mem>>) {add = true}
      %dma_wait3A_70 = arith.constant 0 : i32
      %dma_wait3A_71 = arith.constant 0 : i32
      %dma_wait3A_72 = tpu.memref_slice %arg20[%dma_wait3A_70, %dma_wait3A_71] : memref<10112x128xf32, #tpu.memory_space<vmem_shared>> -> memref<10112x128xf32, #tpu.memory_space<vmem_shared>>
      tpu.wait_indirect_dma semaphore(%run_scoped3A : memref<!tpu.dma_semaphore, #tpu.memory_space<semaphore_mem>>) src(%arg11 : memref<96x128xf32, #tpu.memory_space<vmem>>) dst(%dma_wait3A_72 : memref<10112x128xf32, #tpu.memory_space<vmem_shared>>)
      tpu.yield
    }) : () -> ()
    %dma_wait3A_44 = arith.constant 9888 : i32
    %dma_wait3A_45 = tpu.memref_slice %arg7[%dma_wait3A_44] : memref<10080xi32, #tpu.memory_space<vmem>> -> memref<96xi32, #tpu.memory_space<vmem>>
    %dma_wait3A_46 = arith.constant 0 : i32
    %dma_wait3A_47 = arith.constant 0 : i32
    %dma_wait3A_48 = tpu.memref_slice %arg2[%dma_wait3A_46, %dma_wait3A_47] : memref<10000x128xf32, #tpu.memory_space<hbm>> -> memref<10000x128xf32, #tpu.memory_space<hbm>>
    tpu.wait_indirect_dma semaphore(%arg15 : memref<!tpu.dma_semaphore, #tpu.memory_space<semaphore_mem>>) src(%dma_wait3A_48 : memref<10000x128xf32, #tpu.memory_space<hbm>>) dst(%arg12 : memref<96x128xf32, #tpu.memory_space<vmem>>)
    %add3A_49 = arith.constant 9888 : i32
    %add3A_50 = arith.addi %mul3A_2, %add3A_49 : i32
    %dma_wait3A_51 = tpu.memref_slice %arg4[%add3A_50] : memref<322560xi32, #tpu.memory_space<hbm>> -> memref<96xi32, #tpu.memory_space<hbm>>
    %dma_wait3A_52 = tpu.memref_slice %arg4[%add3A_50] : memref<322560xi32, #tpu.memory_space<hbm>> -> memref<96xi32, #tpu.memory_space<hbm>>
    tpu.wait_dma2 semaphore(%arg18 : memref<!tpu.dma_semaphore, #tpu.memory_space<semaphore_mem>>) src(%dma_wait3A_52 : memref<96xi32, #tpu.memory_space<hbm>>) dst(%arg9 : memref<96xi32, #tpu.memory_space<vmem>>)
    "tpu.region"() ({
      %run_scoped3A = tpu.sem_alloc : memref<!tpu.dma_semaphore, #tpu.memory_space<semaphore_mem>>
      %dma_start3A_67 = arith.constant 0 : i32
      %dma_start3A_68 = arith.constant 0 : i32
      %dma_start3A_69 = tpu.memref_slice %arg20[%dma_start3A_67, %dma_start3A_68] : memref<10112x128xf32, #tpu.memory_space<vmem_shared>> -> memref<10112x128xf32, #tpu.memory_space<vmem_shared>>
      tpu.enqueue_indirect_dma source(%arg12 : memref<96x128xf32, #tpu.memory_space<vmem>>) target(%dma_start3A_69 : memref<10112x128xf32, #tpu.memory_space<vmem_shared>>) offsets(%arg9 : memref<96xi32, #tpu.memory_space<vmem>>) semaphore(%run_scoped3A : memref<!tpu.dma_semaphore, #tpu.memory_space<semaphore_mem>>) {add = true}
      %dma_wait3A_70 = arith.constant 0 : i32
      %dma_wait3A_71 = arith.constant 0 : i32
      %dma_wait3A_72 = tpu.memref_slice %arg20[%dma_wait3A_70, %dma_wait3A_71] : memref<10112x128xf32, #tpu.memory_space<vmem_shared>> -> memref<10112x128xf32, #tpu.memory_space<vmem_shared>>
      tpu.wait_indirect_dma semaphore(%run_scoped3A : memref<!tpu.dma_semaphore, #tpu.memory_space<semaphore_mem>>) src(%arg12 : memref<96x128xf32, #tpu.memory_space<vmem>>) dst(%dma_wait3A_72 : memref<10112x128xf32, #tpu.memory_space<vmem_shared>>)
      tpu.yield
    }) : () -> ()
    %dma_wait3A_53 = arith.constant 9984 : i32
    %dma_wait3A_54 = tpu.memref_slice %arg7[%dma_wait3A_53] : memref<10080xi32, #tpu.memory_space<vmem>> -> memref<96xi32, #tpu.memory_space<vmem>>
    %dma_wait3A_55 = arith.constant 0 : i32
    %dma_wait3A_56 = arith.constant 0 : i32
    %dma_wait3A_57 = tpu.memref_slice %arg2[%dma_wait3A_55, %dma_wait3A_56] : memref<10000x128xf32, #tpu.memory_space<hbm>> -> memref<10000x128xf32, #tpu.memory_space<hbm>>
    tpu.wait_indirect_dma semaphore(%arg16 : memref<!tpu.dma_semaphore, #tpu.memory_space<semaphore_mem>>) src(%dma_wait3A_57 : memref<10000x128xf32, #tpu.memory_space<hbm>>) dst(%arg13 : memref<96x128xf32, #tpu.memory_space<vmem>>)
    %add3A_58 = arith.constant 9984 : i32
    %add3A_59 = arith.addi %mul3A_2, %add3A_58 : i32
    %dma_wait3A_60 = tpu.memref_slice %arg4[%add3A_59] : memref<322560xi32, #tpu.memory_space<hbm>> -> memref<96xi32, #tpu.memory_space<hbm>>
    %dma_wait3A_61 = tpu.memref_slice %arg4[%add3A_59] : memref<322560xi32, #tpu.memory_space<hbm>> -> memref<96xi32, #tpu.memory_space<hbm>>
    tpu.wait_dma2 semaphore(%arg19 : memref<!tpu.dma_semaphore, #tpu.memory_space<semaphore_mem>>) src(%dma_wait3A_61 : memref<96xi32, #tpu.memory_space<hbm>>) dst(%arg10 : memref<96xi32, #tpu.memory_space<vmem>>)
    "tpu.region"() ({
      %run_scoped3A = tpu.sem_alloc : memref<!tpu.dma_semaphore, #tpu.memory_space<semaphore_mem>>
      %dma_start3A_67 = arith.constant 0 : i32
      %dma_start3A_68 = arith.constant 0 : i32
      %dma_start3A_69 = tpu.memref_slice %arg20[%dma_start3A_67, %dma_start3A_68] : memref<10112x128xf32, #tpu.memory_space<vmem_shared>> -> memref<10112x128xf32, #tpu.memory_space<vmem_shared>>
      tpu.enqueue_indirect_dma source(%arg13 : memref<96x128xf32, #tpu.memory_space<vmem>>) target(%dma_start3A_69 : memref<10112x128xf32, #tpu.memory_space<vmem_shared>>) offsets(%arg10 : memref<96xi32, #tpu.memory_space<vmem>>) semaphore(%run_scoped3A : memref<!tpu.dma_semaphore, #tpu.memory_space<semaphore_mem>>) {add = true}
      %dma_wait3A_70 = arith.constant 0 : i32
      %dma_wait3A_71 = arith.constant 0 : i32
      %dma_wait3A_72 = tpu.memref_slice %arg20[%dma_wait3A_70, %dma_wait3A_71] : memref<10112x128xf32, #tpu.memory_space<vmem_shared>> -> memref<10112x128xf32, #tpu.memory_space<vmem_shared>>
      tpu.wait_indirect_dma semaphore(%run_scoped3A : memref<!tpu.dma_semaphore, #tpu.memory_space<semaphore_mem>>) src(%arg13 : memref<96x128xf32, #tpu.memory_space<vmem>>) dst(%dma_wait3A_72 : memref<10112x128xf32, #tpu.memory_space<vmem_shared>>)
      tpu.yield
    }) : () -> ()
    %barrier3A_62 = arith.constant 0 : index
    tpu.barrier barrier_id(%barrier3A_62)
    %mul3A_63 = arith.constant 632 : i32
    %mul3A_64 = arith.muli %arg1, %mul3A_63 : i32
    %mul3A_65 = arith.constant 632 : i32
    %mul3A_66 = arith.muli %arg1, %mul3A_65 : i32
    "tpu.region"() ({
      %run_scoped3A = tpu.sem_alloc : memref<!tpu.dma_semaphore, #tpu.memory_space<semaphore_mem>>
      %dma_start3A_67 = arith.constant 0 : i32
      %dma_start3A_68 = tpu.memref_slice %arg6[%arg0, %mul3A_66, %dma_start3A_67] : memref<2x10112x128xf32, #tpu.memory_space<hbm>> -> memref<1x632x128xf32, #tpu.memory_space<hbm>>
      %dma_start3A_69 = tpu.memref_squeeze %dma_start3A_68 : memref<1x632x128xf32, #tpu.memory_space<hbm>> -> memref<632x128xf32, #tpu.memory_space<hbm>>
      %dma_start3A_70 = arith.constant 0 : i32
      %dma_start3A_71 = tpu.memref_slice %arg20[%mul3A_64, %dma_start3A_70] : memref<10112x128xf32, #tpu.memory_space<vmem_shared>> -> memref<632x128xf32, #tpu.memory_space<vmem_shared>>
      tpu.enqueue_dma source(%dma_start3A_71 : memref<632x128xf32, #tpu.memory_space<vmem_shared>>) target(%dma_start3A_69 : memref<632x128xf32, #tpu.memory_space<hbm>>) target_semaphore(%run_scoped3A : memref<!tpu.dma_semaphore, #tpu.memory_space<semaphore_mem>>)
      %dma_wait3A_72 = arith.constant 0 : i32
      %dma_wait3A_73 = tpu.memref_slice %arg6[%arg0, %mul3A_66, %dma_wait3A_72] : memref<2x10112x128xf32, #tpu.memory_space<hbm>> -> memref<1x632x128xf32, #tpu.memory_space<hbm>>
      %dma_wait3A_74 = tpu.memref_squeeze %dma_wait3A_73 : memref<1x632x128xf32, #tpu.memory_space<hbm>> -> memref<632x128xf32, #tpu.memory_space<hbm>>
      %dma_wait3A_75 = arith.constant 0 : i32
      %dma_wait3A_76 = tpu.memref_slice %arg20[%mul3A_64, %dma_wait3A_75] : memref<10112x128xf32, #tpu.memory_space<vmem_shared>> -> memref<632x128xf32, #tpu.memory_space<vmem_shared>>
      tpu.wait_dma2 semaphore(%run_scoped3A : memref<!tpu.dma_semaphore, #tpu.memory_space<semaphore_mem>>) src(%dma_wait3A_76 : memref<632x128xf32, #tpu.memory_space<vmem_shared>>) dst(%dma_wait3A_74 : memref<632x128xf32, #tpu.memory_space<hbm>>)
      tpu.yield
    }) : () -> ()
    return
  }
}

#map = affine_map<(d0, d1) -> (0, 0)>
#map1 = affine_map<(d0, d1) -> (0)>
#map2 = affine_map<(d0, d1) -> (0, 0, 0)>
module attributes {stable_mosaic.version = 14 : i64} {
  func.func @k(%arg0: i32, %arg1: i32, %arg2: memref<10000x128xf32, #tpu.memory_space<hbm>>, %arg3: memref<322560xi32, #tpu.memory_space<hbm>>, %arg4: memref<322560xi32, #tpu.memory_space<hbm>>, %arg5: memref<632x128xf32, #tpu.memory_space<hbm>>, %arg6: memref<2x10112x128xf32, #tpu.memory_space<hbm>>, %arg7: memref<10080xi32, #tpu.memory_space<vmem>>, %arg8: memref<96xi32, #tpu.memory_space<vmem>>, %arg9: memref<96xi32, #tpu.memory_space<vmem>>, %arg10: memref<96xi32, #tpu.memory_space<vmem>>, %arg11: memref<96x128xf32, #tpu.memory_space<vmem>>, %arg12: memref<96x128xf32, #tpu.memory_space<vmem>>, %arg13: memref<96x128xf32, #tpu.memory_space<vmem>>, %arg14: memref<!tpu.dma_semaphore, #tpu.memory_space<semaphore_mem>>, %arg15: memref<!tpu.dma_semaphore, #tpu.memory_space<semaphore_mem>>, %arg16: memref<!tpu.dma_semaphore, #tpu.memory_space<semaphore_mem>>, %arg17: memref<!tpu.dma_semaphore, #tpu.memory_space<semaphore_mem>>, %arg18: memref<!tpu.dma_semaphore, #tpu.memory_space<semaphore_mem>>, %arg19: memref<!tpu.dma_semaphore, #tpu.memory_space<semaphore_mem>>, %arg20: memref<10112x128xf32, #tpu.memory_space<vmem_shared>>) attributes {dimension_semantics = [#tpu.dimension_semantics<core_parallel>, #tpu.dimension_semantics<subcore_parallel>], iteration_bounds = array<i64: 2, 16>, scalar_prefetch = 0 : i64, scratch_operands = 14 : i64, tpu.core_type = #tpu.core_type<sc_vector_subcore>, window_params = [{transform_indices = #map}, {transform_indices = #map1}, {transform_indices = #map1}, {transform_indices = #map}, {transform_indices = #map2}]} {
    %mul3A = arith.constant 16 : i32
    %mul3A_0 = arith.muli %arg0, %mul3A : i32
    %add3A = arith.addi %mul3A_0, %arg1 : i32
    %mul3A_1 = arith.constant 10080 : i32
    %mul3A_2 = arith.muli %add3A, %mul3A_1 : i32
    %mul3A_3 = arith.constant 632 : i32
    %mul3A_4 = arith.muli %arg1, %mul3A_3 : i32
    "tpu.region"() ({
      %run_scoped3A = tpu.sem_alloc : memref<!tpu.dma_semaphore, #tpu.memory_space<semaphore_mem>>
      %dma_start3A_67 = arith.constant 0 : i32
      %dma_start3A_68 = tpu.memref_slice %arg20[%mul3A_4, %dma_start3A_67] : memref<10112x128xf32, #tpu.memory_space<vmem_shared>> -> memref<632x128xf32, #tpu.memory_space<vmem_shared>>
      tpu.enqueue_dma source(%arg5 : memref<632x128xf32, #tpu.memory_space<hbm>>) target(%dma_start3A_68 : memref<632x128xf32, #tpu.memory_space<vmem_shared>>) target_semaphore(%run_scoped3A : memref<!tpu.dma_semaphore, #tpu.memory_space<semaphore_mem>>)
      %dma_wait3A_69 = arith.constant 0 : i32
      %dma_wait3A_70 = tpu.memref_slice %arg20[%mul3A_4, %dma_wait3A_69] : memref<10112x128xf32, #tpu.memory_space<vmem_shared>> -> memref<632x128xf32, #tpu.memory_space<vmem_shared>>
      tpu.wait_dma2 semaphore(%run_scoped3A : memref<!tpu.dma_semaphore, #tpu.memory_space<semaphore_mem>>) src(%arg5 : memref<632x128xf32, #tpu.memory_space<hbm>>) dst(%dma_wait3A_70 : memref<632x128xf32, #tpu.memory_space<vmem_shared>>)
      tpu.yield
    }) : () -> ()
    "tpu.region"() ({
      %run_scoped3A = tpu.sem_alloc : memref<!tpu.dma_semaphore, #tpu.memory_space<semaphore_mem>>
      %dma_start3A_67 = tpu.memref_slice %arg3[%mul3A_2] : memref<322560xi32, #tpu.memory_space<hbm>> -> memref<10080xi32, #tpu.memory_space<hbm>>
      %dma_start3A_68 = tpu.memref_slice %arg3[%mul3A_2] : memref<322560xi32, #tpu.memory_space<hbm>> -> memref<10080xi32, #tpu.memory_space<hbm>>
      tpu.enqueue_dma source(%dma_start3A_68 : memref<10080xi32, #tpu.memory_space<hbm>>) target(%arg7 : memref<10080xi32, #tpu.memory_space<vmem>>) target_semaphore(%run_scoped3A : memref<!tpu.dma_semaphore, #tpu.memory_space<semaphore_mem>>)
      %dma_wait3A_69 = tpu.memref_slice %arg3[%mul3A_2] : memref<322560xi32, #tpu.memory_space<hbm>> -> memref<10080xi32, #tpu.memory_space<hbm>>
      %dma_wait3A_70 = tpu.memref_slice %arg3[%mul3A_2] : memref<322560xi32, #tpu.memory_space<hbm>> -> memref<10080xi32, #tpu.memory_space<hbm>>
      tpu.wait_dma2 semaphore(%run_scoped3A : memref<!tpu.dma_semaphore, #tpu.memory_space<semaphore_mem>>) src(%dma_wait3A_70 : memref<10080xi32, #tpu.memory_space<hbm>>) dst(%arg7 : memref<10080xi32, #tpu.memory_space<vmem>>)
      tpu.yield
    }) : () -> ()
    %add3A_5 = arith.constant 0 : i32
    %add3A_6 = arith.addi %mul3A_2, %add3A_5 : i32
    %dma_start3A = tpu.memref_slice %arg4[%add3A_6] : memref<322560xi32, #tpu.memory_space<hbm>> -> memref<96xi32, #tpu.memory_space<hbm>>
    %dma_start3A_7 = tpu.memref_slice %arg4[%add3A_6] : memref<322560xi32, #tpu.memory_space<hbm>> -> memref<96xi32, #tpu.memory_space<hbm>>
    tpu.enqueue_dma source(%dma_start3A_7 : memref<96xi32, #tpu.memory_space<hbm>>) target(%arg8 : memref<96xi32, #tpu.memory_space<vmem>>) target_semaphore(%arg17 : memref<!tpu.dma_semaphore, #tpu.memory_space<semaphore_mem>>)
    %dma_start3A_8 = arith.constant 0 : i32
    %dma_start3A_9 = tpu.memref_slice %arg7[%dma_start3A_8] : memref<10080xi32, #tpu.memory_space<vmem>> -> memref<96xi32, #tpu.memory_space<vmem>>
    %dma_start3A_10 = arith.constant 0 : i32
    %dma_start3A_11 = arith.constant 0 : i32
    %dma_start3A_12 = tpu.memref_slice %arg2[%dma_start3A_10, %dma_start3A_11] : memref<10000x128xf32, #tpu.memory_space<hbm>> -> memref<10000x128xf32, #tpu.memory_space<hbm>>
    tpu.enqueue_indirect_dma source(%dma_start3A_12 : memref<10000x128xf32, #tpu.memory_space<hbm>>) target(%arg11 : memref<96x128xf32, #tpu.memory_space<vmem>>) offsets(%dma_start3A_9 : memref<96xi32, #tpu.memory_space<vmem>>) semaphore(%arg14 : memref<!tpu.dma_semaphore, #tpu.memory_space<semaphore_mem>>)
    %add3A_13 = arith.constant 96 : i32
    %add3A_14 = arith.addi %mul3A_2, %add3A_13 : i32
    %dma_start3A_15 = tpu.memref_slice %arg4[%add3A_14] : memref<322560xi32, #tpu.memory_space<hbm>> -> memref<96xi32, #tpu.memory_space<hbm>>
    %dma_start3A_16 = tpu.memref_slice %arg4[%add3A_14] : memref<322560xi32, #tpu.memory_space<hbm>> -> memref<96xi32, #tpu.memory_space<hbm>>
    tpu.enqueue_dma source(%dma_start3A_16 : memref<96xi32, #tpu.memory_space<hbm>>) target(%arg9 : memref<96xi32, #tpu.memory_space<vmem>>) target_semaphore(%arg18 : memref<!tpu.dma_semaphore, #tpu.memory_space<semaphore_mem>>)
    %dma_start3A_17 = arith.constant 96 : i32
    %dma_start3A_18 = tpu.memref_slice %arg7[%dma_start3A_17] : memref<10080xi32, #tpu.memory_space<vmem>> -> memref<96xi32, #tpu.memory_space<vmem>>
    %dma_start3A_19 = arith.constant 0 : i32
    %dma_start3A_20 = arith.constant 0 : i32
    %dma_start3A_21 = tpu.memref_slice %arg2[%dma_start3A_19, %dma_start3A_20] : memref<10000x128xf32, #tpu.memory_space<hbm>> -> memref<10000x128xf32, #tpu.memory_space<hbm>>
    tpu.enqueue_indirect_dma source(%dma_start3A_21 : memref<10000x128xf32, #tpu.memory_space<hbm>>) target(%arg12 : memref<96x128xf32, #tpu.memory_space<vmem>>) offsets(%dma_start3A_18 : memref<96xi32, #tpu.memory_space<vmem>>) semaphore(%arg15 : memref<!tpu.dma_semaphore, #tpu.memory_space<semaphore_mem>>)
    %add3A_22 = arith.constant 192 : i32
    %add3A_23 = arith.addi %mul3A_2, %add3A_22 : i32
    %dma_start3A_24 = tpu.memref_slice %arg4[%add3A_23] : memref<322560xi32, #tpu.memory_space<hbm>> -> memref<96xi32, #tpu.memory_space<hbm>>
    %dma_start3A_25 = tpu.memref_slice %arg4[%add3A_23] : memref<322560xi32, #tpu.memory_space<hbm>> -> memref<96xi32, #tpu.memory_space<hbm>>
    tpu.enqueue_dma source(%dma_start3A_25 : memref<96xi32, #tpu.memory_space<hbm>>) target(%arg10 : memref<96xi32, #tpu.memory_space<vmem>>) target_semaphore(%arg19 : memref<!tpu.dma_semaphore, #tpu.memory_space<semaphore_mem>>)
    %dma_start3A_26 = arith.constant 192 : i32
    %dma_start3A_27 = tpu.memref_slice %arg7[%dma_start3A_26] : memref<10080xi32, #tpu.memory_space<vmem>> -> memref<96xi32, #tpu.memory_space<vmem>>
    %dma_start3A_28 = arith.constant 0 : i32
    %dma_start3A_29 = arith.constant 0 : i32
    %dma_start3A_30 = tpu.memref_slice %arg2[%dma_start3A_28, %dma_start3A_29] : memref<10000x128xf32, #tpu.memory_space<hbm>> -> memref<10000x128xf32, #tpu.memory_space<hbm>>
    tpu.enqueue_indirect_dma source(%dma_start3A_30 : memref<10000x128xf32, #tpu.memory_space<hbm>>) target(%arg13 : memref<96x128xf32, #tpu.memory_space<vmem>>) offsets(%dma_start3A_27 : memref<96xi32, #tpu.memory_space<vmem>>) semaphore(%arg16 : memref<!tpu.dma_semaphore, #tpu.memory_space<semaphore_mem>>)
    %barrier3A = arith.constant 0 : index
    tpu.barrier barrier_id(%barrier3A)
    %scan3A = arith.constant 0 : i32
    %scan3A_31 = arith.constant 0 : i32
    %scan3A_32 = arith.constant 34 : i32
    %scan3A_33 = arith.addi %scan3A_31, %scan3A_32 : i32
    %scan3A_34 = arith.constant 1 : i32
    scf.for %scan3A_67 = %scan3A_31 to %scan3A_33 step %scan3A_34  : i32 {
      %mul3A_68 = arith.constant 3 : i32
      %mul3A_69 = arith.muli %mul3A_68, %scan3A_67 : i32
      %add3A_70 = arith.constant 0 : i32
      %add3A_71 = arith.addi %mul3A_69, %add3A_70 : i32
      %mul3A_72 = arith.constant 96 : i32
      %mul3A_73 = arith.muli %add3A_71, %mul3A_72 : i32
      %dma_wait3A_74 = tpu.memref_slice %arg7[%mul3A_73] : memref<10080xi32, #tpu.memory_space<vmem>> -> memref<96xi32, #tpu.memory_space<vmem>>
      %dma_wait3A_75 = arith.constant 0 : i32
      %dma_wait3A_76 = arith.constant 0 : i32
      %dma_wait3A_77 = tpu.memref_slice %arg2[%dma_wait3A_75, %dma_wait3A_76] : memref<10000x128xf32, #tpu.memory_space<hbm>> -> memref<10000x128xf32, #tpu.memory_space<hbm>>
      tpu.wait_indirect_dma semaphore(%arg14 : memref<!tpu.dma_semaphore, #tpu.memory_space<semaphore_mem>>) src(%dma_wait3A_77 : memref<10000x128xf32, #tpu.memory_space<hbm>>) dst(%arg11 : memref<96x128xf32, #tpu.memory_space<vmem>>)
      %add3A_78 = arith.constant 0 : i32
      %add3A_79 = arith.addi %mul3A_69, %add3A_78 : i32
      %mul3A_80 = arith.constant 96 : i32
      %mul3A_81 = arith.muli %add3A_79, %mul3A_80 : i32
      %add3A_82 = arith.addi %mul3A_2, %mul3A_81 : i32
      %dma_wait3A_83 = tpu.memref_slice %arg4[%add3A_82] : memref<322560xi32, #tpu.memory_space<hbm>> -> memref<96xi32, #tpu.memory_space<hbm>>
      %dma_wait3A_84 = tpu.memref_slice %arg4[%add3A_82] : memref<322560xi32, #tpu.memory_space<hbm>> -> memref<96xi32, #tpu.memory_space<hbm>>
      tpu.wait_dma2 semaphore(%arg17 : memref<!tpu.dma_semaphore, #tpu.memory_space<semaphore_mem>>) src(%dma_wait3A_84 : memref<96xi32, #tpu.memory_space<hbm>>) dst(%arg8 : memref<96xi32, #tpu.memory_space<vmem>>)
      "tpu.region"() ({
        %run_scoped3A = tpu.sem_alloc : memref<!tpu.dma_semaphore, #tpu.memory_space<semaphore_mem>>
        %dma_start3A_172 = arith.constant 0 : i32
        %dma_start3A_173 = arith.constant 0 : i32
        %dma_start3A_174 = tpu.memref_slice %arg20[%dma_start3A_172, %dma_start3A_173] : memref<10112x128xf32, #tpu.memory_space<vmem_shared>> -> memref<10112x128xf32, #tpu.memory_space<vmem_shared>>
        tpu.enqueue_indirect_dma source(%arg11 : memref<96x128xf32, #tpu.memory_space<vmem>>) target(%dma_start3A_174 : memref<10112x128xf32, #tpu.memory_space<vmem_shared>>) offsets(%arg8 : memref<96xi32, #tpu.memory_space<vmem>>) semaphore(%run_scoped3A : memref<!tpu.dma_semaphore, #tpu.memory_space<semaphore_mem>>) {add = true}
        %dma_wait3A_175 = arith.constant 0 : i32
        %dma_wait3A_176 = arith.constant 0 : i32
        %dma_wait3A_177 = tpu.memref_slice %arg20[%dma_wait3A_175, %dma_wait3A_176] : memref<10112x128xf32, #tpu.memory_space<vmem_shared>> -> memref<10112x128xf32, #tpu.memory_space<vmem_shared>>
        tpu.wait_indirect_dma semaphore(%run_scoped3A : memref<!tpu.dma_semaphore, #tpu.memory_space<semaphore_mem>>) src(%arg11 : memref<96x128xf32, #tpu.memory_space<vmem>>) dst(%dma_wait3A_177 : memref<10112x128xf32, #tpu.memory_space<vmem_shared>>)
        tpu.yield
      }) : () -> ()
      %add3A_85 = arith.constant 0 : i32
      %add3A_86 = arith.addi %mul3A_69, %add3A_85 : i32
      %add3A_87 = arith.constant 3 : i32
      %add3A_88 = arith.addi %add3A_86, %add3A_87 : i32
      %mul3A_89 = arith.constant 96 : i32
      %mul3A_90 = arith.muli %add3A_88, %mul3A_89 : i32
      %dma_start3A_91 = tpu.memref_slice %arg7[%mul3A_90] : memref<10080xi32, #tpu.memory_space<vmem>> -> memref<96xi32, #tpu.memory_space<vmem>>
      %dma_start3A_92 = arith.constant 0 : i32
      %dma_start3A_93 = arith.constant 0 : i32
      %dma_start3A_94 = tpu.memref_slice %arg2[%dma_start3A_92, %dma_start3A_93] : memref<10000x128xf32, #tpu.memory_space<hbm>> -> memref<10000x128xf32, #tpu.memory_space<hbm>>
      tpu.enqueue_indirect_dma source(%dma_start3A_94 : memref<10000x128xf32, #tpu.memory_space<hbm>>) target(%arg11 : memref<96x128xf32, #tpu.memory_space<vmem>>) offsets(%dma_start3A_91 : memref<96xi32, #tpu.memory_space<vmem>>) semaphore(%arg14 : memref<!tpu.dma_semaphore, #tpu.memory_space<semaphore_mem>>)
      %add3A_95 = arith.constant 0 : i32
      %add3A_96 = arith.addi %mul3A_69, %add3A_95 : i32
      %add3A_97 = arith.constant 3 : i32
      %add3A_98 = arith.addi %add3A_96, %add3A_97 : i32
      %mul3A_99 = arith.constant 96 : i32
      %mul3A_100 = arith.muli %add3A_98, %mul3A_99 : i32
      %add3A_101 = arith.addi %mul3A_2, %mul3A_100 : i32
      %dma_start3A_102 = tpu.memref_slice %arg4[%add3A_101] : memref<322560xi32, #tpu.memory_space<hbm>> -> memref<96xi32, #tpu.memory_space<hbm>>
      %dma_start3A_103 = tpu.memref_slice %arg4[%add3A_101] : memref<322560xi32, #tpu.memory_space<hbm>> -> memref<96xi32, #tpu.memory_space<hbm>>
      tpu.enqueue_dma source(%dma_start3A_103 : memref<96xi32, #tpu.memory_space<hbm>>) target(%arg8 : memref<96xi32, #tpu.memory_space<vmem>>) target_semaphore(%arg17 : memref<!tpu.dma_semaphore, #tpu.memory_space<semaphore_mem>>)
      %add3A_104 = arith.constant 1 : i32
      %add3A_105 = arith.addi %mul3A_69, %add3A_104 : i32
      %mul3A_106 = arith.constant 96 : i32
      %mul3A_107 = arith.muli %add3A_105, %mul3A_106 : i32
      %dma_wait3A_108 = tpu.memref_slice %arg7[%mul3A_107] : memref<10080xi32, #tpu.memory_space<vmem>> -> memref<96xi32, #tpu.memory_space<vmem>>
      %dma_wait3A_109 = arith.constant 0 : i32
      %dma_wait3A_110 = arith.constant 0 : i32
      %dma_wait3A_111 = tpu.memref_slice %arg2[%dma_wait3A_109, %dma_wait3A_110] : memref<10000x128xf32, #tpu.memory_space<hbm>> -> memref<10000x128xf32, #tpu.memory_space<hbm>>
      tpu.wait_indirect_dma semaphore(%arg15 : memref<!tpu.dma_semaphore, #tpu.memory_space<semaphore_mem>>) src(%dma_wait3A_111 : memref<10000x128xf32, #tpu.memory_space<hbm>>) dst(%arg12 : memref<96x128xf32, #tpu.memory_space<vmem>>)
      %add3A_112 = arith.constant 1 : i32
      %add3A_113 = arith.addi %mul3A_69, %add3A_112 : i32
      %mul3A_114 = arith.constant 96 : i32
      %mul3A_115 = arith.muli %add3A_113, %mul3A_114 : i32
      %add3A_116 = arith.addi %mul3A_2, %mul3A_115 : i32
      %dma_wait3A_117 = tpu.memref_slice %arg4[%add3A_116] : memref<322560xi32, #tpu.memory_space<hbm>> -> memref<96xi32, #tpu.memory_space<hbm>>
      %dma_wait3A_118 = tpu.memref_slice %arg4[%add3A_116] : memref<322560xi32, #tpu.memory_space<hbm>> -> memref<96xi32, #tpu.memory_space<hbm>>
      tpu.wait_dma2 semaphore(%arg18 : memref<!tpu.dma_semaphore, #tpu.memory_space<semaphore_mem>>) src(%dma_wait3A_118 : memref<96xi32, #tpu.memory_space<hbm>>) dst(%arg9 : memref<96xi32, #tpu.memory_space<vmem>>)
      "tpu.region"() ({
        %run_scoped3A = tpu.sem_alloc : memref<!tpu.dma_semaphore, #tpu.memory_space<semaphore_mem>>
        %dma_start3A_172 = arith.constant 0 : i32
        %dma_start3A_173 = arith.constant 0 : i32
        %dma_start3A_174 = tpu.memref_slice %arg20[%dma_start3A_172, %dma_start3A_173] : memref<10112x128xf32, #tpu.memory_space<vmem_shared>> -> memref<10112x128xf32, #tpu.memory_space<vmem_shared>>
        tpu.enqueue_indirect_dma source(%arg12 : memref<96x128xf32, #tpu.memory_space<vmem>>) target(%dma_start3A_174 : memref<10112x128xf32, #tpu.memory_space<vmem_shared>>) offsets(%arg9 : memref<96xi32, #tpu.memory_space<vmem>>) semaphore(%run_scoped3A : memref<!tpu.dma_semaphore, #tpu.memory_space<semaphore_mem>>) {add = true}
        %dma_wait3A_175 = arith.constant 0 : i32
        %dma_wait3A_176 = arith.constant 0 : i32
        %dma_wait3A_177 = tpu.memref_slice %arg20[%dma_wait3A_175, %dma_wait3A_176] : memref<10112x128xf32, #tpu.memory_space<vmem_shared>> -> memref<10112x128xf32, #tpu.memory_space<vmem_shared>>
        tpu.wait_indirect_dma semaphore(%run_scoped3A : memref<!tpu.dma_semaphore, #tpu.memory_space<semaphore_mem>>) src(%arg12 : memref<96x128xf32, #tpu.memory_space<vmem>>) dst(%dma_wait3A_177 : memref<10112x128xf32, #tpu.memory_space<vmem_shared>>)
        tpu.yield
      }) : () -> ()
      %add3A_119 = arith.constant 1 : i32
      %add3A_120 = arith.addi %mul3A_69, %add3A_119 : i32
      %add3A_121 = arith.constant 3 : i32
      %add3A_122 = arith.addi %add3A_120, %add3A_121 : i32
      %mul3A_123 = arith.constant 96 : i32
      %mul3A_124 = arith.muli %add3A_122, %mul3A_123 : i32
      %dma_start3A_125 = tpu.memref_slice %arg7[%mul3A_124] : memref<10080xi32, #tpu.memory_space<vmem>> -> memref<96xi32, #tpu.memory_space<vmem>>
      %dma_start3A_126 = arith.constant 0 : i32
      %dma_start3A_127 = arith.constant 0 : i32
      %dma_start3A_128 = tpu.memref_slice %arg2[%dma_start3A_126, %dma_start3A_127] : memref<10000x128xf32, #tpu.memory_space<hbm>> -> memref<10000x128xf32, #tpu.memory_space<hbm>>
      tpu.enqueue_indirect_dma source(%dma_start3A_128 : memref<10000x128xf32, #tpu.memory_space<hbm>>) target(%arg12 : memref<96x128xf32, #tpu.memory_space<vmem>>) offsets(%dma_start3A_125 : memref<96xi32, #tpu.memory_space<vmem>>) semaphore(%arg15 : memref<!tpu.dma_semaphore, #tpu.memory_space<semaphore_mem>>)
      %add3A_129 = arith.constant 1 : i32
      %add3A_130 = arith.addi %mul3A_69, %add3A_129 : i32
      %add3A_131 = arith.constant 3 : i32
      %add3A_132 = arith.addi %add3A_130, %add3A_131 : i32
      %mul3A_133 = arith.constant 96 : i32
      %mul3A_134 = arith.muli %add3A_132, %mul3A_133 : i32
      %add3A_135 = arith.addi %mul3A_2, %mul3A_134 : i32
      %dma_start3A_136 = tpu.memref_slice %arg4[%add3A_135] : memref<322560xi32, #tpu.memory_space<hbm>> -> memref<96xi32, #tpu.memory_space<hbm>>
      %dma_start3A_137 = tpu.memref_slice %arg4[%add3A_135] : memref<322560xi32, #tpu.memory_space<hbm>> -> memref<96xi32, #tpu.memory_space<hbm>>
      tpu.enqueue_dma source(%dma_start3A_137 : memref<96xi32, #tpu.memory_space<hbm>>) target(%arg9 : memref<96xi32, #tpu.memory_space<vmem>>) target_semaphore(%arg18 : memref<!tpu.dma_semaphore, #tpu.memory_space<semaphore_mem>>)
      %add3A_138 = arith.constant 2 : i32
      %add3A_139 = arith.addi %mul3A_69, %add3A_138 : i32
      %mul3A_140 = arith.constant 96 : i32
      %mul3A_141 = arith.muli %add3A_139, %mul3A_140 : i32
      %dma_wait3A_142 = tpu.memref_slice %arg7[%mul3A_141] : memref<10080xi32, #tpu.memory_space<vmem>> -> memref<96xi32, #tpu.memory_space<vmem>>
      %dma_wait3A_143 = arith.constant 0 : i32
      %dma_wait3A_144 = arith.constant 0 : i32
      %dma_wait3A_145 = tpu.memref_slice %arg2[%dma_wait3A_143, %dma_wait3A_144] : memref<10000x128xf32, #tpu.memory_space<hbm>> -> memref<10000x128xf32, #tpu.memory_space<hbm>>
      tpu.wait_indirect_dma semaphore(%arg16 : memref<!tpu.dma_semaphore, #tpu.memory_space<semaphore_mem>>) src(%dma_wait3A_145 : memref<10000x128xf32, #tpu.memory_space<hbm>>) dst(%arg13 : memref<96x128xf32, #tpu.memory_space<vmem>>)
      %add3A_146 = arith.constant 2 : i32
      %add3A_147 = arith.addi %mul3A_69, %add3A_146 : i32
      %mul3A_148 = arith.constant 96 : i32
      %mul3A_149 = arith.muli %add3A_147, %mul3A_148 : i32
      %add3A_150 = arith.addi %mul3A_2, %mul3A_149 : i32
      %dma_wait3A_151 = tpu.memref_slice %arg4[%add3A_150] : memref<322560xi32, #tpu.memory_space<hbm>> -> memref<96xi32, #tpu.memory_space<hbm>>
      %dma_wait3A_152 = tpu.memref_slice %arg4[%add3A_150] : memref<322560xi32, #tpu.memory_space<hbm>> -> memref<96xi32, #tpu.memory_space<hbm>>
      tpu.wait_dma2 semaphore(%arg19 : memref<!tpu.dma_semaphore, #tpu.memory_space<semaphore_mem>>) src(%dma_wait3A_152 : memref<96xi32, #tpu.memory_space<hbm>>) dst(%arg10 : memref<96xi32, #tpu.memory_space<vmem>>)
      "tpu.region"() ({
        %run_scoped3A = tpu.sem_alloc : memref<!tpu.dma_semaphore, #tpu.memory_space<semaphore_mem>>
        %dma_start3A_172 = arith.constant 0 : i32
        %dma_start3A_173 = arith.constant 0 : i32
        %dma_start3A_174 = tpu.memref_slice %arg20[%dma_start3A_172, %dma_start3A_173] : memref<10112x128xf32, #tpu.memory_space<vmem_shared>> -> memref<10112x128xf32, #tpu.memory_space<vmem_shared>>
        tpu.enqueue_indirect_dma source(%arg13 : memref<96x128xf32, #tpu.memory_space<vmem>>) target(%dma_start3A_174 : memref<10112x128xf32, #tpu.memory_space<vmem_shared>>) offsets(%arg10 : memref<96xi32, #tpu.memory_space<vmem>>) semaphore(%run_scoped3A : memref<!tpu.dma_semaphore, #tpu.memory_space<semaphore_mem>>) {add = true}
        %dma_wait3A_175 = arith.constant 0 : i32
        %dma_wait3A_176 = arith.constant 0 : i32
        %dma_wait3A_177 = tpu.memref_slice %arg20[%dma_wait3A_175, %dma_wait3A_176] : memref<10112x128xf32, #tpu.memory_space<vmem_shared>> -> memref<10112x128xf32, #tpu.memory_space<vmem_shared>>
        tpu.wait_indirect_dma semaphore(%run_scoped3A : memref<!tpu.dma_semaphore, #tpu.memory_space<semaphore_mem>>) src(%arg13 : memref<96x128xf32, #tpu.memory_space<vmem>>) dst(%dma_wait3A_177 : memref<10112x128xf32, #tpu.memory_space<vmem_shared>>)
        tpu.yield
      }) : () -> ()
      %add3A_153 = arith.constant 2 : i32
      %add3A_154 = arith.addi %mul3A_69, %add3A_153 : i32
      %add3A_155 = arith.constant 3 : i32
      %add3A_156 = arith.addi %add3A_154, %add3A_155 : i32
      %mul3A_157 = arith.constant 96 : i32
      %mul3A_158 = arith.muli %add3A_156, %mul3A_157 : i32
      %dma_start3A_159 = tpu.memref_slice %arg7[%mul3A_158] : memref<10080xi32, #tpu.memory_space<vmem>> -> memref<96xi32, #tpu.memory_space<vmem>>
      %dma_start3A_160 = arith.constant 0 : i32
      %dma_start3A_161 = arith.constant 0 : i32
      %dma_start3A_162 = tpu.memref_slice %arg2[%dma_start3A_160, %dma_start3A_161] : memref<10000x128xf32, #tpu.memory_space<hbm>> -> memref<10000x128xf32, #tpu.memory_space<hbm>>
      tpu.enqueue_indirect_dma source(%dma_start3A_162 : memref<10000x128xf32, #tpu.memory_space<hbm>>) target(%arg13 : memref<96x128xf32, #tpu.memory_space<vmem>>) offsets(%dma_start3A_159 : memref<96xi32, #tpu.memory_space<vmem>>) semaphore(%arg16 : memref<!tpu.dma_semaphore, #tpu.memory_space<semaphore_mem>>)
      %add3A_163 = arith.constant 2 : i32
      %add3A_164 = arith.addi %mul3A_69, %add3A_163 : i32
      %add3A_165 = arith.constant 3 : i32
      %add3A_166 = arith.addi %add3A_164, %add3A_165 : i32
      %mul3A_167 = arith.constant 96 : i32
      %mul3A_168 = arith.muli %add3A_166, %mul3A_167 : i32
      %add3A_169 = arith.addi %mul3A_2, %mul3A_168 : i32
      %dma_start3A_170 = tpu.memref_slice %arg4[%add3A_169] : memref<322560xi32, #tpu.memory_space<hbm>> -> memref<96xi32, #tpu.memory_space<hbm>>
      %dma_start3A_171 = tpu.memref_slice %arg4[%add3A_169] : memref<322560xi32, #tpu.memory_space<hbm>> -> memref<96xi32, #tpu.memory_space<hbm>>
      tpu.enqueue_dma source(%dma_start3A_171 : memref<96xi32, #tpu.memory_space<hbm>>) target(%arg10 : memref<96xi32, #tpu.memory_space<vmem>>) target_semaphore(%arg19 : memref<!tpu.dma_semaphore, #tpu.memory_space<semaphore_mem>>)
    }
    %scan3A_35 = arith.constant 34 : i32
    %dma_wait3A = arith.constant 9792 : i32
    %dma_wait3A_36 = tpu.memref_slice %arg7[%dma_wait3A] : memref<10080xi32, #tpu.memory_space<vmem>> -> memref<96xi32, #tpu.memory_space<vmem>>
    %dma_wait3A_37 = arith.constant 0 : i32
    %dma_wait3A_38 = arith.constant 0 : i32
    %dma_wait3A_39 = tpu.memref_slice %arg2[%dma_wait3A_37, %dma_wait3A_38] : memref<10000x128xf32, #tpu.memory_space<hbm>> -> memref<10000x128xf32, #tpu.memory_space<hbm>>
    tpu.wait_indirect_dma semaphore(%arg14 : memref<!tpu.dma_semaphore, #tpu.memory_space<semaphore_mem>>) src(%dma_wait3A_39 : memref<10000x128xf32, #tpu.memory_space<hbm>>) dst(%arg11 : memref<96x128xf32, #tpu.memory_space<vmem>>)
    %add3A_40 = arith.constant 9792 : i32
    %add3A_41 = arith.addi %mul3A_2, %add3A_40 : i32
    %dma_wait3A_42 = tpu.memref_slice %arg4[%add3A_41] : memref<322560xi32, #tpu.memory_space<hbm>> -> memref<96xi32, #tpu.memory_space<hbm>>
    %dma_wait3A_43 = tpu.memref_slice %arg4[%add3A_41] : memref<322560xi32, #tpu.memory_space<hbm>> -> memref<96xi32, #tpu.memory_space<hbm>>
    tpu.wait_dma2 semaphore(%arg17 : memref<!tpu.dma_semaphore, #tpu.memory_space<semaphore_mem>>) src(%dma_wait3A_43 : memref<96xi32, #tpu.memory_space<hbm>>) dst(%arg8 : memref<96xi32, #tpu.memory_space<vmem>>)
    "tpu.region"() ({
      %run_scoped3A = tpu.sem_alloc : memref<!tpu.dma_semaphore, #tpu.memory_space<semaphore_mem>>
      %dma_start3A_67 = arith.constant 0 : i32
      %dma_start3A_68 = arith.constant 0 : i32
      %dma_start3A_69 = tpu.memref_slice %arg20[%dma_start3A_67, %dma_start3A_68] : memref<10112x128xf32, #tpu.memory_space<vmem_shared>> -> memref<10112x128xf32, #tpu.memory_space<vmem_shared>>
      tpu.enqueue_indirect_dma source(%arg11 : memref<96x128xf32, #tpu.memory_space<vmem>>) target(%dma_start3A_69 : memref<10112x128xf32, #tpu.memory_space<vmem_shared>>) offsets(%arg8 : memref<96xi32, #tpu.memory_space<vmem>>) semaphore(%run_scoped3A : memref<!tpu.dma_semaphore, #tpu.memory_space<semaphore_mem>>) {add = true}
      %dma_wait3A_70 = arith.constant 0 : i32
      %dma_wait3A_71 = arith.constant 0 : i32
      %dma_wait3A_72 = tpu.memref_slice %arg20[%dma_wait3A_70, %dma_wait3A_71] : memref<10112x128xf32, #tpu.memory_space<vmem_shared>> -> memref<10112x128xf32, #tpu.memory_space<vmem_shared>>
      tpu.wait_indirect_dma semaphore(%run_scoped3A : memref<!tpu.dma_semaphore, #tpu.memory_space<semaphore_mem>>) src(%arg11 : memref<96x128xf32, #tpu.memory_space<vmem>>) dst(%dma_wait3A_72 : memref<10112x128xf32, #tpu.memory_space<vmem_shared>>)
      tpu.yield
    }) : () -> ()
    %dma_wait3A_44 = arith.constant 9888 : i32
    %dma_wait3A_45 = tpu.memref_slice %arg7[%dma_wait3A_44] : memref<10080xi32, #tpu.memory_space<vmem>> -> memref<96xi32, #tpu.memory_space<vmem>>
    %dma_wait3A_46 = arith.constant 0 : i32
    %dma_wait3A_47 = arith.constant 0 : i32
    %dma_wait3A_48 = tpu.memref_slice %arg2[%dma_wait3A_46, %dma_wait3A_47] : memref<10000x128xf32, #tpu.memory_space<hbm>> -> memref<10000x128xf32, #tpu.memory_space<hbm>>
    tpu.wait_indirect_dma semaphore(%arg15 : memref<!tpu.dma_semaphore, #tpu.memory_space<semaphore_mem>>) src(%dma_wait3A_48 : memref<10000x128xf32, #tpu.memory_space<hbm>>) dst(%arg12 : memref<96x128xf32, #tpu.memory_space<vmem>>)
    %add3A_49 = arith.constant 9888 : i32
    %add3A_50 = arith.addi %mul3A_2, %add3A_49 : i32
    %dma_wait3A_51 = tpu.memref_slice %arg4[%add3A_50] : memref<322560xi32, #tpu.memory_space<hbm>> -> memref<96xi32, #tpu.memory_space<hbm>>
    %dma_wait3A_52 = tpu.memref_slice %arg4[%add3A_50] : memref<322560xi32, #tpu.memory_space<hbm>> -> memref<96xi32, #tpu.memory_space<hbm>>
    tpu.wait_dma2 semaphore(%arg18 : memref<!tpu.dma_semaphore, #tpu.memory_space<semaphore_mem>>) src(%dma_wait3A_52 : memref<96xi32, #tpu.memory_space<hbm>>) dst(%arg9 : memref<96xi32, #tpu.memory_space<vmem>>)
    "tpu.region"() ({
      %run_scoped3A = tpu.sem_alloc : memref<!tpu.dma_semaphore, #tpu.memory_space<semaphore_mem>>
      %dma_start3A_67 = arith.constant 0 : i32
      %dma_start3A_68 = arith.constant 0 : i32
      %dma_start3A_69 = tpu.memref_slice %arg20[%dma_start3A_67, %dma_start3A_68] : memref<10112x128xf32, #tpu.memory_space<vmem_shared>> -> memref<10112x128xf32, #tpu.memory_space<vmem_shared>>
      tpu.enqueue_indirect_dma source(%arg12 : memref<96x128xf32, #tpu.memory_space<vmem>>) target(%dma_start3A_69 : memref<10112x128xf32, #tpu.memory_space<vmem_shared>>) offsets(%arg9 : memref<96xi32, #tpu.memory_space<vmem>>) semaphore(%run_scoped3A : memref<!tpu.dma_semaphore, #tpu.memory_space<semaphore_mem>>) {add = true}
      %dma_wait3A_70 = arith.constant 0 : i32
      %dma_wait3A_71 = arith.constant 0 : i32
      %dma_wait3A_72 = tpu.memref_slice %arg20[%dma_wait3A_70, %dma_wait3A_71] : memref<10112x128xf32, #tpu.memory_space<vmem_shared>> -> memref<10112x128xf32, #tpu.memory_space<vmem_shared>>
      tpu.wait_indirect_dma semaphore(%run_scoped3A : memref<!tpu.dma_semaphore, #tpu.memory_space<semaphore_mem>>) src(%arg12 : memref<96x128xf32, #tpu.memory_space<vmem>>) dst(%dma_wait3A_72 : memref<10112x128xf32, #tpu.memory_space<vmem_shared>>)
      tpu.yield
    }) : () -> ()
    %dma_wait3A_53 = arith.constant 9984 : i32
    %dma_wait3A_54 = tpu.memref_slice %arg7[%dma_wait3A_53] : memref<10080xi32, #tpu.memory_space<vmem>> -> memref<96xi32, #tpu.memory_space<vmem>>
    %dma_wait3A_55 = arith.constant 0 : i32
    %dma_wait3A_56 = arith.constant 0 : i32
    %dma_wait3A_57 = tpu.memref_slice %arg2[%dma_wait3A_55, %dma_wait3A_56] : memref<10000x128xf32, #tpu.memory_space<hbm>> -> memref<10000x128xf32, #tpu.memory_space<hbm>>
    tpu.wait_indirect_dma semaphore(%arg16 : memref<!tpu.dma_semaphore, #tpu.memory_space<semaphore_mem>>) src(%dma_wait3A_57 : memref<10000x128xf32, #tpu.memory_space<hbm>>) dst(%arg13 : memref<96x128xf32, #tpu.memory_space<vmem>>)
    %add3A_58 = arith.constant 9984 : i32
    %add3A_59 = arith.addi %mul3A_2, %add3A_58 : i32
    %dma_wait3A_60 = tpu.memref_slice %arg4[%add3A_59] : memref<322560xi32, #tpu.memory_space<hbm>> -> memref<96xi32, #tpu.memory_space<hbm>>
    %dma_wait3A_61 = tpu.memref_slice %arg4[%add3A_59] : memref<322560xi32, #tpu.memory_space<hbm>> -> memref<96xi32, #tpu.memory_space<hbm>>
    tpu.wait_dma2 semaphore(%arg19 : memref<!tpu.dma_semaphore, #tpu.memory_space<semaphore_mem>>) src(%dma_wait3A_61 : memref<96xi32, #tpu.memory_space<hbm>>) dst(%arg10 : memref<96xi32, #tpu.memory_space<vmem>>)
    "tpu.region"() ({
      %run_scoped3A = tpu.sem_alloc : memref<!tpu.dma_semaphore, #tpu.memory_space<semaphore_mem>>
      %dma_start3A_67 = arith.constant 0 : i32
      %dma_start3A_68 = arith.constant 0 : i32
      %dma_start3A_69 = tpu.memref_slice %arg20[%dma_start3A_67, %dma_start3A_68] : memref<10112x128xf32, #tpu.memory_space<vmem_shared>> -> memref<10112x128xf32, #tpu.memory_space<vmem_shared>>
      tpu.enqueue_indirect_dma source(%arg13 : memref<96x128xf32, #tpu.memory_space<vmem>>) target(%dma_start3A_69 : memref<10112x128xf32, #tpu.memory_space<vmem_shared>>) offsets(%arg10 : memref<96xi32, #tpu.memory_space<vmem>>) semaphore(%run_scoped3A : memref<!tpu.dma_semaphore, #tpu.memory_space<semaphore_mem>>) {add = true}
      %dma_wait3A_70 = arith.constant 0 : i32
      %dma_wait3A_71 = arith.constant 0 : i32
      %dma_wait3A_72 = tpu.memref_slice %arg20[%dma_wait3A_70, %dma_wait3A_71] : memref<10112x128xf32, #tpu.memory_space<vmem_shared>> -> memref<10112x128xf32, #tpu.memory_space<vmem_shared>>
      tpu.wait_indirect_dma semaphore(%run_scoped3A : memref<!tpu.dma_semaphore, #tpu.memory_space<semaphore_mem>>) src(%arg13 : memref<96x128xf32, #tpu.memory_space<vmem>>) dst(%dma_wait3A_72 : memref<10112x128xf32, #tpu.memory_space<vmem_shared>>)
      tpu.yield
    }) : () -> ()
    %barrier3A_62 = arith.constant 0 : index
    tpu.barrier barrier_id(%barrier3A_62)
    %mul3A_63 = arith.constant 632 : i32
    %mul3A_64 = arith.muli %arg1, %mul3A_63 : i32
    %mul3A_65 = arith.constant 632 : i32
    %mul3A_66 = arith.muli %arg1, %mul3A_65 : i32
    "tpu.region"() ({
      %run_scoped3A = tpu.sem_alloc : memref<!tpu.dma_semaphore, #tpu.memory_space<semaphore_mem>>
      %dma_start3A_67 = arith.constant 0 : i32
      %dma_start3A_68 = tpu.memref_slice %arg6[%arg0, %mul3A_66, %dma_start3A_67] : memref<2x10112x128xf32, #tpu.memory_space<hbm>> -> memref<1x632x128xf32, #tpu.memory_space<hbm>>
      %dma_start3A_69 = tpu.memref_squeeze %dma_start3A_68 : memref<1x632x128xf32, #tpu.memory_space<hbm>> -> memref<632x128xf32, #tpu.memory_space<hbm>>
      %dma_start3A_70 = arith.constant 0 : i32
      %dma_start3A_71 = tpu.memref_slice %arg20[%mul3A_64, %dma_start3A_70] : memref<10112x128xf32, #tpu.memory_space<vmem_shared>> -> memref<632x128xf32, #tpu.memory_space<vmem_shared>>
      tpu.enqueue_dma source(%dma_start3A_71 : memref<632x128xf32, #tpu.memory_space<vmem_shared>>) target(%dma_start3A_69 : memref<632x128xf32, #tpu.memory_space<hbm>>) target_semaphore(%run_scoped3A : memref<!tpu.dma_semaphore, #tpu.memory_space<semaphore_mem>>)
      %dma_wait3A_72 = arith.constant 0 : i32
      %dma_wait3A_73 = tpu.memref_slice %arg6[%arg0, %mul3A_66, %dma_wait3A_72] : memref<2x10112x128xf32, #tpu.memory_space<hbm>> -> memref<1x632x128xf32, #tpu.memory_space<hbm>>
      %dma_wait3A_74 = tpu.memref_squeeze %dma_wait3A_73 : memref<1x632x128xf32, #tpu.memory_space<hbm>> -> memref<632x128xf32, #tpu.memory_space<hbm>>
      %dma_wait3A_75 = arith.constant 0 : i32
      %dma_wait3A_76 = tpu.memref_slice %arg20[%mul3A_64, %dma_wait3A_75] : memref<10112x128xf32, #tpu.memory_space<vmem_shared>> -> memref<632x128xf32, #tpu.memory_space<vmem_shared>>
      tpu.wait_dma2 semaphore(%run_scoped3A : memref<!tpu.dma_semaphore, #tpu.memory_space<semaphore_mem>>) src(%dma_wait3A_76 : memref<632x128xf32, #tpu.memory_space<vmem_shared>>) dst(%dma_wait3A_74 : memref<632x128xf32, #tpu.memory_space<hbm>>)
      tpu.yield
    }) : () -> ()
    return
  }
}

module attributes {stable_mosaic.version = 14 : i64} {
  func.func @_tc0_body(%arg0: i32, %arg1: memref<2000x128xf32, #tpu.memory_space<vmem>>, %arg2: memref<128x128xf32, #tpu.memory_space<vmem>>, %arg3: memref<1x128xf32, #tpu.memory_space<vmem>>, %arg4: memref<1x128xf32, #tpu.memory_space<vmem>>, %arg5: memref<1x128xf32, #tpu.memory_space<vmem>>, %arg6: memref<2x2000x128xf32, #tpu.memory_space<vmem>>, %arg7: memref<128x128xf32, #tpu.memory_space<vmem>>, %arg8: memref<2000x128xf32, #tpu.memory_space<vmem>>, %arg9: memref<2000x128xf32, #tpu.memory_space<vmem>>) attributes {dimension_semantics = [#tpu.dimension_semantics<arbitrary>], iteration_bounds = array<i64: 5>, scalar_prefetch = 0 : i64, scratch_operands = 0 : i64, tpu.core_type = #tpu.core_type<tc>, window_params = [{transform_indices = @transform_0, window_bounds = array<i64: 2000, 128>}, {pipeline_mode = #tpu.pipeline_mode<synchronous>, transform_indices = @transform_1, window_bounds = array<i64: 128, 128>}, {pipeline_mode = #tpu.pipeline_mode<synchronous>, transform_indices = @transform_2, window_bounds = array<i64: 1, 128>}, {pipeline_mode = #tpu.pipeline_mode<synchronous>, transform_indices = @transform_3, window_bounds = array<i64: 1, 128>}, {pipeline_mode = #tpu.pipeline_mode<synchronous>, transform_indices = @transform_4, window_bounds = array<i64: 1, 128>}, {transform_indices = @transform_5, window_bounds = array<i64: 2, 2000, 128>}, {pipeline_mode = #tpu.pipeline_mode<synchronous>, transform_indices = @transform_6, window_bounds = array<i64: 128, 128>}, {transform_indices = @transform_7, window_bounds = array<i64: 2000, 128>}, {transform_indices = @transform_8, window_bounds = array<i64: 2000, 128>}]} {
    %get3A = arith.constant 0 : index
    %get3A_0 = arith.constant 0 : index
    %get3A_1 = vector.load %arg1[%get3A, %get3A_0] : memref<2000x128xf32, #tpu.memory_space<vmem>>, vector<2000x128xf32>
    %get3A_2 = arith.constant 0 : index
    %get3A_3 = arith.constant 0 : index
    %get3A_4 = vector.load %arg2[%get3A_2, %get3A_3] : memref<128x128xf32, #tpu.memory_space<vmem>>, vector<128x128xf32>
    %dot_general3A = arith.constant dense<0.000000e+00> : vector<2000x128xf32>
    %dot_general3A_5 = tpu.matmul %get3A_1, %get3A_4, %dot_general3A {dimension_numbers = #tpu.dot_dimension_numbers<[1], [0], [0], [1], [0, 0, 1, 1], [], []>, transpose_lhs_hint = false} : vector<2000x128xf32>, vector<128x128xf32>, vector<2000x128xf32> -> vector<2000x128xf32>
    %get3A_6 = arith.constant 0 : index
    %get3A_7 = arith.constant 0 : index
    %get3A_8 = vector.load %arg3[%get3A_6, %get3A_7] : memref<1x128xf32, #tpu.memory_space<vmem>>, vector<1x128xf32>
    %add3A = vector.broadcast %get3A_8 : vector<1x128xf32> to vector<2000x128xf32>
    %add3A_9 = arith.addf %dot_general3A_5, %add3A : vector<2000x128xf32>
    %get3A_10 = arith.constant 0 : index
    %get3A_11 = arith.constant 0 : index
    %get3A_12 = vector.load %arg4[%get3A_10, %get3A_11] : memref<1x128xf32, #tpu.memory_space<vmem>>, vector<1x128xf32>
    %get3A_13 = arith.constant 0 : index
    %get3A_14 = arith.constant 0 : index
    %get3A_15 = vector.load %arg5[%get3A_13, %get3A_14] : memref<1x128xf32, #tpu.memory_space<vmem>>, vector<1x128xf32>
    %reduce_sum3A = arith.constant dense<0.000000e+00> : vector<2000xf32>
    %reduce_sum3A_16 = vector.multi_reduction <add>, %add3A_9, %reduce_sum3A [1] : vector<2000x128xf32> to vector<2000xf32>
    %broadcast_in_dim3A = vector.shape_cast %reduce_sum3A_16 : vector<2000xf32> to vector<2000x1xf32>
    %div3A = arith.constant 1.280000e+02 : f32
    %div3A_17 = vector.broadcast %div3A : f32 to vector<2000x1xf32>
    %div3A_18 = arith.divf %broadcast_in_dim3A, %div3A_17 : vector<2000x1xf32>
    %sub3A = vector.broadcast %div3A_18 : vector<2000x1xf32> to vector<2000x128xf32>
    %sub3A_19 = arith.subf %add3A_9, %sub3A : vector<2000x128xf32>
    %integer_pow3A = arith.mulf %sub3A_19, %sub3A_19 : vector<2000x128xf32>
    %reduce_sum3A_20 = arith.constant dense<0.000000e+00> : vector<2000xf32>
    %reduce_sum3A_21 = vector.multi_reduction <add>, %integer_pow3A, %reduce_sum3A_20 [1] : vector<2000x128xf32> to vector<2000xf32>
    %broadcast_in_dim3A_22 = vector.shape_cast %reduce_sum3A_21 : vector<2000xf32> to vector<2000x1xf32>
    %div3A_23 = arith.constant 1.280000e+02 : f32
    %div3A_24 = vector.broadcast %div3A_23 : f32 to vector<2000x1xf32>
    %div3A_25 = arith.divf %broadcast_in_dim3A_22, %div3A_24 : vector<2000x1xf32>
    %sub3A_26 = vector.broadcast %div3A_18 : vector<2000x1xf32> to vector<2000x128xf32>
    %sub3A_27 = arith.subf %add3A_9, %sub3A_26 : vector<2000x128xf32>
    %add3A_28 = arith.constant 9.99999974E-6 : f32
    %add3A_29 = vector.broadcast %add3A_28 : f32 to vector<2000x1xf32>
    %add3A_30 = arith.addf %div3A_25, %add3A_29 : vector<2000x1xf32>
    %rsqrt3A = math.rsqrt %add3A_30 : vector<2000x1xf32>
    %mul3A = vector.broadcast %rsqrt3A : vector<2000x1xf32> to vector<2000x128xf32>
    %mul3A_31 = arith.mulf %sub3A_27, %mul3A : vector<2000x128xf32>
    %mul3A_32 = vector.broadcast %get3A_12 : vector<1x128xf32> to vector<2000x128xf32>
    %mul3A_33 = arith.mulf %mul3A_31, %mul3A_32 : vector<2000x128xf32>
    %add3A_34 = vector.broadcast %get3A_15 : vector<1x128xf32> to vector<2000x128xf32>
    %add3A_35 = arith.addf %mul3A_33, %add3A_34 : vector<2000x128xf32>
    %get3A_36 = arith.constant 0 : index
    %get3A_37 = arith.constant 0 : index
    %get3A_38 = arith.constant 0 : index
    %get3A_39 = vector.load %arg6[%get3A_36, %get3A_37, %get3A_38] : memref<2x2000x128xf32, #tpu.memory_space<vmem>>, vector<1x2000x128xf32>
    %get3A_40 = vector.shape_cast %get3A_39 : vector<1x2000x128xf32> to vector<2000x128xf32>
    %slice3A = vector.extract_strided_slice %get3A_40 {offsets = [0, 0], sizes = [2000, 1], strides = [1, 1]} : vector<2000x128xf32> to vector<2000x1xf32>
    %get3A_41 = arith.constant 1 : index
    %get3A_42 = arith.constant 0 : index
    %get3A_43 = arith.constant 0 : index
    %get3A_44 = vector.load %arg6[%get3A_41, %get3A_42, %get3A_43] : memref<2x2000x128xf32, #tpu.memory_space<vmem>>, vector<1x2000x128xf32>
    %get3A_45 = vector.shape_cast %get3A_44 : vector<1x2000x128xf32> to vector<2000x128xf32>
    %slice3A_46 = vector.extract_strided_slice %get3A_45 {offsets = [0, 0], sizes = [2000, 1], strides = [1, 1]} : vector<2000x128xf32> to vector<2000x1xf32>
    %add3A_47 = arith.addf %slice3A, %slice3A_46 : vector<2000x1xf32>
    %add3A_48 = arith.constant 1.000000e+00 : f32
    %add3A_49 = vector.broadcast %add3A_48 : f32 to vector<2000x1xf32>
    %add3A_50 = arith.addf %add3A_47, %add3A_49 : vector<2000x1xf32>
    %rsqrt3A_51 = math.rsqrt %add3A_50 : vector<2000x1xf32>
    %swap3A = arith.constant 0 : index
    %swap3A_52 = arith.constant 0 : index
    %swap3A_53 = vector.load %arg8[%swap3A, %swap3A_52] : memref<2000x128xf32, #tpu.memory_space<vmem>>, vector<2000x128xf32>
    tpu.vector_store %arg8[%swap3A, %swap3A_52], %add3A_35 {strides = array<i32>} : memref<2000x128xf32, #tpu.memory_space<vmem>>, vector<2000x128xf32>,
    %get3A_54 = arith.constant 0 : index
    %get3A_55 = arith.constant 0 : index
    %get3A_56 = vector.load %arg7[%get3A_54, %get3A_55] : memref<128x128xf32, #tpu.memory_space<vmem>>, vector<128x128xf32>
    %dot_general3A_57 = arith.constant dense<0.000000e+00> : vector<2000x128xf32>
    %dot_general3A_58 = tpu.matmul %add3A_35, %get3A_56, %dot_general3A_57 {dimension_numbers = #tpu.dot_dimension_numbers<[1], [0], [0], [1], [0, 0, 1, 1], [], []>, transpose_lhs_hint = false} : vector<2000x128xf32>, vector<128x128xf32>, vector<2000x128xf32> -> vector<2000x128xf32>
    %mul3A_59 = vector.broadcast %rsqrt3A_51 : vector<2000x1xf32> to vector<2000x128xf32>
    %mul3A_60 = arith.mulf %dot_general3A_58, %mul3A_59 : vector<2000x128xf32>
    %swap3A_61 = arith.constant 0 : index
    %swap3A_62 = arith.constant 0 : index
    %swap3A_63 = vector.load %arg9[%swap3A_61, %swap3A_62] : memref<2000x128xf32, #tpu.memory_space<vmem>>, vector<2000x128xf32>
    tpu.vector_store %arg9[%swap3A_61, %swap3A_62], %mul3A_60 {strides = array<i32>} : memref<2000x128xf32, #tpu.memory_space<vmem>>, vector<2000x128xf32>,
    return
  }
  func.func @transform_0(%arg0: i32) -> (i32, i32) {
    %c0_i32 = arith.constant 0 : i32
    %c0_i32_0 = arith.constant 0 : i32
    return %arg0, %c0_i32 : i32, i32
  }
  func.func @transform_1(%arg0: i32) -> (i32, i32) {
    %c0_i32 = arith.constant 0 : i32
    %c0_i32_0 = arith.constant 0 : i32
    %c0_i32_1 = arith.constant 0 : i32
    return %c0_i32, %c0_i32_0 : i32, i32
  }
  func.func @transform_2(%arg0: i32) -> (i32, i32) {
    %c0_i32 = arith.constant 0 : i32
    %c0_i32_0 = arith.constant 0 : i32
    %c0_i32_1 = arith.constant 0 : i32
    return %c0_i32, %c0_i32_0 : i32, i32
  }
  func.func @transform_3(%arg0: i32) -> (i32, i32) {
    %c0_i32 = arith.constant 0 : i32
    %c0_i32_0 = arith.constant 0 : i32
    %c0_i32_1 = arith.constant 0 : i32
    return %c0_i32, %c0_i32_0 : i32, i32
  }
  func.func @transform_4(%arg0: i32) -> (i32, i32) {
    %c0_i32 = arith.constant 0 : i32
    %c0_i32_0 = arith.constant 0 : i32
    %c0_i32_1 = arith.constant 0 : i32
    return %c0_i32, %c0_i32_0 : i32, i32
  }
  func.func @transform_5(%arg0: i32) -> (i32, i32, i32) {
    %c0_i32 = arith.constant 0 : i32
    %c0_i32_0 = arith.constant 0 : i32
    %c0_i32_1 = arith.constant 0 : i32
    return %c0_i32, %arg0, %c0_i32_0 : i32, i32, i32
  }
  func.func @transform_6(%arg0: i32) -> (i32, i32) {
    %c0_i32 = arith.constant 0 : i32
    %c0_i32_0 = arith.constant 0 : i32
    %c0_i32_1 = arith.constant 0 : i32
    return %c0_i32, %c0_i32_0 : i32, i32
  }
  func.func @transform_7(%arg0: i32) -> (i32, i32) {
    %c0_i32 = arith.constant 0 : i32
    %c0_i32_0 = arith.constant 0 : i32
    return %arg0, %c0_i32 : i32, i32
  }
  func.func @transform_8(%arg0: i32) -> (i32, i32) {
    %c0_i32 = arith.constant 0 : i32
    %c0_i32_0 = arith.constant 0 : i32
    return %arg0, %c0_i32 : i32, i32
  }
}

module attributes {stable_mosaic.version = 14 : i64} {
  func.func @_hop_body(%arg0: i32, %arg1: memref<2x2000x128xf32, #tpu.memory_space<vmem>>, %arg2: memref<2000x128xf32, #tpu.memory_space<vmem>>, %arg3: memref<2x2000x128xf32, #tpu.memory_space<vmem>>, %arg4: memref<1x128xf32, #tpu.memory_space<vmem>>, %arg5: memref<128x128xf32, #tpu.memory_space<vmem>>, %arg6: memref<2000x128xf32, #tpu.memory_space<vmem>>, %arg7: memref<2000x128xf32, #tpu.memory_space<vmem>>) attributes {dimension_semantics = [#tpu.dimension_semantics<arbitrary>], iteration_bounds = array<i64: 5>, scalar_prefetch = 0 : i64, scratch_operands = 0 : i64, tpu.core_type = #tpu.core_type<tc>, window_params = [{transform_indices = @transform_0, window_bounds = array<i64: 2, 2000, 128>}, {transform_indices = @transform_1, window_bounds = array<i64: 2000, 128>}, {transform_indices = @transform_2, window_bounds = array<i64: 2, 2000, 128>}, {pipeline_mode = #tpu.pipeline_mode<synchronous>, transform_indices = @transform_3, window_bounds = array<i64: 1, 128>}, {pipeline_mode = #tpu.pipeline_mode<synchronous>, transform_indices = @transform_4, window_bounds = array<i64: 128, 128>}, {transform_indices = @transform_5, window_bounds = array<i64: 2000, 128>}, {transform_indices = @transform_6, window_bounds = array<i64: 2000, 128>}]} {
    %get3A = arith.constant 0 : index
    %get3A_0 = arith.constant 0 : index
    %get3A_1 = arith.constant 0 : index
    %get3A_2 = vector.load %arg3[%get3A, %get3A_0, %get3A_1] : memref<2x2000x128xf32, #tpu.memory_space<vmem>>, vector<1x2000x128xf32>
    %get3A_3 = vector.shape_cast %get3A_2 : vector<1x2000x128xf32> to vector<2000x128xf32>
    %slice3A = vector.extract_strided_slice %get3A_3 {offsets = [0, 0], sizes = [2000, 1], strides = [1, 1]} : vector<2000x128xf32> to vector<2000x1xf32>
    %get3A_4 = arith.constant 1 : index
    %get3A_5 = arith.constant 0 : index
    %get3A_6 = arith.constant 0 : index
    %get3A_7 = vector.load %arg3[%get3A_4, %get3A_5, %get3A_6] : memref<2x2000x128xf32, #tpu.memory_space<vmem>>, vector<1x2000x128xf32>
    %get3A_8 = vector.shape_cast %get3A_7 : vector<1x2000x128xf32> to vector<2000x128xf32>
    %slice3A_9 = vector.extract_strided_slice %get3A_8 {offsets = [0, 0], sizes = [2000, 1], strides = [1, 1]} : vector<2000x128xf32> to vector<2000x1xf32>
    %add3A = arith.addf %slice3A, %slice3A_9 : vector<2000x1xf32>
    %add3A_10 = arith.constant 1.000000e+00 : f32
    %add3A_11 = vector.broadcast %add3A_10 : f32 to vector<2000x1xf32>
    %add3A_12 = arith.addf %add3A, %add3A_11 : vector<2000x1xf32>
    %rsqrt3A = math.rsqrt %add3A_12 : vector<2000x1xf32>
    %get3A_13 = arith.constant 0 : index
    %get3A_14 = arith.constant 0 : index
    %get3A_15 = arith.constant 0 : index
    %get3A_16 = vector.load %arg1[%get3A_13, %get3A_14, %get3A_15] : memref<2x2000x128xf32, #tpu.memory_space<vmem>>, vector<1x2000x128xf32>
    %get3A_17 = vector.shape_cast %get3A_16 : vector<1x2000x128xf32> to vector<2000x128xf32>
    %get3A_18 = arith.constant 1 : index
    %get3A_19 = arith.constant 0 : index
    %get3A_20 = arith.constant 0 : index
    %get3A_21 = vector.load %arg1[%get3A_18, %get3A_19, %get3A_20] : memref<2x2000x128xf32, #tpu.memory_space<vmem>>, vector<1x2000x128xf32>
    %get3A_22 = vector.shape_cast %get3A_21 : vector<1x2000x128xf32> to vector<2000x128xf32>
    %add3A_23 = arith.addf %get3A_17, %get3A_22 : vector<2000x128xf32>
    %get3A_24 = arith.constant 0 : index
    %get3A_25 = arith.constant 0 : index
    %get3A_26 = vector.load %arg2[%get3A_24, %get3A_25] : memref<2000x128xf32, #tpu.memory_space<vmem>>, vector<2000x128xf32>
    %add3A_27 = arith.addf %add3A_23, %get3A_26 : vector<2000x128xf32>
    %mul3A = vector.broadcast %rsqrt3A : vector<2000x1xf32> to vector<2000x128xf32>
    %mul3A_28 = arith.mulf %add3A_27, %mul3A : vector<2000x128xf32>
    %get3A_29 = arith.constant 0 : index
    %get3A_30 = arith.constant 0 : index
    %get3A_31 = vector.load %arg4[%get3A_29, %get3A_30] : memref<1x128xf32, #tpu.memory_space<vmem>>, vector<1x128xf32>
    %add3A_32 = vector.broadcast %get3A_31 : vector<1x128xf32> to vector<2000x128xf32>
    %add3A_33 = arith.addf %mul3A_28, %add3A_32 : vector<2000x128xf32>
    %mul3A_34 = arith.constant 5.000000e-01 : f32
    %mul3A_35 = vector.broadcast %mul3A_34 : f32 to vector<2000x128xf32>
    %mul3A_36 = arith.mulf %mul3A_35, %add3A_33 : vector<2000x128xf32>
    %mul3A_37 = arith.constant 0.707106769 : f32
    %mul3A_38 = vector.broadcast %mul3A_37 : f32 to vector<2000x128xf32>
    %mul3A_39 = arith.mulf %add3A_33, %mul3A_38 : vector<2000x128xf32>
    %erf3A = math.erf %mul3A_39 : vector<2000x128xf32>
    %add3A_40 = arith.constant 1.000000e+00 : f32
    %add3A_41 = vector.broadcast %add3A_40 : f32 to vector<2000x128xf32>
    %add3A_42 = arith.addf %add3A_41, %erf3A : vector<2000x128xf32>
    %mul3A_43 = arith.mulf %mul3A_36, %add3A_42 : vector<2000x128xf32>
    %swap3A = arith.constant 0 : index
    %swap3A_44 = arith.constant 0 : index
    %swap3A_45 = vector.load %arg6[%swap3A, %swap3A_44] : memref<2000x128xf32, #tpu.memory_space<vmem>>, vector<2000x128xf32>
    tpu.vector_store %arg6[%swap3A, %swap3A_44], %mul3A_43 {strides = array<i32>} : memref<2000x128xf32, #tpu.memory_space<vmem>>, vector<2000x128xf32>,
    %get3A_46 = arith.constant 0 : index
    %get3A_47 = arith.constant 0 : index
    %get3A_48 = vector.load %arg5[%get3A_46, %get3A_47] : memref<128x128xf32, #tpu.memory_space<vmem>>, vector<128x128xf32>
    %dot_general3A = arith.constant dense<0.000000e+00> : vector<2000x128xf32>
    %dot_general3A_49 = tpu.matmul %mul3A_43, %get3A_48, %dot_general3A {dimension_numbers = #tpu.dot_dimension_numbers<[1], [0], [0], [1], [0, 0, 1, 1], [], []>, transpose_lhs_hint = false} : vector<2000x128xf32>, vector<128x128xf32>, vector<2000x128xf32> -> vector<2000x128xf32>
    %mul3A_50 = vector.broadcast %rsqrt3A : vector<2000x1xf32> to vector<2000x128xf32>
    %mul3A_51 = arith.mulf %dot_general3A_49, %mul3A_50 : vector<2000x128xf32>
    %swap3A_52 = arith.constant 0 : index
    %swap3A_53 = arith.constant 0 : index
    %swap3A_54 = vector.load %arg7[%swap3A_52, %swap3A_53] : memref<2000x128xf32, #tpu.memory_space<vmem>>, vector<2000x128xf32>
    tpu.vector_store %arg7[%swap3A_52, %swap3A_53], %mul3A_51 {strides = array<i32>} : memref<2000x128xf32, #tpu.memory_space<vmem>>, vector<2000x128xf32>,
    return
  }
  func.func @transform_0(%arg0: i32) -> (i32, i32, i32) {
    %c0_i32 = arith.constant 0 : i32
    %c0_i32_0 = arith.constant 0 : i32
    %c0_i32_1 = arith.constant 0 : i32
    return %c0_i32, %arg0, %c0_i32_0 : i32, i32, i32
  }
  func.func @transform_1(%arg0: i32) -> (i32, i32) {
    %c0_i32 = arith.constant 0 : i32
    %c0_i32_0 = arith.constant 0 : i32
    return %arg0, %c0_i32 : i32, i32
  }
  func.func @transform_2(%arg0: i32) -> (i32, i32, i32) {
    %c0_i32 = arith.constant 0 : i32
    %c0_i32_0 = arith.constant 0 : i32
    %c0_i32_1 = arith.constant 0 : i32
    return %c0_i32, %arg0, %c0_i32_0 : i32, i32, i32
  }
  func.func @transform_3(%arg0: i32) -> (i32, i32) {
    %c0_i32 = arith.constant 0 : i32
    %c0_i32_0 = arith.constant 0 : i32
    %c0_i32_1 = arith.constant 0 : i32
    return %c0_i32, %c0_i32_0 : i32, i32
  }
  func.func @transform_4(%arg0: i32) -> (i32, i32) {
    %c0_i32 = arith.constant 0 : i32
    %c0_i32_0 = arith.constant 0 : i32
    %c0_i32_1 = arith.constant 0 : i32
    return %c0_i32, %c0_i32_0 : i32, i32
  }
  func.func @transform_5(%arg0: i32) -> (i32, i32) {
    %c0_i32 = arith.constant 0 : i32
    %c0_i32_0 = arith.constant 0 : i32
    return %arg0, %c0_i32 : i32, i32
  }
  func.func @transform_6(%arg0: i32) -> (i32, i32) {
    %c0_i32 = arith.constant 0 : i32
    %c0_i32_0 = arith.constant 0 : i32
    return %arg0, %c0_i32 : i32, i32
  }
}

module attributes {stable_mosaic.version = 14 : i64} {
  func.func @_fin_body(%arg0: i32, %arg1: memref<2x2000x128xf32, #tpu.memory_space<vmem>>, %arg2: memref<2000x128xf32, #tpu.memory_space<vmem>>, %arg3: memref<2x2000x128xf32, #tpu.memory_space<vmem>>, %arg4: memref<1x128xf32, #tpu.memory_space<vmem>>, %arg5: memref<2000x128xf32, #tpu.memory_space<vmem>>, %arg6: memref<2000x128xf32, #tpu.memory_space<vmem>>, %arg7: memref<2000x128xf32, #tpu.memory_space<vmem>>, %arg8: memref<512x128xf32, #tpu.memory_space<vmem>>, %arg9: memref<1x128xf32, #tpu.memory_space<vmem>>, %arg10: memref<128x128xf32, #tpu.memory_space<vmem>>, %arg11: memref<1x128xf32, #tpu.memory_space<vmem>>, %arg12: memref<1x128xf32, #tpu.memory_space<vmem>>, %arg13: memref<1x128xf32, #tpu.memory_space<vmem>>, %arg14: memref<2000x128xf32, #tpu.memory_space<vmem>>) attributes {dimension_semantics = [#tpu.dimension_semantics<arbitrary>], iteration_bounds = array<i64: 5>, scalar_prefetch = 0 : i64, scratch_operands = 0 : i64, tpu.core_type = #tpu.core_type<tc>, window_params = [{transform_indices = @transform_0, window_bounds = array<i64: 2, 2000, 128>}, {transform_indices = @transform_1, window_bounds = array<i64: 2000, 128>}, {transform_indices = @transform_2, window_bounds = array<i64: 2, 2000, 128>}, {pipeline_mode = #tpu.pipeline_mode<synchronous>, transform_indices = @transform_3, window_bounds = array<i64: 1, 128>}, {transform_indices = @transform_4, window_bounds = array<i64: 2000, 128>}, {transform_indices = @transform_5, window_bounds = array<i64: 2000, 128>}, {transform_indices = @transform_6, window_bounds = array<i64: 2000, 128>}, {pipeline_mode = #tpu.pipeline_mode<synchronous>, transform_indices = @transform_7, window_bounds = array<i64: 512, 128>}, {pipeline_mode = #tpu.pipeline_mode<synchronous>, transform_indices = @transform_8, window_bounds = array<i64: 1, 128>}, {pipeline_mode = #tpu.pipeline_mode<synchronous>, transform_indices = @transform_9, window_bounds = array<i64: 128, 128>}, {pipeline_mode = #tpu.pipeline_mode<synchronous>, transform_indices = @transform_10, window_bounds = array<i64: 1, 128>}, {pipeline_mode = #tpu.pipeline_mode<synchronous>, transform_indices = @transform_11, window_bounds = array<i64: 1, 128>}, {pipeline_mode = #tpu.pipeline_mode<synchronous>, transform_indices = @transform_12, window_bounds = array<i64: 1, 128>}, {transform_indices = @transform_13, window_bounds = array<i64: 2000, 128>}]} {
    %get3A = arith.constant 0 : index
    %get3A_0 = arith.constant 0 : index
    %get3A_1 = arith.constant 0 : index
    %get3A_2 = vector.load %arg3[%get3A, %get3A_0, %get3A_1] : memref<2x2000x128xf32, #tpu.memory_space<vmem>>, vector<1x2000x128xf32>
    %get3A_3 = vector.shape_cast %get3A_2 : vector<1x2000x128xf32> to vector<2000x128xf32>
    %slice3A = vector.extract_strided_slice %get3A_3 {offsets = [0, 0], sizes = [2000, 1], strides = [1, 1]} : vector<2000x128xf32> to vector<2000x1xf32>
    %get3A_4 = arith.constant 1 : index
    %get3A_5 = arith.constant 0 : index
    %get3A_6 = arith.constant 0 : index
    %get3A_7 = vector.load %arg3[%get3A_4, %get3A_5, %get3A_6] : memref<2x2000x128xf32, #tpu.memory_space<vmem>>, vector<1x2000x128xf32>
    %get3A_8 = vector.shape_cast %get3A_7 : vector<1x2000x128xf32> to vector<2000x128xf32>
    %slice3A_9 = vector.extract_strided_slice %get3A_8 {offsets = [0, 0], sizes = [2000, 1], strides = [1, 1]} : vector<2000x128xf32> to vector<2000x1xf32>
    %add3A = arith.addf %slice3A, %slice3A_9 : vector<2000x1xf32>
    %add3A_10 = arith.constant 1.000000e+00 : f32
    %add3A_11 = vector.broadcast %add3A_10 : f32 to vector<2000x1xf32>
    %add3A_12 = arith.addf %add3A, %add3A_11 : vector<2000x1xf32>
    %rsqrt3A = math.rsqrt %add3A_12 : vector<2000x1xf32>
    %get3A_13 = arith.constant 0 : index
    %get3A_14 = arith.constant 0 : index
    %get3A_15 = arith.constant 0 : index
    %get3A_16 = vector.load %arg1[%get3A_13, %get3A_14, %get3A_15] : memref<2x2000x128xf32, #tpu.memory_space<vmem>>, vector<1x2000x128xf32>
    %get3A_17 = vector.shape_cast %get3A_16 : vector<1x2000x128xf32> to vector<2000x128xf32>
    %get3A_18 = arith.constant 1 : index
    %get3A_19 = arith.constant 0 : index
    %get3A_20 = arith.constant 0 : index
    %get3A_21 = vector.load %arg1[%get3A_18, %get3A_19, %get3A_20] : memref<2x2000x128xf32, #tpu.memory_space<vmem>>, vector<1x2000x128xf32>
    %get3A_22 = vector.shape_cast %get3A_21 : vector<1x2000x128xf32> to vector<2000x128xf32>
    %add3A_23 = arith.addf %get3A_17, %get3A_22 : vector<2000x128xf32>
    %get3A_24 = arith.constant 0 : index
    %get3A_25 = arith.constant 0 : index
    %get3A_26 = vector.load %arg2[%get3A_24, %get3A_25] : memref<2000x128xf32, #tpu.memory_space<vmem>>, vector<2000x128xf32>
    %add3A_27 = arith.addf %add3A_23, %get3A_26 : vector<2000x128xf32>
    %mul3A = vector.broadcast %rsqrt3A : vector<2000x1xf32> to vector<2000x128xf32>
    %mul3A_28 = arith.mulf %add3A_27, %mul3A : vector<2000x128xf32>
    %get3A_29 = arith.constant 0 : index
    %get3A_30 = arith.constant 0 : index
    %get3A_31 = vector.load %arg4[%get3A_29, %get3A_30] : memref<1x128xf32, #tpu.memory_space<vmem>>, vector<1x128xf32>
    %add3A_32 = vector.broadcast %get3A_31 : vector<1x128xf32> to vector<2000x128xf32>
    %add3A_33 = arith.addf %mul3A_28, %add3A_32 : vector<2000x128xf32>
    %mul3A_34 = arith.constant 5.000000e-01 : f32
    %mul3A_35 = vector.broadcast %mul3A_34 : f32 to vector<2000x128xf32>
    %mul3A_36 = arith.mulf %mul3A_35, %add3A_33 : vector<2000x128xf32>
    %mul3A_37 = arith.constant 0.707106769 : f32
    %mul3A_38 = vector.broadcast %mul3A_37 : f32 to vector<2000x128xf32>
    %mul3A_39 = arith.mulf %add3A_33, %mul3A_38 : vector<2000x128xf32>
    %erf3A = math.erf %mul3A_39 : vector<2000x128xf32>
    %add3A_40 = arith.constant 1.000000e+00 : f32
    %add3A_41 = vector.broadcast %add3A_40 : f32 to vector<2000x128xf32>
    %add3A_42 = arith.addf %add3A_41, %erf3A : vector<2000x128xf32>
    %mul3A_43 = arith.mulf %mul3A_36, %add3A_42 : vector<2000x128xf32>
    %get3A_44 = arith.constant 0 : index
    %get3A_45 = arith.constant 0 : index
    %get3A_46 = vector.load %arg8[%get3A_44, %get3A_45] : memref<512x128xf32, #tpu.memory_space<vmem>>, vector<512x128xf32>
    %get3A_47 = arith.constant 0 : index
    %get3A_48 = arith.constant 0 : index
    %get3A_49 = vector.load %arg5[%get3A_47, %get3A_48] : memref<2000x128xf32, #tpu.memory_space<vmem>>, vector<2000x128xf32>
    %slice3A_50 = vector.extract_strided_slice %get3A_46 {offsets = [0, 0], sizes = [128, 128], strides = [1, 1]} : vector<512x128xf32> to vector<128x128xf32>
    %dot_general3A = arith.constant dense<0.000000e+00> : vector<2000x128xf32>
    %dot_general3A_51 = tpu.matmul %get3A_49, %slice3A_50, %dot_general3A {dimension_numbers = #tpu.dot_dimension_numbers<[1], [0], [0], [1], [0, 0, 1, 1], [], []>, transpose_lhs_hint = false} : vector<2000x128xf32>, vector<128x128xf32>, vector<2000x128xf32> -> vector<2000x128xf32>
    %get3A_52 = arith.constant 0 : index
    %get3A_53 = arith.constant 0 : index
    %get3A_54 = vector.load %arg6[%get3A_52, %get3A_53] : memref<2000x128xf32, #tpu.memory_space<vmem>>, vector<2000x128xf32>
    %slice3A_55 = vector.extract_strided_slice %get3A_46 {offsets = [128, 0], sizes = [128, 128], strides = [1, 1]} : vector<512x128xf32> to vector<128x128xf32>
    %dot_general3A_56 = arith.constant dense<0.000000e+00> : vector<2000x128xf32>
    %dot_general3A_57 = tpu.matmul %get3A_54, %slice3A_55, %dot_general3A_56 {dimension_numbers = #tpu.dot_dimension_numbers<[1], [0], [0], [1], [0, 0, 1, 1], [], []>, transpose_lhs_hint = false} : vector<2000x128xf32>, vector<128x128xf32>, vector<2000x128xf32> -> vector<2000x128xf32>
    %add3A_58 = arith.addf %dot_general3A_51, %dot_general3A_57 : vector<2000x128xf32>
    %get3A_59 = arith.constant 0 : index
    %get3A_60 = arith.constant 0 : index
    %get3A_61 = vector.load %arg7[%get3A_59, %get3A_60] : memref<2000x128xf32, #tpu.memory_space<vmem>>, vector<2000x128xf32>
    %slice3A_62 = vector.extract_strided_slice %get3A_46 {offsets = [256, 0], sizes = [128, 128], strides = [1, 1]} : vector<512x128xf32> to vector<128x128xf32>
    %dot_general3A_63 = arith.constant dense<0.000000e+00> : vector<2000x128xf32>
    %dot_general3A_64 = tpu.matmul %get3A_61, %slice3A_62, %dot_general3A_63 {dimension_numbers = #tpu.dot_dimension_numbers<[1], [0], [0], [1], [0, 0, 1, 1], [], []>, transpose_lhs_hint = false} : vector<2000x128xf32>, vector<128x128xf32>, vector<2000x128xf32> -> vector<2000x128xf32>
    %add3A_65 = arith.addf %add3A_58, %dot_general3A_64 : vector<2000x128xf32>
    %slice3A_66 = vector.extract_strided_slice %get3A_46 {offsets = [384, 0], sizes = [128, 128], strides = [1, 1]} : vector<512x128xf32> to vector<128x128xf32>
    %dot_general3A_67 = arith.constant dense<0.000000e+00> : vector<2000x128xf32>
    %dot_general3A_68 = tpu.matmul %mul3A_43, %slice3A_66, %dot_general3A_67 {dimension_numbers = #tpu.dot_dimension_numbers<[1], [0], [0], [1], [0, 0, 1, 1], [], []>, transpose_lhs_hint = false} : vector<2000x128xf32>, vector<128x128xf32>, vector<2000x128xf32> -> vector<2000x128xf32>
    %add3A_69 = arith.addf %add3A_65, %dot_general3A_68 : vector<2000x128xf32>
    %get3A_70 = arith.constant 0 : index
    %get3A_71 = arith.constant 0 : index
    %get3A_72 = vector.load %arg9[%get3A_70, %get3A_71] : memref<1x128xf32, #tpu.memory_space<vmem>>, vector<1x128xf32>
    %add3A_73 = vector.broadcast %get3A_72 : vector<1x128xf32> to vector<2000x128xf32>
    %add3A_74 = arith.addf %add3A_69, %add3A_73 : vector<2000x128xf32>
    %mul3A_75 = arith.constant 5.000000e-01 : f32
    %mul3A_76 = vector.broadcast %mul3A_75 : f32 to vector<2000x128xf32>
    %mul3A_77 = arith.mulf %mul3A_76, %add3A_74 : vector<2000x128xf32>
    %mul3A_78 = arith.constant 0.707106769 : f32
    %mul3A_79 = vector.broadcast %mul3A_78 : f32 to vector<2000x128xf32>
    %mul3A_80 = arith.mulf %add3A_74, %mul3A_79 : vector<2000x128xf32>
    %erf3A_81 = math.erf %mul3A_80 : vector<2000x128xf32>
    %add3A_82 = arith.constant 1.000000e+00 : f32
    %add3A_83 = vector.broadcast %add3A_82 : f32 to vector<2000x128xf32>
    %add3A_84 = arith.addf %add3A_83, %erf3A_81 : vector<2000x128xf32>
    %mul3A_85 = arith.mulf %mul3A_77, %add3A_84 : vector<2000x128xf32>
    %get3A_86 = arith.constant 0 : index
    %get3A_87 = arith.constant 0 : index
    %get3A_88 = vector.load %arg10[%get3A_86, %get3A_87] : memref<128x128xf32, #tpu.memory_space<vmem>>, vector<128x128xf32>
    %dot_general3A_89 = arith.constant dense<0.000000e+00> : vector<2000x128xf32>
    %dot_general3A_90 = tpu.matmul %mul3A_85, %get3A_88, %dot_general3A_89 {dimension_numbers = #tpu.dot_dimension_numbers<[1], [0], [0], [1], [0, 0, 1, 1], [], []>, transpose_lhs_hint = false} : vector<2000x128xf32>, vector<128x128xf32>, vector<2000x128xf32> -> vector<2000x128xf32>
    %get3A_91 = arith.constant 0 : index
    %get3A_92 = arith.constant 0 : index
    %get3A_93 = vector.load %arg11[%get3A_91, %get3A_92] : memref<1x128xf32, #tpu.memory_space<vmem>>, vector<1x128xf32>
    %add3A_94 = vector.broadcast %get3A_93 : vector<1x128xf32> to vector<2000x128xf32>
    %add3A_95 = arith.addf %dot_general3A_90, %add3A_94 : vector<2000x128xf32>
    %get3A_96 = arith.constant 0 : index
    %get3A_97 = arith.constant 0 : index
    %get3A_98 = vector.load %arg12[%get3A_96, %get3A_97] : memref<1x128xf32, #tpu.memory_space<vmem>>, vector<1x128xf32>
    %get3A_99 = arith.constant 0 : index
    %get3A_100 = arith.constant 0 : index
    %get3A_101 = vector.load %arg13[%get3A_99, %get3A_100] : memref<1x128xf32, #tpu.memory_space<vmem>>, vector<1x128xf32>
    %reduce_sum3A = arith.constant dense<0.000000e+00> : vector<2000xf32>
    %reduce_sum3A_102 = vector.multi_reduction <add>, %add3A_95, %reduce_sum3A [1] : vector<2000x128xf32> to vector<2000xf32>
    %broadcast_in_dim3A = vector.shape_cast %reduce_sum3A_102 : vector<2000xf32> to vector<2000x1xf32>
    %div3A = arith.constant 1.280000e+02 : f32
    %div3A_103 = vector.broadcast %div3A : f32 to vector<2000x1xf32>
    %div3A_104 = arith.divf %broadcast_in_dim3A, %div3A_103 : vector<2000x1xf32>
    %sub3A = vector.broadcast %div3A_104 : vector<2000x1xf32> to vector<2000x128xf32>
    %sub3A_105 = arith.subf %add3A_95, %sub3A : vector<2000x128xf32>
    %integer_pow3A = arith.mulf %sub3A_105, %sub3A_105 : vector<2000x128xf32>
    %reduce_sum3A_106 = arith.constant dense<0.000000e+00> : vector<2000xf32>
    %reduce_sum3A_107 = vector.multi_reduction <add>, %integer_pow3A, %reduce_sum3A_106 [1] : vector<2000x128xf32> to vector<2000xf32>
    %broadcast_in_dim3A_108 = vector.shape_cast %reduce_sum3A_107 : vector<2000xf32> to vector<2000x1xf32>
    %div3A_109 = arith.constant 1.280000e+02 : f32
    %div3A_110 = vector.broadcast %div3A_109 : f32 to vector<2000x1xf32>
    %div3A_111 = arith.divf %broadcast_in_dim3A_108, %div3A_110 : vector<2000x1xf32>
    %sub3A_112 = vector.broadcast %div3A_104 : vector<2000x1xf32> to vector<2000x128xf32>
    %sub3A_113 = arith.subf %add3A_95, %sub3A_112 : vector<2000x128xf32>
    %add3A_114 = arith.constant 9.99999974E-6 : f32
    %add3A_115 = vector.broadcast %add3A_114 : f32 to vector<2000x1xf32>
    %add3A_116 = arith.addf %div3A_111, %add3A_115 : vector<2000x1xf32>
    %rsqrt3A_117 = math.rsqrt %add3A_116 : vector<2000x1xf32>
    %mul3A_118 = vector.broadcast %rsqrt3A_117 : vector<2000x1xf32> to vector<2000x128xf32>
    %mul3A_119 = arith.mulf %sub3A_113, %mul3A_118 : vector<2000x128xf32>
    %mul3A_120 = vector.broadcast %get3A_98 : vector<1x128xf32> to vector<2000x128xf32>
    %mul3A_121 = arith.mulf %mul3A_119, %mul3A_120 : vector<2000x128xf32>
    %add3A_122 = vector.broadcast %get3A_101 : vector<1x128xf32> to vector<2000x128xf32>
    %add3A_123 = arith.addf %mul3A_121, %add3A_122 : vector<2000x128xf32>
    %swap3A = arith.constant 0 : index
    %swap3A_124 = arith.constant 0 : index
    %swap3A_125 = vector.load %arg14[%swap3A, %swap3A_124] : memref<2000x128xf32, #tpu.memory_space<vmem>>, vector<2000x128xf32>
    tpu.vector_store %arg14[%swap3A, %swap3A_124], %add3A_123 {strides = array<i32>} : memref<2000x128xf32, #tpu.memory_space<vmem>>, vector<2000x128xf32>,
    return
  }
  func.func @transform_0(%arg0: i32) -> (i32, i32, i32) {
    %c0_i32 = arith.constant 0 : i32
    %c0_i32_0 = arith.constant 0 : i32
    %c0_i32_1 = arith.constant 0 : i32
    return %c0_i32, %arg0, %c0_i32_0 : i32, i32, i32
  }
  func.func @transform_1(%arg0: i32) -> (i32, i32) {
    %c0_i32 = arith.constant 0 : i32
    %c0_i32_0 = arith.constant 0 : i32
    return %arg0, %c0_i32 : i32, i32
  }
  func.func @transform_2(%arg0: i32) -> (i32, i32, i32) {
    %c0_i32 = arith.constant 0 : i32
    %c0_i32_0 = arith.constant 0 : i32
    %c0_i32_1 = arith.constant 0 : i32
    return %c0_i32, %arg0, %c0_i32_0 : i32, i32, i32
  }
  func.func @transform_3(%arg0: i32) -> (i32, i32) {
    %c0_i32 = arith.constant 0 : i32
    %c0_i32_0 = arith.constant 0 : i32
    %c0_i32_1 = arith.constant 0 : i32
    return %c0_i32, %c0_i32_0 : i32, i32
  }
  func.func @transform_4(%arg0: i32) -> (i32, i32) {
    %c0_i32 = arith.constant 0 : i32
    %c0_i32_0 = arith.constant 0 : i32
    return %arg0, %c0_i32 : i32, i32
  }
  func.func @transform_5(%arg0: i32) -> (i32, i32) {
    %c0_i32 = arith.constant 0 : i32
    %c0_i32_0 = arith.constant 0 : i32
    return %arg0, %c0_i32 : i32, i32
  }
  func.func @transform_6(%arg0: i32) -> (i32, i32) {
    %c0_i32 = arith.constant 0 : i32
    %c0_i32_0 = arith.constant 0 : i32
    return %arg0, %c0_i32 : i32, i32
  }
  func.func @transform_7(%arg0: i32) -> (i32, i32) {
    %c0_i32 = arith.constant 0 : i32
    %c0_i32_0 = arith.constant 0 : i32
    %c0_i32_1 = arith.constant 0 : i32
    return %c0_i32, %c0_i32_0 : i32, i32
  }
  func.func @transform_8(%arg0: i32) -> (i32, i32) {
    %c0_i32 = arith.constant 0 : i32
    %c0_i32_0 = arith.constant 0 : i32
    %c0_i32_1 = arith.constant 0 : i32
    return %c0_i32, %c0_i32_0 : i32, i32
  }
  func.func @transform_9(%arg0: i32) -> (i32, i32) {
    %c0_i32 = arith.constant 0 : i32
    %c0_i32_0 = arith.constant 0 : i32
    %c0_i32_1 = arith.constant 0 : i32
    return %c0_i32, %c0_i32_0 : i32, i32
  }
  func.func @transform_10(%arg0: i32) -> (i32, i32) {
    %c0_i32 = arith.constant 0 : i32
    %c0_i32_0 = arith.constant 0 : i32
    %c0_i32_1 = arith.constant 0 : i32
    return %c0_i32, %c0_i32_0 : i32, i32
  }
  func.func @transform_11(%arg0: i32) -> (i32, i32) {
    %c0_i32 = arith.constant 0 : i32
    %c0_i32_0 = arith.constant 0 : i32
    %c0_i32_1 = arith.constant 0 : i32
    return %c0_i32, %c0_i32_0 : i32, i32
  }
  func.func @transform_12(%arg0: i32) -> (i32, i32) {
    %c0_i32 = arith.constant 0 : i32
    %c0_i32_0 = arith.constant 0 : i32
    %c0_i32_1 = arith.constant 0 : i32
    return %c0_i32, %c0_i32_0 : i32, i32
  }
  func.func @transform_13(%arg0: i32) -> (i32, i32) {
    %c0_i32 = arith.constant 0 : i32
    %c0_i32_0 = arith.constant 0 : i32
    return %arg0, %c0_i32 : i32, i32
  }
}

</mosaic_0001>

<sc_bundles>
// kernel: kernel.10.cloned.1.call-start
scs
__scs_entry_jumppad:
0x0: {  	(pc) =	sbr.rel $0x88, $3  }
0x1: {  	(tag) =	ssettag $0x0;
	lr =	simm.s32 $0x1  }
0x2: {  	[smem:$0x3F93] =	sst lr;
	_ =	strace $0xD0000000  }
0x3: {  	_ = 	snop  }
0x4: {  	_ = 	snop  }
0x5: {  	_ = 	snop  }
0x6: {  	_ = 	snop  }
0x7: {  	_ = 	snop  }
__scs_overlays_trampoline_lowered:
0x8: {  	[smem:$0x3FA2] =	sst s0  }
0x9: {  	[smem:$0x3FA3] =	sst s1  }
0xa: {  	[smem:$0x3FA4] =	sst s2  }
0xb: {  	[smem:$0x3FA5] =	sst s3  }
0xc: {  	[smem:$0x3FA6] =	sst s4  }
0xd: {  	[smem:$0x3FA7] =	sst s5  }
0xe: {  	[smem:$0x3FA8] =	sst s6  }
0xf: {  	[smem:$0x3FA9] =	sst s7  }
0x10: {  	[smem:$0x3FAA] =	sst s8  }
0x11: {  	[smem:$0x3FAB] =	sst s9;
	s0 =	simm.s32 @!p0 $0x0  }
0x12: {  	s1 =	sld [smem:$0x3F91];
	s0 =	simm.s32 @p0 $0x1  }
0x13: {  	[smem:$0x3FAC] =	sst s0;
	s0 =	simm.s32 @!p1 $0x0  }
0x14: {  	s2 =	sld [smem:$0x3F90];
	s0 =	simm.s32 @p1 $0x1  }
0x15: {  	[smem:$0x3FAD] =	sst s0;
	s0 =	simm.s32 @!p2 $0x0  }
0x16: {  	s3 =	sld [smem:$0x3FDB];
	s0 =	simm.s32 @p2 $0x1  }
0x17: {  	s4 =	simm.s32 $0x1BF5;
	[smem:$0x3FAF] =	sst s0  }
0x18: {  	s0 =	sld [smem:$0x3F92];
	_ =	swait.ge [sflag:s4], $0x0  }
0x19: {  	s7 =	sld [smem:$0x3F93]  }
0x1a: {  	s8 =	sadd.s32 $0xFFFFE003, lr  }
0x1b: {  	s9 =	sadd.s32 $0xFFFFFEF7, lr;
	s5 =	simm.s32 $0xFFFFFFFF;
	p2 =	slt.u32 s8, $0xFFFFF086  }
0x1c: {  	p1 =	slt.u32 s9, $0xF7A;
	s5 =	simm.s32 @!p2 $0x0  }
0x1d: {  	s5 =	simm.s32 @p1 $0x1;
	p0 =	seq.s32 s7, s2  }
0x1e: {  	s7 =	smul.u32 @!p0 $0xF7A, s2;
	p2 =	seq.s32 @!p0 s5, $0x0  }
0x1f: {  	s9 =	smul.u32 $0xF7A, s1;
	s8 =	simm.s32 @!p0 $0x1BF5;
	p2 =	por !p2, p0  }
0x20: {  	[sflag:s8] =	ssyncset.s32 @!p0 $0xFFFFF086;
	s6 =	sadd.s32 @!p0 s3, s7;
	s7 =	simm.s32 @!p0 $0x108  }
0x21: {  	s3 =	sadd.s32 s3, s9;
	s6 =	sadd.s32 @!p0 $0x88, s6;
	s7 =	simm.s32 @p2 $0x1082  }
0x22: {  	[simem:s7], [sflag:s8] =	dma.local @!p0 [hbm:s6], $0xF7A  }
0x23: {  	s9 =	sor.u32 $0xD0000000, s2;
	s6 =	simm.s32 $0x108;
	_ =	swait.ge @!p0 [sflag:s8], $0x0  }
0x24: {  	s3 =	sadd.s32 $0x88, s3;
	s6 =	simm.s32 @!p1 $0x1082;
	[sflag:s4] =	ssyncset.s32 $0xFFFFF086  }
0x25: {  	[simem:s6], [sflag:s4] =	dma.local [hbm:s3], $0xF7A  }
0x26: {  	[smem:$0x3F93] =	sst s1;
	(tag) =	ssettag s2;
	_ =	strace s9  }
0x27: {  	s1 =	sld [smem:$0x3FA3]  }
0x28: {  	s2 =	sld [smem:$0x3FA4]  }
0x29: {  	s4 =	sld [smem:$0x3FA6]  }
0x2a: {  	p0 =	seq.s32 s5, $0x0;
	s5 =	sld [smem:$0x3FA7]  }
0x2b: {  	s6 =	sld [smem:$0x3FA8]  }
0x2c: {  	s7 =	sld [smem:$0x3FA9]  }
0x2d: {  	s3 =	simm.s32 $0x108;
	s8 =	sld [smem:$0x3FAA]  }
0x2e: {  	s3 =	simm.s32 @!p0 $0x1082;
	s9 =	sld [smem:$0x3FAB]  }
0x2f: {  	lr =	sadd.s32 s0, s3;
	s0 =	sld [smem:$0x3FA2]  }
0x30: {  	s3 =	sld [smem:$0x3FA5]  }
0x31: {  	[smem:$0x3FAE] =	sst s10  }
0x32: {  	s10 =	sld [smem:$0x3FAC];
	_ =	sdelay $0x3  }
0x33: {  	p0 =	seq.s32 s10, $0x1;
	s10 =	sld [smem:$0x3FAE];
	_ =	sdelay $0x3  }
0x34: {  	[smem:$0x3FAE] =	sst s10  }
0x35: {  	s10 =	sld [smem:$0x3FAD];
	_ =	sdelay $0x3  }
0x36: {  	p1 =	seq.s32 s10, $0x1;
	s10 =	sld [smem:$0x3FAE];
	_ =	sdelay $0x3  }
0x37: {  	[smem:$0x3FAE] =	sst s10  }
0x38: {  	s10 =	sld [smem:$0x3FAF]  }
0x39: {  	_ = 	snop;
	(pc) =	sbr.ind lr, $3  }
0x3a: {  	_ = 	snop  }
0x3b: {  	_ = 	snop  }
0x3c: {  	p2 =	seq.s32 s10, $0x1;
	s10 =	sld [smem:$0x3FAE]  }
0x3d: {  	_ =	shalt  }
0x3e: {  	_ =	shalt  }
0x3f: {  	_ =	shalt  }
0x40: {  	_ =	shalt  }
0x41: {  	_ =	shalt  }
0x42: {  	_ =	shalt  }
0x43: {  	_ =	shalt  }
0x44: {  	_ =	shalt  }
0x45: {  	_ =	shalt  }
0x46: {  	_ =	shalt  }
0x47: {  	_ =	shalt  }
0x48: {  	_ =	shalt  }
0x49: {  	_ =	shalt  }
0x4a: {  	_ =	shalt  }
0x4b: {  	_ =	shalt  }
0x4c: {  	_ =	shalt  }
0x4d: {  	_ =	shalt  }
0x4e: {  	_ =	shalt  }
0x4f: {  	_ =	shalt  }
0x50: {  	_ =	shalt  }
0x51: {  	_ =	shalt  }
0x52: {  	_ =	shalt  }
0x53: {  	_ =	shalt  }
0x54: {  	_ =	shalt  }
0x55: {  	_ =	shalt  }
0x56: {  	_ =	shalt  }
0x57: {  	_ =	shalt  }
0x58: {  	_ =	shalt  }
0x59: {  	_ =	shalt  }
0x5a: {  	_ =	shalt  }
0x5b: {  	_ =	shalt  }
0x5c: {  	_ =	shalt  }
0x5d: {  	_ =	shalt  }
0x5e: {  	_ =	shalt  }
0x5f: {  	_ =	shalt  }
0x60: {  	_ =	shalt  }
0x61: {  	_ =	shalt  }
0x62: {  	_ =	shalt  }
0x63: {  	_ =	shalt  }
0x64: {  	_ =	shalt  }
0x65: {  	_ =	shalt  }
0x66: {  	_ =	shalt  }
0x67: {  	_ =	shalt  }
0x68: {  	_ =	shalt  }
0x69: {  	_ =	shalt  }
0x6a: {  	_ =	shalt  }
0x6b: {  	_ =	shalt  }
0x6c: {  	_ =	shalt  }
0x6d: {  	_ =	shalt  }
0x6e: {  	_ =	shalt  }
0x6f: {  	_ =	shalt  }
0x70: {  	_ =	shalt  }
0x71: {  	_ =	shalt  }
0x72: {  	_ =	shalt  }
0x73: {  	_ =	shalt  }
0x74: {  	_ =	shalt  }
0x75: {  	_ =	shalt  }
0x76: {  	_ =	shalt  }
0x77: {  	_ =	shalt  }
0x78: {  	_ =	shalt  }
0x79: {  	_ =	shalt  }
0x7a: {  	_ =	shalt  }
0x7b: {  	_ =	shalt  }
0x7c: {  	_ =	shalt  }
0x7d: {  	_ =	shalt  }
0x7e: {  	_ =	shalt  }
0x7f: {  	_ =	shalt  }
0x80: {  	_ =	shalt  }
0x81: {  	_ =	shalt  }
0x82: {  	_ =	shalt  }
0x83: {  	_ =	shalt  }
0x84: {  	_ =	shalt  }
0x85: {  	_ =	shalt  }
0x86: {  	_ =	shalt  }
0x87: {  	_ =	shalt  }
.Lfunc_end0:
.L_simem_size_0:
called_computation_lowered:
.L_overlay_start_0:
0x88: {  	s2 =	sld [smem:$0x3FD9]  }
0x89: {  	s3 =	sld [smem:$0x3FFE];
	_ =	sdelay $0x1  }
0x8a: {  	s1 =	srdreg.scid  }
0x8b: {  	s0 =	sand.u32 $0x1, s1  }
0x8c: {  	s17 =	sshll.u32 s0, $0xA;
	s2 =	sadd.s32 s3, s2  }
0x8d: {  	s2 =	sadd.s32 s2, s17  }
0x8e: {  	[smem:$0x3FBA] =	sst s2  }
0x8f: {  	_ = 	snop  }
0x90: {  	s2 =	sld [smem:$0x3FD0];
	(tm) =	ssettm $0x1  }
0x91: {  	s18 =	sld [smem:$0x3FFB];
	_ =	sdelay $0x3  }
0x92: {  	_ =	strace s18  }
0x93: {  	s3 =	sld [smem:$0x3FFC];
	_ =	sdelay $0x3  }
0x94: {  	_ =	strace s3  }
0x95: {  	s3 =	sld [smem:$0x3FFD];
	_ =	sdelay $0x3  }
0x96: {  	_ =	strace s3  }
0x97: {  	_ =	strace $0x8FFFFFFF  }
0x98: {  	s19 =	sld [smem:$0x3FDB];
	_ =	sdelay $0x1  }
0x99: {  	s4 =	simm.s32 $_scs_section_size  }
0x9a: {  	s5 =	simm.s32 $_size__tile_overlayer_lowered;
	s6 =	simm.s32 $_tile_overlayer_lowered  }
0x9b: {  	s22 =	simm.s32 $0x1BFF;
	s21 =	sshll.u32 s6, $0x1;
	s3 =	sadd.s32 s4, s19  }
0x9c: {  	s7 =	simm.s32 $0x0;
	s20 =	sshll.u32 s5, $0x1;
	s5 =	sadd.s32 s21, s3  }
0x9d: {  	[timem:s7], [sflag:s22] =	dma.local [hbm:s5], s20  }
0x9e: {  	_ =	swait.ge [sflag:s22], s20  }
0x9f: {  	s4 =	ssub.s32 $0x0, s20;
	[sflag:s22] =	ssyncset.done $0x0  }
0xa0: {  	[sflag:s22] =	ssyncadd.s32 s4;
	_ =	sdelay $0x1  }
0xa1: {  	s23 =	simm.s32 $0x1B8B  }
0xa2: {  	_ =	swait.ge [sflag:s23], $0x1  }
0xa3: {  	[sflag:s23] =	ssyncset.done $0x0  }
0xa4: {  	s25 =	simm.s32 $0x1B8E;
	s24 =	sld [smem:$0x3FFE];
	[sflag:s23] =	ssyncadd.s32 $0xFFFFFFFF  }
0xa5: {  	s26 =	simm.s32 $execute0_lowered;
	[smem:$0x3FD2] =	sst s25  }
0xa6: {  	s5 =	sshll.u32 s26, $0x1;
	_ =	strace $0x80000046;
	[dreg:$0x1] =	wrdreg $0xFFFFFFFF  }
0xa7: {  	s28 =	simm.s32 $_size_execute0_lowered;
	s3 =	sadd.s32 s3, s5;
	[dreg:$0x0] =	wrdreg $0x0  }
0xa8: {  	s5 =	sshll.u32 s28, $0x1;
	[dreg:$0x2] =	wrdreg s3  }
0xa9: {  	[dreg:$0x3] =	wrdreg s5  }
0xaa: {  	[dreg:$0x4] =	wrdreg $0xC0  }
0xab: {  	_ =	task [dreg:s7], $0x5FFFF  }
0xac: {  	[dreg:$0x1] =	wrdreg $0xFFFFFFFF  }
0xad: {  	[dreg:$0x0] =	wrdreg $0x60  }
0xae: {  	[dreg:$0x2] =	wrdreg s2  }
0xaf: {  	[dreg:$0x3] =	wrdreg s24  }
0xb0: {  	[dreg:$0x4] =	wrdreg $0x31800  }
0xb1: {  	[dreg:$0x5] =	wrdreg $0x9  }
0xb2: {  	_ =	task.clear_ibuf [dreg:s7], $0x6FFFF;
	_ =	strace $0x90000046  }
0xb3: {  	s29 =	simm.s32 $0x9;
	_ =	strace $0x80000048  }
0xb4: {  	_ =	swait.ge [sflag:s29], $0x1  }
0xb5: {  	[sflag:s29] =	ssyncadd.s32 $0xFFFFFFFF  }
0xb6: {  	_ =	strace $0x90000048  }
0xb7: {  	_ =	sfence  }
0xb8: {  	s30 =	sld [smem:$0x0];
	_ =	sdelay $0x2  }
0xb9: {  	s31 =	sshll.u32 s1, $0xD;
	s1 =	sshrl.u32 s1, $0x2  }
0xba: {  	s3 =	sand.u32 $0x4000, s31;
	s1 =	sadd.s32 s1, s30  }
0xbb: {  	s0 =	sor.u32 s3, s0;
	s1 =	sshll.u32 s1, $0x11  }
0xbc: {  	s0 =	sor.u32 s1, s0  }
0xbd: {  	s0 =	sadd.s32 $0x8F2B, s0  }
0xbe: {  	[sflag:s0] =	ssyncadd.remote.s32 $0x1  }
0xbf: {  	_ =	sfence.sel $0xFFFF  }
0xc0: {  	[dreg:$0x0] =	wrdreg $0xFFFFFFFF;
	(pc) =	sbr.abs _section_cstart, $3  }
0xc1: {  	[dreg:$0x1] =	wrdreg $0xFFFFFFFF  }
0xc2: {  	_ =	task.clear_ibuf [dreg:s7], $0x2FFFF;
	_ =	strace $0x9FFFFFFF  }
0xc3: {  	(tm) =	ssettm $0x7FFFFFFF  }
tec
execute0_lowered:
.L_overlay_start_1:
0x0: {  	(tag) =	ssettag $0x1  }
0x1: {  	s1 =	rddreg [dreg:$0x0]  }
0x2: {  	s7 =	rddreg [dreg:$0x1]  }
0x3: {  	s2 =	rddreg [dreg:$0x2];
	s3 =	srdreg.scid  }
0x4: {  	s0 =	rddreg [dreg:$0x3];
	s8 =	sand.u32 $0x1, s3  }
0x5: {  	s4 =	simm.s32 $0x0;
	s3 =	stileid.u32;
	s9 =	smul.u32 $0x13C000, s8  }
0x6: {  	s18 =	simm.s32 $0x180;
	s19 =	simm.s32 $0x80;
	s10 =	smul.u32 $0x13C00, s3  }
0x7: {  	[smem:$0x7FF] =	sst s4;
	s5 =	sadd.s32 $0x5000, s7;
	s12 =	smul.u32 $0x4F000, s3  }
0x8: {  	s6 =	sshll.u32 s8, $0x4;
	_ =	strace $0x80000047;
	s23 =	smul.u32 $0x27600, s8  }
0x9: {  	s21 =	ssub.s32 $0x2, s8;
	s25 =	smul.u32 $0x2760, s3;
	s26 =	sshll.u32 s3, $0x6  }
0xa: {  	s11 =	sor.u32 s3, s6;
	s6 =	sadd.s32 $0x18C00, s7;
	s22 =	sshrl.u32 s21, $0x1  }
0xb: {  	s9 =	sadd.s32 s10, s9;
	s20 =	smul.u32 $0x2760, s11;
	s14 =	ssub.s32 s21, s22  }
0xc: {  	s24 =	sshrl.u32 s12, $0x2;
	s15 =	sadd.s32 s25, s23;
	s21 =	simm.s32 $0x1  }
0xd: {  	s22 =	simm.s32 $0x60;
	s23 =	simm.s32 $0x2;
	s25 =	simm.s32 $0x0  }
0xe: {  	s9 =	sshrl.u32 s9, $0x3;
	s16 =	sadd.s32 s24, s2;
	s29 =	sadd.s32 $0x1E0, s15  }
0xf: {  	s17 =	sadd.s32 $0x180, s15;
	s12 =	smax.u32 s14, $0x1;
	s15 =	sadd.s32 $0x120, s15  }
0x10: {  	s24 =	simm.s32 $0x3;
	s13 =	sadd.s32 s9, s7;
	s28 =	sshrl.u32 s20, $0x3  }
0x11: {  	s7 =	sor.u32 $0x1C04, s26;
	s30 =	sshrl.u32 s29, $0x3;
	s31 =	sshrl.u32 s17, $0x3  }
0x12: {  	s16 =	sshrl.u32 s16, $0x3;
	s17 =	simm.s32 $0x4;
	s20 =	simm.s32 $0x100  }
0x13: {  	s8 =	sadd.s32 s5, s28;
	s11 =	sadd.s32 $0x1B400, s13;
	s13 =	sadd.s32 s30, s5  }
0x14: {  	s14 =	sadd.s32 s31, s5;
	s9 =	sadd.s32 $0xC, s8;
	s10 =	sadd.s32 $0x18, s8  }
.LBB2_1:
0x15: {  	[spmem:s16], [sflag:s7] =	dma.local [hbm:s6], $0x2780  }
0x16: {  	_ =	swait.ge [sflag:s17], $0x2780  }
0x17: {  	[sflag:s17] =	ssyncset.done $0x0  }
0x18: {  	[sflag:s17] =	ssyncadd.s32 $0xFFFFD880  }
0x19: {  	[tilespmem:s18], [sflag:$0x4] =	stream.linear.gather [hbm4b:s1+s4], $0x3000, $0x38;
	[tilespmem:$0x16D80] =	vst v63  }
0x1a: {  	_ =	swait.ge [sflag:s17], $0x3000  }
0x1b: {  	[sflag:s17] =	ssyncset.done $0x0  }
0x1c: {  	[sflag:s17] =	ssyncadd.s32 $0xFFFFD000  }
0x1d: {  	[tilespmem:s4], [sflag:$0x1] =	stream.linear.gather [hbm4b:s8+s4], $0x60, $0x38;
	[tilespmem:$0x16D80] =	vst v63  }
0x1e: {  	_ = 	snop  }
0x1f: {  	[tilespmem:s19], [sflag:$0x2] =	stream.linear.gather [hbm4b:s9+s4], $0x60, $0x38;
	[tilespmem:$0x16D80] =	vst v63  }
0x20: {  	_ = 	snop  }
0x21: {  	[tilespmem:s20], [sflag:$0x3] =	stream.linear.gather [hbm4b:s10+s4], $0x60, $0x38;
	[tilespmem:$0x16D80] =	vst v63  }
0x22: {  	[bflag:$0x0] =	sbarrier.arrive $0xFFFF  }
0x23: {  	_ =	swait.ge [sflag:s21], $0x60  }
0x24: {  	[sflag:s21] =	ssyncset.done $0x0  }
0x25: {  	[sflag:s21] =	ssyncadd.s32 $0xFFFFFFA0  }
0x26: {  	[spmem:s2] =	stream.indirect.scatter.add.f32 [tilespmem:s18], [sflag:$0x4], $0x80, s4, s22, $0xb8;
	[tilespmem:$0x16D80] =	vst v63  }
0x27: {  	_ =	swait.ge [sflag:s17], $0x3000  }
0x28: {  	s26 =	sshrl.u32 s15, $0x3;
	[sflag:s17] =	ssyncset.done $0x0  }
0x29: {  	s26 =	sadd.s32 s5, s26;
	[sflag:s17] =	ssyncadd.s32 $0xFFFFD000  }
0x2a: {  	[tilespmem:s4], [sflag:$0x1] =	stream.linear.gather [hbm4b:s26+s4], $0x60, $0x38;
	[tilespmem:$0x16D80] =	vst v63  }
0x2b: {  	_ =	swait.ge [sflag:s23], $0x60  }
0x2c: {  	[sflag:s23] =	ssyncset.done $0x0  }
0x2d: {  	[sflag:s23] =	ssyncadd.s32 $0xFFFFFFA0  }
0x2e: {  	[spmem:s2] =	stream.indirect.scatter.add.f32 [tilespmem:s18], [sflag:$0x4], $0x80, s19, s22, $0xb8;
	[tilespmem:$0x16D80] =	vst v63  }
0x2f: {  	_ =	swait.ge [sflag:s17], $0x3000  }
0x30: {  	[sflag:s17] =	ssyncset.done $0x0  }
0x31: {  	s31 =	sadd.s32 $0x0, s14;
	[sflag:s17] =	ssyncadd.s32 $0xFFFFD000  }
0x32: {  	[tilespmem:s19], [sflag:$0x2] =	stream.linear.gather [hbm4b:s31+s4], $0x60, $0x38;
	[tilespmem:$0x16D80] =	vst v63  }
0x33: {  	_ =	swait.ge [sflag:s24], $0x60  }
0x34: {  	[sflag:s24] =	ssyncset.done $0x0  }
0x35: {  	[sflag:s24] =	ssyncadd.s32 $0xFFFFFFA0  }
0x36: {  	[spmem:s2] =	stream.indirect.scatter.add.f32 [tilespmem:s18], [sflag:$0x4], $0x80, s20, s22, $0xb8;
	[tilespmem:$0x16D80] =	vst v63  }
0x37: {  	_ =	swait.ge [sflag:s17], $0x3000  }
0x38: {  	s29 =	sadd.s32 $0x0, s13;
	[sflag:s17] =	ssyncset.done $0x0  }
0x39: {  	s28 =	sadd.s32 $0x120, s15;
	s26 =	simm.s32 $0x24;
	[sflag:s17] =	ssyncadd.s32 $0xFFFFD000  }
.LBB2_2:
0x3a: {  	[tilespmem:s20], [sflag:$0x3] =	stream.linear.gather [hbm4b:s29+s4], $0x60, $0x38;
	[tilespmem:$0x16D80] =	vst v63  }
0x3b: {  	s29 =	smov.u32 s26  }
0x3c: {  	p0 =	sne.s32 s26, $0x4A4;
	s26 =	sadd.s32 $0x24, s26;
	_ =	swait.ge [sflag:s21], $0x60  }
0x3d: {  	[sflag:s21] =	ssyncset.done $0x0  }
0x3e: {  	[sflag:s21] =	ssyncadd.s32 $0xFFFFFFA0  }
0x3f: {  	[spmem:s2] =	stream.indirect.scatter.add.f32 [tilespmem:s18], [sflag:$0x4], $0x80, s4, s22, $0xb8;
	[tilespmem:$0x16D80] =	vst v63  }
0x40: {  	_ =	swait.ge [sflag:s17], $0x3000  }
0x41: {  	s30 =	sshrl.u32 s28, $0x3;
	[sflag:s17] =	ssyncset.done $0x0  }
0x42: {  	s30 =	sadd.s32 s5, s30;
	[sflag:s17] =	ssyncadd.s32 $0xFFFFD000  }
0x43: {  	[tilespmem:s4], [sflag:$0x1] =	stream.linear.gather [hbm4b:s30+s4], $0x60, $0x38;
	[tilespmem:$0x16D80] =	vst v63  }
0x44: {  	_ =	swait.ge [sflag:s23], $0x60  }
0x45: {  	[sflag:s23] =	ssyncset.done $0x0  }
0x46: {  	[sflag:s23] =	ssyncadd.s32 $0xFFFFFFA0  }
0x47: {  	[spmem:s2] =	stream.indirect.scatter.add.f32 [tilespmem:s18], [sflag:$0x4], $0x80, s19, s22, $0xb8;
	[tilespmem:$0x16D80] =	vst v63  }
0x48: {  	_ =	swait.ge [sflag:s17], $0x3000  }
0x49: {  	[sflag:s17] =	ssyncset.done $0x0  }
0x4a: {  	s30 =	sadd.s32 s29, s14;
	[sflag:s17] =	ssyncadd.s32 $0xFFFFD000  }
0x4b: {  	[tilespmem:s19], [sflag:$0x2] =	stream.linear.gather [hbm4b:s30+s4], $0x60, $0x38;
	[tilespmem:$0x16D80] =	vst v63  }
0x4c: {  	_ =	swait.ge [sflag:s24], $0x60  }
0x4d: {  	[sflag:s24] =	ssyncset.done $0x0  }
.Ltmp0:
0x4e: {  	[sflag:s24] =	ssyncadd.s32 $0xFFFFFFA0;
	(pc) =	sbr.rel @p0 .LBB2_2-.Ltmp0, $4  }
0x4f: {  	[spmem:s2] =	stream.indirect.scatter.add.f32 [tilespmem:s18], [sflag:$0x4], $0x80, s20, s22, $0xb8;
	[tilespmem:$0x16D80] =	vst v63  }
0x50: {  	_ =	swait.ge [sflag:s17], $0x3000  }
0x51: {  	[sflag:s17] =	ssyncset.done $0x0  }
0x52: {  	s28 =	sadd.s32 $0x120, s28;
	s29 =	sadd.s32 s29, s13;
	[sflag:s17] =	ssyncadd.s32 $0xFFFFD000  }
0x53: {  	[tilespmem:s20], [sflag:$0x3] =	stream.linear.gather [hbm4b:s29+s4], $0x60, $0x38;
	[tilespmem:$0x16D80] =	vst v63  }
0x54: {  	_ =	swait.ge [sflag:s21], $0x60  }
0x55: {  	[sflag:s21] =	ssyncset.done $0x0  }
0x56: {  	[sflag:s21] =	ssyncadd.s32 $0xFFFFFFA0  }
0x57: {  	[spmem:s2] =	stream.indirect.scatter.add.f32 [tilespmem:s18], [sflag:$0x4], $0x80, s4, s22, $0xb8;
	[tilespmem:$0x16D80] =	vst v63  }
0x58: {  	_ =	swait.ge [sflag:s17], $0x3000  }
0x59: {  	[sflag:s17] =	ssyncset.done $0x0  }
0x5a: {  	[sflag:s17] =	ssyncadd.s32 $0xFFFFD000  }
0x5b: {  	_ =	swait.ge [sflag:s23], $0x60  }
0x5c: {  	[sflag:s23] =	ssyncset.done $0x0  }
0x5d: {  	[sflag:s23] =	ssyncadd.s32 $0xFFFFFFA0  }
0x5e: {  	[spmem:s2] =	stream.indirect.scatter.add.f32 [tilespmem:s18], [sflag:$0x4], $0x80, s19, s22, $0xb8;
	[tilespmem:$0x16D80] =	vst v63  }
0x5f: {  	_ =	swait.ge [sflag:s17], $0x3000  }
0x60: {  	[sflag:s17] =	ssyncset.done $0x0  }
0x61: {  	[sflag:s17] =	ssyncadd.s32 $0xFFFFD000  }
0x62: {  	_ =	swait.ge [sflag:s24], $0x60  }
0x63: {  	[sflag:s24] =	ssyncset.done $0x0  }
0x64: {  	[sflag:s24] =	ssyncadd.s32 $0xFFFFFFA0  }
0x65: {  	[spmem:s2] =	stream.indirect.scatter.add.f32 [tilespmem:s18], [sflag:$0x4], $0x80, s20, s22, $0xb8;
	[tilespmem:$0x16D80] =	vst v63  }
0x66: {  	_ =	swait.ge [sflag:s17], $0x3000  }
0x67: {  	s25 =	sadd.s32 $0x1, s25;
	[sflag:s17] =	ssyncset.done $0x0  }
0x68: {  	p0 =	sne.s32 s25, s12;
	[sflag:s17] =	ssyncadd.s32 $0xFFFFD000  }
.Ltmp1:
0x69: {  	[bflag:$0x0] =	sbarrier.arrive $0xFFFF;
	(pc) =	sbr.rel @p0 .LBB2_1-.Ltmp1, $4  }
0x6a: {  	[hbm:s11], [sflag:s7] =	dma.local [spmem:s16], $0x2780  }
0x6b: {  	_ =	swait.ge [sflag:s17], $0x2780  }
0x6c: {  	[sflag:s17] =	ssyncset.done $0x0  }
0x6d: {  	[sflag:s17] =	ssyncadd.s32 $0xFFFFD880  }
0x6e: {  	_ =	sfence.sel $0x180000  }
0x6f: {  	[bflag:$0x0] =	sbarrier.arrive $0xFFFF  }
0x70: {  	p0 =	sne.s32 s3, $0x0;
	_ =	strace $0x90000047  }
0x71: {  	s0 =	sadd.s32 @!p0 $0x100000, s0;
	[bflag:$0x2] =	sbarrier.arrive $0xFFFF  }
0x72: {  	[sflag:s0] =	ssyncadd.tile.s32 @!p0 $0x1;
	_ =	shalt  }
.Lfunc_end2:
_tile_overlayer_lowered:
.L_overlay_start_2:
0x73: {  	(tag) =	ssettag $0x2  }
0x74: {  	s0 =	rddreg [dreg:$0x0];
	s2 =	stileid.u32  }
0x75: {  	s1 =	rddreg [dreg:$0x1];
	p0 =	sne.s32 s2, $0x0  }
0x76: {  	s3 =	rddreg [dreg:$0x2];
	[bflag:$0x3] =	sbarrier.arrive $0xFFFF;
	s2 =	simm.s32 @!p0 $0x1C04  }
0x77: {  	[timem:s3], [sflag:s2] =	dma.local @!p0 [hbm:s0], s1  }
0x78: {  	s0 =	simm.s32 @!p0 $0x4  }
0x79: {  	_ =	swait.ge @!p0 [sflag:s0], s1  }
0x7a: {  	s1 =	ssub.s32 @!p0 $0x0, s1;
	[sflag:s0] =	ssyncset.done @!p0 $0x0  }
0x7b: {  	[sflag:s0] =	ssyncadd.s32 @!p0 s1  }
0x7c: {  	[bflag:$0x3] =	sbarrier.arrive $0xFFFF  }
0x7d: {  	_ =	shalt  }

// kernel: kernel.13.cloned.1.call-start
scs
__scs_entry_jumppad:
0x0: {  	(pc) =	sbr.rel $0x88, $3  }
0x1: {  	(tag) =	ssettag $0x0;
	lr =	simm.s32 $0x1  }
0x2: {  	[smem:$0x3F93] =	sst lr;
	_ =	strace $0xD0000000  }
0x3: {  	_ = 	snop  }
0x4: {  	_ = 	snop  }
0x5: {  	_ = 	snop  }
0x6: {  	_ = 	snop  }
0x7: {  	_ = 	snop  }
__scs_overlays_trampoline_lowered:
0x8: {  	[smem:$0x3FA2] =	sst s0  }
0x9: {  	[smem:$0x3FA3] =	sst s1  }
0xa: {  	[smem:$0x3FA4] =	sst s2  }
0xb: {  	[smem:$0x3FA5] =	sst s3  }
0xc: {  	[smem:$0x3FA6] =	sst s4  }
0xd: {  	[smem:$0x3FA7] =	sst s5  }
0xe: {  	[smem:$0x3FA8] =	sst s6  }
0xf: {  	[smem:$0x3FA9] =	sst s7  }
0x10: {  	[smem:$0x3FAA] =	sst s8  }
0x11: {  	[smem:$0x3FAB] =	sst s9;
	s0 =	simm.s32 @!p0 $0x0  }
0x12: {  	s1 =	sld [smem:$0x3F91];
	s0 =	simm.s32 @p0 $0x1  }
0x13: {  	[smem:$0x3FAC] =	sst s0;
	s0 =	simm.s32 @!p1 $0x0  }
0x14: {  	s2 =	sld [smem:$0x3F90];
	s0 =	simm.s32 @p1 $0x1  }
0x15: {  	[smem:$0x3FAD] =	sst s0;
	s0 =	simm.s32 @!p2 $0x0  }
0x16: {  	s3 =	sld [smem:$0x3FDB];
	s0 =	simm.s32 @p2 $0x1  }
0x17: {  	s4 =	simm.s32 $0x1BF5;
	[smem:$0x3FAF] =	sst s0  }
0x18: {  	s0 =	sld [smem:$0x3F92];
	_ =	swait.ge [sflag:s4], $0x0  }
0x19: {  	s7 =	sld [smem:$0x3F93]  }
0x1a: {  	s8 =	sadd.s32 $0xFFFFE003, lr  }
0x1b: {  	s9 =	sadd.s32 $0xFFFFFEF7, lr;
	s5 =	simm.s32 $0xFFFFFFFF;
	p2 =	slt.u32 s8, $0xFFFFF086  }
0x1c: {  	p1 =	slt.u32 s9, $0xF7A;
	s5 =	simm.s32 @!p2 $0x0  }
0x1d: {  	s5 =	simm.s32 @p1 $0x1;
	p0 =	seq.s32 s7, s2  }
0x1e: {  	s7 =	smul.u32 @!p0 $0xF7A, s2;
	p2 =	seq.s32 @!p0 s5, $0x0  }
0x1f: {  	s9 =	smul.u32 $0xF7A, s1;
	s8 =	simm.s32 @!p0 $0x1BF5;
	p2 =	por !p2, p0  }
0x20: {  	[sflag:s8] =	ssyncset.s32 @!p0 $0xFFFFF086;
	s6 =	sadd.s32 @!p0 s3, s7;
	s7 =	simm.s32 @!p0 $0x108  }
0x21: {  	s3 =	sadd.s32 s3, s9;
	s6 =	sadd.s32 @!p0 $0x88, s6;
	s7 =	simm.s32 @p2 $0x1082  }
0x22: {  	[simem:s7], [sflag:s8] =	dma.local @!p0 [hbm:s6], $0xF7A  }
0x23: {  	s9 =	sor.u32 $0xD0000000, s2;
	s6 =	simm.s32 $0x108;
	_ =	swait.ge @!p0 [sflag:s8], $0x0  }
0x24: {  	s3 =	sadd.s32 $0x88, s3;
	s6 =	simm.s32 @!p1 $0x1082;
	[sflag:s4] =	ssyncset.s32 $0xFFFFF086  }
0x25: {  	[simem:s6], [sflag:s4] =	dma.local [hbm:s3], $0xF7A  }
0x26: {  	[smem:$0x3F93] =	sst s1;
	(tag) =	ssettag s2;
	_ =	strace s9  }
0x27: {  	s1 =	sld [smem:$0x3FA3]  }
0x28: {  	s2 =	sld [smem:$0x3FA4]  }
0x29: {  	s4 =	sld [smem:$0x3FA6]  }
0x2a: {  	p0 =	seq.s32 s5, $0x0;
	s5 =	sld [smem:$0x3FA7]  }
0x2b: {  	s6 =	sld [smem:$0x3FA8]  }
0x2c: {  	s7 =	sld [smem:$0x3FA9]  }
0x2d: {  	s3 =	simm.s32 $0x108;
	s8 =	sld [smem:$0x3FAA]  }
0x2e: {  	s3 =	simm.s32 @!p0 $0x1082;
	s9 =	sld [smem:$0x3FAB]  }
0x2f: {  	lr =	sadd.s32 s0, s3;
	s0 =	sld [smem:$0x3FA2]  }
0x30: {  	s3 =	sld [smem:$0x3FA5]  }
0x31: {  	[smem:$0x3FAE] =	sst s10  }
0x32: {  	s10 =	sld [smem:$0x3FAC];
	_ =	sdelay $0x3  }
0x33: {  	p0 =	seq.s32 s10, $0x1;
	s10 =	sld [smem:$0x3FAE];
	_ =	sdelay $0x3  }
0x34: {  	[smem:$0x3FAE] =	sst s10  }
0x35: {  	s10 =	sld [smem:$0x3FAD];
	_ =	sdelay $0x3  }
0x36: {  	p1 =	seq.s32 s10, $0x1;
	s10 =	sld [smem:$0x3FAE];
	_ =	sdelay $0x3  }
0x37: {  	[smem:$0x3FAE] =	sst s10  }
0x38: {  	s10 =	sld [smem:$0x3FAF]  }
0x39: {  	_ = 	snop;
	(pc) =	sbr.ind lr, $3  }
0x3a: {  	_ = 	snop  }
0x3b: {  	_ = 	snop  }
0x3c: {  	p2 =	seq.s32 s10, $0x1;
	s10 =	sld [smem:$0x3FAE]  }
0x3d: {  	_ =	shalt  }
0x3e: {  	_ =	shalt  }
0x3f: {  	_ =	shalt  }
0x40: {  	_ =	shalt  }
0x41: {  	_ =	shalt  }
0x42: {  	_ =	shalt  }
0x43: {  	_ =	shalt  }
0x44: {  	_ =	shalt  }
0x45: {  	_ =	shalt  }
0x46: {  	_ =	shalt  }
0x47: {  	_ =	shalt  }
0x48: {  	_ =	shalt  }
0x49: {  	_ =	shalt  }
0x4a: {  	_ =	shalt  }
0x4b: {  	_ =	shalt  }
0x4c: {  	_ =	shalt  }
0x4d: {  	_ =	shalt  }
0x4e: {  	_ =	shalt  }
0x4f: {  	_ =	shalt  }
0x50: {  	_ =	shalt  }
0x51: {  	_ =	shalt  }
0x52: {  	_ =	shalt  }
0x53: {  	_ =	shalt  }
0x54: {  	_ =	shalt  }
0x55: {  	_ =	shalt  }
0x56: {  	_ =	shalt  }
0x57: {  	_ =	shalt  }
0x58: {  	_ =	shalt  }
0x59: {  	_ =	shalt  }
0x5a: {  	_ =	shalt  }
0x5b: {  	_ =	shalt  }
0x5c: {  	_ =	shalt  }
0x5d: {  	_ =	shalt  }
0x5e: {  	_ =	shalt  }
0x5f: {  	_ =	shalt  }
0x60: {  	_ =	shalt  }
0x61: {  	_ =	shalt  }
0x62: {  	_ =	shalt  }
0x63: {  	_ =	shalt  }
0x64: {  	_ =	shalt  }
0x65: {  	_ =	shalt  }
0x66: {  	_ =	shalt  }
0x67: {  	_ =	shalt  }
0x68: {  	_ =	shalt  }
0x69: {  	_ =	shalt  }
0x6a: {  	_ =	shalt  }
0x6b: {  	_ =	shalt  }
0x6c: {  	_ =	shalt  }
0x6d: {  	_ =	shalt  }
0x6e: {  	_ =	shalt  }
0x6f: {  	_ =	shalt  }
0x70: {  	_ =	shalt  }
0x71: {  	_ =	shalt  }
0x72: {  	_ =	shalt  }
0x73: {  	_ =	shalt  }
0x74: {  	_ =	shalt  }
0x75: {  	_ =	shalt  }
0x76: {  	_ =	shalt  }
0x77: {  	_ =	shalt  }
0x78: {  	_ =	shalt  }
0x79: {  	_ =	shalt  }
0x7a: {  	_ =	shalt  }
0x7b: {  	_ =	shalt  }
0x7c: {  	_ =	shalt  }
0x7d: {  	_ =	shalt  }
0x7e: {  	_ =	shalt  }
0x7f: {  	_ =	shalt  }
0x80: {  	_ =	shalt  }
0x81: {  	_ =	shalt  }
0x82: {  	_ =	shalt  }
0x83: {  	_ =	shalt  }
0x84: {  	_ =	shalt  }
0x85: {  	_ =	shalt  }
0x86: {  	_ =	shalt  }
0x87: {  	_ =	shalt  }
.Lfunc_end0:
.L_simem_size_0:
called_computation.1_lowered:
.L_overlay_start_0:
0x88: {  	s2 =	sld [smem:$0x3FD9]  }
0x89: {  	s3 =	sld [smem:$0x3FFE];
	_ =	sdelay $0x1  }
0x8a: {  	s1 =	srdreg.scid  }
0x8b: {  	s0 =	sand.u32 $0x1, s1  }
0x8c: {  	s17 =	sshll.u32 s0, $0xA;
	s2 =	sadd.s32 s3, s2  }
0x8d: {  	s2 =	sadd.s32 s2, s17  }
0x8e: {  	[smem:$0x3FBA] =	sst s2  }
0x8f: {  	_ = 	snop  }
0x90: {  	s2 =	sld [smem:$0x3FD0];
	(tm) =	ssettm $0x1  }
0x91: {  	s18 =	sld [smem:$0x3FFB];
	_ =	sdelay $0x3  }
0x92: {  	_ =	strace s18  }
0x93: {  	s3 =	sld [smem:$0x3FFC];
	_ =	sdelay $0x3  }
0x94: {  	_ =	strace s3  }
0x95: {  	s3 =	sld [smem:$0x3FFD];
	_ =	sdelay $0x3  }
0x96: {  	_ =	strace s3  }
0x97: {  	_ =	strace $0x8FFFFFFF  }
0x98: {  	s19 =	sld [smem:$0x3FDB];
	_ =	sdelay $0x1  }
0x99: {  	s4 =	simm.s32 $_scs_section_size  }
0x9a: {  	s5 =	simm.s32 $_size__tile_overlayer_lowered;
	s6 =	simm.s32 $_tile_overlayer_lowered  }
0x9b: {  	s22 =	simm.s32 $0x1BFF;
	s21 =	sshll.u32 s6, $0x1;
	s3 =	sadd.s32 s4, s19  }
0x9c: {  	s7 =	simm.s32 $0x0;
	s20 =	sshll.u32 s5, $0x1;
	s5 =	sadd.s32 s21, s3  }
0x9d: {  	[timem:s7], [sflag:s22] =	dma.local [hbm:s5], s20  }
0x9e: {  	_ =	swait.ge [sflag:s22], s20  }
0x9f: {  	s4 =	ssub.s32 $0x0, s20;
	[sflag:s22] =	ssyncset.done $0x0  }
0xa0: {  	[sflag:s22] =	ssyncadd.s32 s4;
	_ =	sdelay $0x1  }
0xa1: {  	s23 =	simm.s32 $0x1B8B  }
0xa2: {  	_ =	swait.ge [sflag:s23], $0x1  }
0xa3: {  	[sflag:s23] =	ssyncset.done $0x0  }
0xa4: {  	s25 =	simm.s32 $0x1B8E;
	s24 =	sld [smem:$0x3FFE];
	[sflag:s23] =	ssyncadd.s32 $0xFFFFFFFF  }
0xa5: {  	s26 =	simm.s32 $execute0_lowered;
	[smem:$0x3FD2] =	sst s25  }
0xa6: {  	s5 =	sshll.u32 s26, $0x1;
	_ =	strace $0x80000049;
	[dreg:$0x1] =	wrdreg $0xFFFFFFFF  }
0xa7: {  	s28 =	simm.s32 $_size_execute0_lowered;
	s3 =	sadd.s32 s3, s5;
	[dreg:$0x0] =	wrdreg $0x0  }
0xa8: {  	s5 =	sshll.u32 s28, $0x1;
	[dreg:$0x2] =	wrdreg s3  }
0xa9: {  	[dreg:$0x3] =	wrdreg s5  }
0xaa: {  	[dreg:$0x4] =	wrdreg $0xC0  }
0xab: {  	_ =	task [dreg:s7], $0x5FFFF  }
0xac: {  	[dreg:$0x1] =	wrdreg $0xFFFFFFFF  }
0xad: {  	[dreg:$0x0] =	wrdreg $0x60  }
0xae: {  	[dreg:$0x2] =	wrdreg s2  }
0xaf: {  	[dreg:$0x3] =	wrdreg s24  }
0xb0: {  	[dreg:$0x4] =	wrdreg $0xB9000  }
0xb1: {  	[dreg:$0x5] =	wrdreg $0x9  }
0xb2: {  	_ =	task.clear_ibuf [dreg:s7], $0x6FFFF;
	_ =	strace $0x90000049  }
0xb3: {  	s29 =	simm.s32 $0x9;
	_ =	strace $0x8000004B  }
0xb4: {  	_ =	swait.ge [sflag:s29], $0x1  }
0xb5: {  	[sflag:s29] =	ssyncadd.s32 $0xFFFFFFFF  }
0xb6: {  	_ =	strace $0x9000004B  }
0xb7: {  	_ =	sfence  }
0xb8: {  	s30 =	sld [smem:$0x0];
	_ =	sdelay $0x2  }
0xb9: {  	s31 =	sshll.u32 s1, $0xD;
	s1 =	sshrl.u32 s1, $0x2  }
0xba: {  	s3 =	sand.u32 $0x4000, s31;
	s1 =	sadd.s32 s1, s30  }
0xbb: {  	s0 =	sor.u32 s3, s0;
	s1 =	sshll.u32 s1, $0x11  }
0xbc: {  	s0 =	sor.u32 s1, s0  }
0xbd: {  	s0 =	sadd.s32 $0x8F2B, s0  }
0xbe: {  	[sflag:s0] =	ssyncadd.remote.s32 $0x1  }
0xbf: {  	_ =	sfence.sel $0xFFFF  }
0xc0: {  	[dreg:$0x0] =	wrdreg $0xFFFFFFFF;
	(pc) =	sbr.abs _section_cstart, $3  }
0xc1: {  	[dreg:$0x1] =	wrdreg $0xFFFFFFFF  }
0xc2: {  	_ =	task.clear_ibuf [dreg:s7], $0x2FFFF;
	_ =	strace $0x9FFFFFFF  }
0xc3: {  	(tm) =	ssettm $0x7FFFFFFF  }
tec
execute0_lowered:
.L_overlay_start_1:
0x0: {  	(tag) =	ssettag $0x1  }
0x1: {  	s1 =	rddreg [dreg:$0x0]  }
0x2: {  	s0 =	srdreg.scid;
	s6 =	rddreg [dreg:$0x1]  }
0x3: {  	s12 =	stileid.u32;
	s3 =	rddreg [dreg:$0x2];
	s4 =	simm.s32 $0x0  }
0x4: {  	s28 =	simm.s32 $0x1;
	s29 =	simm.s32 $0x4;
	s30 =	simm.s32 $0x2  }
0x5: {  	s31 =	simm.s32 $0x5;
	s0 =	sand.u32 $0x1, s0;
	s8 =	smul.u32 $0x13C00, s12  }
0x6: {  	[smem:$0x7FF] =	sst s4;
	s5 =	sadd.s32 $0x5000, s6;
	s11 =	smul.u32 $0x4F000, s12  }
0x7: {  	s10 =	sadd.s32 $0x18C00, s6;
	s18 =	sshll.u32 s12, $0x6;
	s19 =	smul.u32 $0x2760, s12  }
0x8: {  	s2 =	sshll.u32 s0, $0x4;
	s7 =	smul.u32 $0x13C000, s0;
	_ =	strace $0x8000004A  }
0x9: {  	[dreg:$0x4] =	wrdreg s10;
	s15 =	ssub.s32 $0x2, s0;
	s0 =	smul.u32 $0x27600, s0  }
0xa: {  	s2 =	sor.u32 s12, s2;
	s16 =	sshrl.u32 s15, $0x1;
	s17 =	sshrl.u32 s11, $0x2  }
0xb: {  	s2 =	smul.u32 $0x2760, s2;
	s7 =	sadd.s32 s8, s7;
	s10 =	ssub.s32 s15, s16  }
0xc: {  	s14 =	sadd.s32 s17, s3;
	s0 =	sadd.s32 s19, s0;
	s19 =	simm.s32 $0x2780  }
0xd: {  	s7 =	sshrl.u32 s7, $0x3;
	s22 =	sadd.s32 $0x1E0, s0;
	s23 =	sadd.s32 $0x180, s0  }
0xe: {  	s25 =	smax.u32 s10, $0x1;
	s16 =	sadd.s32 $0x120, s0;
	s17 =	sshrl.u32 s14, $0x3  }
0xf: {  	s0 =	simm.s32 $0x6;
	s2 =	sshrl.u32 s2, $0x3;
	s24 =	sshrl.u32 s23, $0x3  }
0x10: {  	[dreg:$0xa] =	wrdreg s25;
	s9 =	sadd.s32 s2, s6;
	s2 =	sadd.s32 s5, s2  }
0x11: {  	s23 =	simm.s32 $0x5900;
	s26 =	sadd.s32 s24, s5;
	[dreg:$0x5] =	wrdreg s2  }
0x12: {  	s25 =	simm.s32 $0x0;
	s20 =	sadd.s32 $0xEE00, s9;
	[dreg:$0xb] =	wrdreg s26  }
0x13: {  	s6 =	sadd.s32 s7, s6;
	s21 =	sadd.s32 $0xC, s2;
	[dreg:$0x6] =	wrdreg s20  }
0x14: {  	s7 =	sor.u32 $0x1C07, s18;
	s2 =	sadd.s32 $0x18, s2;
	[dreg:$0x7] =	wrdreg s21  }
0x15: {  	s18 =	simm.s32 $0x7;
	s6 =	sadd.s32 $0x6A400, s6;
	[dreg:$0x8] =	wrdreg s2  }
0x16: {  	s24 =	simm.s32 $0x2880;
	s26 =	simm.s32 $0x8900;
	[dreg:$0x9] =	wrdreg s6  }
0x17: {  	s2 =	sshrl.u32 s22, $0x3;
	s20 =	simm.s32 $0x60;
	s21 =	simm.s32 $0x2900  }
0x18: {  	s22 =	simm.s32 $0x2800;
	s12 =	sadd.s32 s2, s5;
	s2 =	simm.s32 $0x3  }
.LBB2_1:
0x19: {  	s6 =	rddreg [dreg:$0x4]  }
0x1a: {  	[spmem:s17], [sflag:s7] =	dma.local [hbm:s6], $0x2780  }
0x1b: {  	_ =	swait.ge [sflag:s18], $0x2780  }
0x1c: {  	[sflag:s18] =	ssyncset.done $0x0  }
0x1d: {  	s10 =	rddreg [dreg:$0x6];
	[sflag:s18] =	ssyncadd.s32 $0xFFFFD880  }
0x1e: {  	[tilespmem:s4], [sflag:$0x7] =	stream.linear.gather [hbm4b:s10+s4], $0x2760, $0x38;
	[tilespmem:$0x1F500] =	vst v63  }
0x1f: {  	_ =	swait.ge [sflag:s18], $0x2760  }
0x20: {  	[sflag:s18] =	ssyncset.done $0x0  }
0x21: {  	s11 =	rddreg [dreg:$0x5];
	[sflag:s18] =	ssyncadd.s32 $0xFFFFD8A0  }
0x22: {  	[tilespmem:s19], [sflag:$0x4] =	stream.linear.gather [hbm4b:s11+s4], $0x60, $0x38;
	[tilespmem:$0x1F500] =	vst v63  }
0x23: {  	_ = 	snop  }
0x24: {  	[tilespmem:s21], [sflag:$0x1] =	stream.indirect.gather [hbm4b:s1+s20], $0x80, s4, s20, $0xb8;
	[tilespmem:$0x1F500] =	vst v63  }
0x25: {  	s13 =	rddreg [dreg:$0x7]  }
0x26: {  	[tilespmem:s22], [sflag:$0x5] =	stream.linear.gather [hbm4b:s13+s4], $0x60, $0x38;
	[tilespmem:$0x1F500] =	vst v63  }
0x27: {  	_ = 	snop  }
0x28: {  	[tilespmem:s23], [sflag:$0x2] =	stream.indirect.gather [hbm4b:s1+s20], $0x80, s20, s20, $0xb8;
	[tilespmem:$0x1F500] =	vst v63  }
0x29: {  	s14 =	rddreg [dreg:$0x8]  }
0x2a: {  	[tilespmem:s24], [sflag:$0x6] =	stream.linear.gather [hbm4b:s14+s4], $0x60, $0x38;
	[tilespmem:$0x1F500] =	vst v63  }
0x2b: {  	s15 =	smov.u32 s7;
	s7 =	simm.s32 $0xC0  }
0x2c: {  	[tilespmem:s26], [sflag:$0x3] =	stream.indirect.gather [hbm4b:s1+s20], $0x80, s7, s20, $0xb8;
	[tilespmem:$0x1F500] =	vst v63  }
0x2d: {  	[bflag:$0x0] =	sbarrier.arrive $0xFFFF  }
0x2e: {  	_ =	swait.ge [sflag:s28], $0x3000  }
0x2f: {  	[sflag:s28] =	ssyncset.done $0x0  }
0x30: {  	[sflag:s28] =	ssyncadd.s32 $0xFFFFD000  }
0x31: {  	_ =	swait.ge [sflag:s29], $0x60  }
0x32: {  	[sflag:s29] =	ssyncset.done $0x0  }
0x33: {  	[sflag:s29] =	ssyncadd.s32 $0xFFFFFFA0  }
0x34: {  	[spmem:s3] =	stream.indirect.scatter.add.f32 [tilespmem:s21], [sflag:$0x7], $0x80, s19, s20, $0xb8;
	[tilespmem:$0x1F500] =	vst v63  }
0x35: {  	_ =	swait.ge [sflag:s18], $0x3000  }
0x36: {  	[sflag:s18] =	ssyncset.done $0x0  }
0x37: {  	s8 =	simm.s32 $0x120;
	s9 =	sshrl.u32 s16, $0x3;
	[sflag:s18] =	ssyncadd.s32 $0xFFFFD000  }
0x38: {  	[tilespmem:s21], [sflag:$0x1] =	stream.indirect.gather [hbm4b:s1+s20], $0x80, s8, s20, $0xb8;
	[tilespmem:$0x1F500] =	vst v63  }
0x39: {  	s10 =	sadd.s32 s5, s9  }
0x3a: {  	[tilespmem:s19], [sflag:$0x4] =	stream.linear.gather [hbm4b:s10+s4], $0x60, $0x38;
	[tilespmem:$0x1F500] =	vst v63  }
0x3b: {  	_ =	swait.ge [sflag:s30], $0x3000  }
0x3c: {  	[sflag:s30] =	ssyncset.done $0x0  }
0x3d: {  	[sflag:s30] =	ssyncadd.s32 $0xFFFFD000  }
0x3e: {  	_ =	swait.ge [sflag:s31], $0x60  }
0x3f: {  	[sflag:s31] =	ssyncset.done $0x0  }
0x40: {  	[sflag:s31] =	ssyncadd.s32 $0xFFFFFFA0  }
0x41: {  	[spmem:s3] =	stream.indirect.scatter.add.f32 [tilespmem:s23], [sflag:$0x7], $0x80, s22, s20, $0xb8;
	[tilespmem:$0x1F500] =	vst v63  }
0x42: {  	_ =	swait.ge [sflag:s18], $0x3000  }
0x43: {  	[sflag:s18] =	ssyncset.done $0x0  }
0x44: {  	s11 =	simm.s32 $0x180;
	[sflag:s18] =	ssyncadd.s32 $0xFFFFD000  }
0x45: {  	[tilespmem:s23], [sflag:$0x2] =	stream.indirect.gather [hbm4b:s1+s20], $0x80, s11, s20, $0xb8;
	[tilespmem:$0x1F500] =	vst v63  }
0x46: {  	s13 =	rddreg [dreg:$0xb]  }
0x47: {  	[tilespmem:s22], [sflag:$0x5] =	stream.linear.gather [hbm4b:s13+s4], $0x60, $0x38;
	[tilespmem:$0x1F500] =	vst v63  }
0x48: {  	_ =	swait.ge [sflag:s2], $0x3000  }
0x49: {  	[sflag:s2] =	ssyncset.done $0x0  }
0x4a: {  	[sflag:s2] =	ssyncadd.s32 $0xFFFFD000  }
0x4b: {  	_ =	swait.ge [sflag:s0], $0x60  }
0x4c: {  	[sflag:s0] =	ssyncset.done $0x0  }
0x4d: {  	[sflag:s0] =	ssyncadd.s32 $0xFFFFFFA0  }
0x4e: {  	[spmem:s3] =	stream.indirect.scatter.add.f32 [tilespmem:s26], [sflag:$0x7], $0x80, s24, s20, $0xb8;
	[tilespmem:$0x1F500] =	vst v63  }
0x4f: {  	_ =	swait.ge [sflag:s18], $0x3000  }
0x50: {  	s6 =	simm.s32 $0x480;
	[sflag:s18] =	ssyncset.done $0x0  }
0x51: {  	s9 =	sadd.s32 $0x24, s12;
	s14 =	simm.s32 $0x1E0;
	[sflag:s18] =	ssyncadd.s32 $0xFFFFD000  }
0x52: {  	[tilespmem:s26], [sflag:$0x3] =	stream.indirect.gather [hbm4b:s1+s20], $0x80, s14, s20, $0xb8;
	[tilespmem:$0x1F500] =	vst v63  }
0x53: {  	s10 =	sadd.s32 $0x24, s13;
	s11 =	sadd.s32 $0x120, s16;
	s14 =	smov.u32 s12  }
.LBB2_2:
0x54: {  	[tilespmem:s24], [sflag:$0x6] =	stream.linear.gather [hbm4b:s14+s4], $0x60, $0x38;
	[tilespmem:$0x1F500] =	vst v63  }
0x55: {  	s13 =	smov.u32 s6;
	s14 =	smov.u32 s9  }
0x56: {  	p0 =	sne.s32 s6, $0x9480;
	s6 =	sadd.s32 $0x480, s6;
	_ =	swait.ge [sflag:s28], $0x3000  }
0x57: {  	[sflag:s28] =	ssyncset.done $0x0  }
0x58: {  	[sflag:s28] =	ssyncadd.s32 $0xFFFFD000  }
0x59: {  	_ =	swait.ge [sflag:s29], $0x60  }
0x5a: {  	[sflag:s29] =	ssyncset.done $0x0  }
0x5b: {  	[sflag:s29] =	ssyncadd.s32 $0xFFFFFFA0  }
0x5c: {  	[spmem:s3] =	stream.indirect.scatter.add.f32 [tilespmem:s21], [sflag:$0x7], $0x80, s19, s20, $0xb8;
	[tilespmem:$0x1F500] =	vst v63  }
0x5d: {  	_ =	swait.ge [sflag:s18], $0x3000  }
0x5e: {  	s13 =	sshra.s32 s13, $0x2;
	[sflag:s18] =	ssyncset.done $0x0  }
0x5f: {  	s7 =	sshrl.u32 s11, $0x3;
	s8 =	sadd.s32 $0x120, s13;
	[sflag:s18] =	ssyncadd.s32 $0xFFFFD000  }
0x60: {  	[tilespmem:s21], [sflag:$0x1] =	stream.indirect.gather [hbm4b:s1+s20], $0x80, s8, s20, $0xb8;
	[tilespmem:$0x1F500] =	vst v63  }
0x61: {  	s7 =	sadd.s32 s5, s7  }
0x62: {  	[tilespmem:s19], [sflag:$0x4] =	stream.linear.gather [hbm4b:s7+s4], $0x60, $0x38;
	[tilespmem:$0x1F500] =	vst v63  }
0x63: {  	_ =	swait.ge [sflag:s30], $0x3000  }
0x64: {  	[sflag:s30] =	ssyncset.done $0x0  }
0x65: {  	[sflag:s30] =	ssyncadd.s32 $0xFFFFD000  }
0x66: {  	_ =	swait.ge [sflag:s31], $0x60  }
0x67: {  	[sflag:s31] =	ssyncset.done $0x0  }
0x68: {  	[sflag:s31] =	ssyncadd.s32 $0xFFFFFFA0  }
0x69: {  	[spmem:s3] =	stream.indirect.scatter.add.f32 [tilespmem:s23], [sflag:$0x7], $0x80, s22, s20, $0xb8;
	[tilespmem:$0x1F500] =	vst v63  }
0x6a: {  	_ =	swait.ge [sflag:s18], $0x3000  }
0x6b: {  	[sflag:s18] =	ssyncset.done $0x0  }
0x6c: {  	s7 =	sadd.s32 $0x180, s13;
	[sflag:s18] =	ssyncadd.s32 $0xFFFFD000  }
0x6d: {  	[tilespmem:s23], [sflag:$0x2] =	stream.indirect.gather [hbm4b:s1+s20], $0x80, s7, s20, $0xb8;
	[tilespmem:$0x1F500] =	vst v63  }
0x6e: {  	_ = 	snop  }
0x6f: {  	[tilespmem:s22], [sflag:$0x5] =	stream.linear.gather [hbm4b:s10+s4], $0x60, $0x38;
	[tilespmem:$0x1F500] =	vst v63  }
0x70: {  	_ =	swait.ge [sflag:s2], $0x3000  }
0x71: {  	[sflag:s2] =	ssyncset.done $0x0  }
0x72: {  	[sflag:s2] =	ssyncadd.s32 $0xFFFFD000  }
0x73: {  	_ =	swait.ge [sflag:s0], $0x60  }
0x74: {  	[sflag:s0] =	ssyncset.done $0x0  }
0x75: {  	[sflag:s0] =	ssyncadd.s32 $0xFFFFFFA0  }
0x76: {  	[spmem:s3] =	stream.indirect.scatter.add.f32 [tilespmem:s26], [sflag:$0x7], $0x80, s24, s20, $0xb8;
	[tilespmem:$0x1F500] =	vst v63  }
.Ltmp0:
0x77: {  	_ =	swait.ge [sflag:s18], $0x3000;
	(pc) =	sbr.rel @p0 .LBB2_2-.Ltmp0, $4  }
0x78: {  	[sflag:s18] =	ssyncset.done $0x0  }
0x79: {  	s7 =	sadd.s32 $0x1E0, s13;
	[sflag:s18] =	ssyncadd.s32 $0xFFFFD000  }
0x7a: {  	[tilespmem:s26], [sflag:$0x3] =	stream.indirect.gather [hbm4b:s1+s20], $0x80, s7, s20, $0xb8;
	[tilespmem:$0x1F500] =	vst v63  }
0x7b: {  	s9 =	sadd.s32 $0x24, s9;
	s11 =	sadd.s32 $0x120, s11;
	s10 =	sadd.s32 $0x24, s10  }
0x7c: {  	[tilespmem:s24], [sflag:$0x6] =	stream.linear.gather [hbm4b:s14+s4], $0x60, $0x38;
	[tilespmem:$0x1F500] =	vst v63  }
0x7d: {  	_ =	swait.ge [sflag:s28], $0x3000  }
0x7e: {  	[sflag:s28] =	ssyncset.done $0x0  }
0x7f: {  	[sflag:s28] =	ssyncadd.s32 $0xFFFFD000  }
0x80: {  	_ =	swait.ge [sflag:s29], $0x60  }
0x81: {  	[sflag:s29] =	ssyncset.done $0x0  }
0x82: {  	[sflag:s29] =	ssyncadd.s32 $0xFFFFFFA0  }
0x83: {  	[spmem:s3] =	stream.indirect.scatter.add.f32 [tilespmem:s21], [sflag:$0x7], $0x80, s19, s20, $0xb8;
	[tilespmem:$0x1F500] =	vst v63  }
0x84: {  	_ =	swait.ge [sflag:s18], $0x3000  }
0x85: {  	[sflag:s18] =	ssyncset.done $0x0  }
0x86: {  	[sflag:s18] =	ssyncadd.s32 $0xFFFFD000  }
0x87: {  	_ =	swait.ge [sflag:s30], $0x3000  }
0x88: {  	[sflag:s30] =	ssyncset.done $0x0  }
0x89: {  	[sflag:s30] =	ssyncadd.s32 $0xFFFFD000  }
0x8a: {  	_ =	swait.ge [sflag:s31], $0x60  }
0x8b: {  	[sflag:s31] =	ssyncset.done $0x0  }
0x8c: {  	[sflag:s31] =	ssyncadd.s32 $0xFFFFFFA0  }
0x8d: {  	[spmem:s3] =	stream.indirect.scatter.add.f32 [tilespmem:s23], [sflag:$0x7], $0x80, s22, s20, $0xb8;
	[tilespmem:$0x1F500] =	vst v63  }
0x8e: {  	_ =	swait.ge [sflag:s18], $0x3000  }
0x8f: {  	[sflag:s18] =	ssyncset.done $0x0  }
0x90: {  	[sflag:s18] =	ssyncadd.s32 $0xFFFFD000  }
0x91: {  	_ =	swait.ge [sflag:s2], $0x3000  }
0x92: {  	[sflag:s2] =	ssyncset.done $0x0  }
0x93: {  	[sflag:s2] =	ssyncadd.s32 $0xFFFFD000  }
0x94: {  	_ =	swait.ge [sflag:s0], $0x60  }
0x95: {  	[sflag:s0] =	ssyncset.done $0x0  }
0x96: {  	[sflag:s0] =	ssyncadd.s32 $0xFFFFFFA0  }
0x97: {  	[spmem:s3] =	stream.indirect.scatter.add.f32 [tilespmem:s26], [sflag:$0x7], $0x80, s24, s20, $0xb8;
	[tilespmem:$0x1F500] =	vst v63  }
0x98: {  	_ =	swait.ge [sflag:s18], $0x3000  }
0x99: {  	[sflag:s18] =	ssyncset.done $0x0  }
0x9a: {  	[sflag:s18] =	ssyncadd.s32 $0xFFFFD000  }
0x9b: {  	[bflag:$0x0] =	sbarrier.arrive $0xFFFF  }
0x9c: {  	s6 =	rddreg [dreg:$0x9]  }
0x9d: {  	[hbm:s6], [sflag:s15] =	dma.local [spmem:s17], $0x2780  }
0x9e: {  	_ =	swait.ge [sflag:s18], $0x2780  }
0x9f: {  	s7 =	smov.u32 s15;
	s25 =	sadd.s32 $0x1, s25;
	s15 =	rddreg [dreg:$0xa]  }
0xa0: {  	p0 =	sne.s32 s25, s15  }
.Ltmp1:
0xa1: {  	_ = 	snop;
	(pc) =	sbr.rel @p0 .LBB2_1-.Ltmp1, $3  }
0xa2: {  	_ =	sdelay $0x1  }
0xa3: {  	[sflag:s18] =	ssyncset.done $0x0  }
0xa4: {  	[sflag:s18] =	ssyncadd.s32 $0xFFFFD880  }
0xa5: {  	_ =	sfence.sel $0x180000  }
0xa6: {  	[bflag:$0x0] =	sbarrier.arrive $0xFFFF  }
0xa7: {  	_ =	strace $0x9000004A  }
0xa8: {  	s0 =	stileid.u32;
	[bflag:$0x2] =	sbarrier.arrive $0xFFFF  }
0xa9: {  	p0 =	sne.s32 s0, $0x0;
	s0 =	rddreg [dreg:$0x3]  }
0xaa: {  	s0 =	sadd.s32 @!p0 $0x100000, s0  }
0xab: {  	[sflag:s0] =	ssyncadd.tile.s32 @!p0 $0x1;
	_ =	shalt  }
.Lfunc_end2:
_tile_overlayer_lowered:
.L_overlay_start_2:
0xac: {  	(tag) =	ssettag $0x2  }
0xad: {  	s0 =	rddreg [dreg:$0x0];
	s2 =	stileid.u32  }
0xae: {  	s1 =	rddreg [dreg:$0x1];
	p0 =	sne.s32 s2, $0x0  }
0xaf: {  	s3 =	rddreg [dreg:$0x2];
	[bflag:$0x3] =	sbarrier.arrive $0xFFFF;
	s2 =	simm.s32 @!p0 $0x1C07  }
0xb0: {  	[timem:s3], [sflag:s2] =	dma.local @!p0 [hbm:s0], s1  }
0xb1: {  	s0 =	simm.s32 @!p0 $0x7  }
0xb2: {  	_ =	swait.ge @!p0 [sflag:s0], s1  }
0xb3: {  	s1 =	ssub.s32 @!p0 $0x0, s1;
	[sflag:s0] =	ssyncset.done @!p0 $0x0  }
0xb4: {  	[sflag:s0] =	ssyncadd.s32 @!p0 s1  }
0xb5: {  	[bflag:$0x3] =	sbarrier.arrive $0xFFFF  }
0xb6: {  	_ =	shalt  }

// kernel: kernel.16.cloned.1.call-start
scs
__scs_entry_jumppad:
0x0: {  	(pc) =	sbr.rel $0x88, $3  }
0x1: {  	(tag) =	ssettag $0x0;
	lr =	simm.s32 $0x1  }
0x2: {  	[smem:$0x3F93] =	sst lr;
	_ =	strace $0xD0000000  }
0x3: {  	_ = 	snop  }
0x4: {  	_ = 	snop  }
0x5: {  	_ = 	snop  }
0x6: {  	_ = 	snop  }
0x7: {  	_ = 	snop  }
__scs_overlays_trampoline_lowered:
0x8: {  	[smem:$0x3FA2] =	sst s0  }
0x9: {  	[smem:$0x3FA3] =	sst s1  }
0xa: {  	[smem:$0x3FA4] =	sst s2  }
0xb: {  	[smem:$0x3FA5] =	sst s3  }
0xc: {  	[smem:$0x3FA6] =	sst s4  }
0xd: {  	[smem:$0x3FA7] =	sst s5  }
0xe: {  	[smem:$0x3FA8] =	sst s6  }
0xf: {  	[smem:$0x3FA9] =	sst s7  }
0x10: {  	[smem:$0x3FAA] =	sst s8  }
0x11: {  	[smem:$0x3FAB] =	sst s9;
	s0 =	simm.s32 @!p0 $0x0  }
0x12: {  	s1 =	sld [smem:$0x3F91];
	s0 =	simm.s32 @p0 $0x1  }
0x13: {  	[smem:$0x3FAC] =	sst s0;
	s0 =	simm.s32 @!p1 $0x0  }
0x14: {  	s2 =	sld [smem:$0x3F90];
	s0 =	simm.s32 @p1 $0x1  }
0x15: {  	[smem:$0x3FAD] =	sst s0;
	s0 =	simm.s32 @!p2 $0x0  }
0x16: {  	s3 =	sld [smem:$0x3FDB];
	s0 =	simm.s32 @p2 $0x1  }
0x17: {  	s4 =	simm.s32 $0x1BF5;
	[smem:$0x3FAF] =	sst s0  }
0x18: {  	s0 =	sld [smem:$0x3F92];
	_ =	swait.ge [sflag:s4], $0x0  }
0x19: {  	s7 =	sld [smem:$0x3F93]  }
0x1a: {  	s8 =	sadd.s32 $0xFFFFE003, lr  }
0x1b: {  	s9 =	sadd.s32 $0xFFFFFEF7, lr;
	s5 =	simm.s32 $0xFFFFFFFF;
	p2 =	slt.u32 s8, $0xFFFFF086  }
0x1c: {  	p1 =	slt.u32 s9, $0xF7A;
	s5 =	simm.s32 @!p2 $0x0  }
0x1d: {  	s5 =	simm.s32 @p1 $0x1;
	p0 =	seq.s32 s7, s2  }
0x1e: {  	s7 =	smul.u32 @!p0 $0xF7A, s2;
	p2 =	seq.s32 @!p0 s5, $0x0  }
0x1f: {  	s9 =	smul.u32 $0xF7A, s1;
	s8 =	simm.s32 @!p0 $0x1BF5;
	p2 =	por !p2, p0  }
0x20: {  	[sflag:s8] =	ssyncset.s32 @!p0 $0xFFFFF086;
	s6 =	sadd.s32 @!p0 s3, s7;
	s7 =	simm.s32 @!p0 $0x108  }
0x21: {  	s3 =	sadd.s32 s3, s9;
	s6 =	sadd.s32 @!p0 $0x88, s6;
	s7 =	simm.s32 @p2 $0x1082  }
0x22: {  	[simem:s7], [sflag:s8] =	dma.local @!p0 [hbm:s6], $0xF7A  }
0x23: {  	s9 =	sor.u32 $0xD0000000, s2;
	s6 =	simm.s32 $0x108;
	_ =	swait.ge @!p0 [sflag:s8], $0x0  }
0x24: {  	s3 =	sadd.s32 $0x88, s3;
	s6 =	simm.s32 @!p1 $0x1082;
	[sflag:s4] =	ssyncset.s32 $0xFFFFF086  }
0x25: {  	[simem:s6], [sflag:s4] =	dma.local [hbm:s3], $0xF7A  }
0x26: {  	[smem:$0x3F93] =	sst s1;
	(tag) =	ssettag s2;
	_ =	strace s9  }
0x27: {  	s1 =	sld [smem:$0x3FA3]  }
0x28: {  	s2 =	sld [smem:$0x3FA4]  }
0x29: {  	s4 =	sld [smem:$0x3FA6]  }
0x2a: {  	p0 =	seq.s32 s5, $0x0;
	s5 =	sld [smem:$0x3FA7]  }
0x2b: {  	s6 =	sld [smem:$0x3FA8]  }
0x2c: {  	s7 =	sld [smem:$0x3FA9]  }
0x2d: {  	s3 =	simm.s32 $0x108;
	s8 =	sld [smem:$0x3FAA]  }
0x2e: {  	s3 =	simm.s32 @!p0 $0x1082;
	s9 =	sld [smem:$0x3FAB]  }
0x2f: {  	lr =	sadd.s32 s0, s3;
	s0 =	sld [smem:$0x3FA2]  }
0x30: {  	s3 =	sld [smem:$0x3FA5]  }
0x31: {  	[smem:$0x3FAE] =	sst s10  }
0x32: {  	s10 =	sld [smem:$0x3FAC];
	_ =	sdelay $0x3  }
0x33: {  	p0 =	seq.s32 s10, $0x1;
	s10 =	sld [smem:$0x3FAE];
	_ =	sdelay $0x3  }
0x34: {  	[smem:$0x3FAE] =	sst s10  }
0x35: {  	s10 =	sld [smem:$0x3FAD];
	_ =	sdelay $0x3  }
0x36: {  	p1 =	seq.s32 s10, $0x1;
	s10 =	sld [smem:$0x3FAE];
	_ =	sdelay $0x3  }
0x37: {  	[smem:$0x3FAE] =	sst s10  }
0x38: {  	s10 =	sld [smem:$0x3FAF]  }
0x39: {  	_ = 	snop;
	(pc) =	sbr.ind lr, $3  }
0x3a: {  	_ = 	snop  }
0x3b: {  	_ = 	snop  }
0x3c: {  	p2 =	seq.s32 s10, $0x1;
	s10 =	sld [smem:$0x3FAE]  }
0x3d: {  	_ =	shalt  }
0x3e: {  	_ =	shalt  }
0x3f: {  	_ =	shalt  }
0x40: {  	_ =	shalt  }
0x41: {  	_ =	shalt  }
0x42: {  	_ =	shalt  }
0x43: {  	_ =	shalt  }
0x44: {  	_ =	shalt  }
0x45: {  	_ =	shalt  }
0x46: {  	_ =	shalt  }
0x47: {  	_ =	shalt  }
0x48: {  	_ =	shalt  }
0x49: {  	_ =	shalt  }
0x4a: {  	_ =	shalt  }
0x4b: {  	_ =	shalt  }
0x4c: {  	_ =	shalt  }
0x4d: {  	_ =	shalt  }
0x4e: {  	_ =	shalt  }
0x4f: {  	_ =	shalt  }
0x50: {  	_ =	shalt  }
0x51: {  	_ =	shalt  }
0x52: {  	_ =	shalt  }
0x53: {  	_ =	shalt  }
0x54: {  	_ =	shalt  }
0x55: {  	_ =	shalt  }
0x56: {  	_ =	shalt  }
0x57: {  	_ =	shalt  }
0x58: {  	_ =	shalt  }
0x59: {  	_ =	shalt  }
0x5a: {  	_ =	shalt  }
0x5b: {  	_ =	shalt  }
0x5c: {  	_ =	shalt  }
0x5d: {  	_ =	shalt  }
0x5e: {  	_ =	shalt  }
0x5f: {  	_ =	shalt  }
0x60: {  	_ =	shalt  }
0x61: {  	_ =	shalt  }
0x62: {  	_ =	shalt  }
0x63: {  	_ =	shalt  }
0x64: {  	_ =	shalt  }
0x65: {  	_ =	shalt  }
0x66: {  	_ =	shalt  }
0x67: {  	_ =	shalt  }
0x68: {  	_ =	shalt  }
0x69: {  	_ =	shalt  }
0x6a: {  	_ =	shalt  }
0x6b: {  	_ =	shalt  }
0x6c: {  	_ =	shalt  }
0x6d: {  	_ =	shalt  }
0x6e: {  	_ =	shalt  }
0x6f: {  	_ =	shalt  }
0x70: {  	_ =	shalt  }
0x71: {  	_ =	shalt  }
0x72: {  	_ =	shalt  }
0x73: {  	_ =	shalt  }
0x74: {  	_ =	shalt  }
0x75: {  	_ =	shalt  }
0x76: {  	_ =	shalt  }
0x77: {  	_ =	shalt  }
0x78: {  	_ =	shalt  }
0x79: {  	_ =	shalt  }
0x7a: {  	_ =	shalt  }
0x7b: {  	_ =	shalt  }
0x7c: {  	_ =	shalt  }
0x7d: {  	_ =	shalt  }
0x7e: {  	_ =	shalt  }
0x7f: {  	_ =	shalt  }
0x80: {  	_ =	shalt  }
0x81: {  	_ =	shalt  }
0x82: {  	_ =	shalt  }
0x83: {  	_ =	shalt  }
0x84: {  	_ =	shalt  }
0x85: {  	_ =	shalt  }
0x86: {  	_ =	shalt  }
0x87: {  	_ =	shalt  }
.Lfunc_end0:
.L_simem_size_0:
called_computation.2_lowered:
.L_overlay_start_0:
0x88: {  	s2 =	sld [smem:$0x3FD9]  }
0x89: {  	s3 =	sld [smem:$0x3FFE];
	_ =	sdelay $0x1  }
0x8a: {  	s1 =	srdreg.scid  }
0x8b: {  	s0 =	sand.u32 $0x1, s1  }
0x8c: {  	s17 =	sshll.u32 s0, $0xA;
	s2 =	sadd.s32 s3, s2  }
0x8d: {  	s2 =	sadd.s32 s2, s17  }
0x8e: {  	[smem:$0x3FBA] =	sst s2  }
0x8f: {  	_ = 	snop  }
0x90: {  	s2 =	sld [smem:$0x3FD0];
	(tm) =	ssettm $0x1  }
0x91: {  	s18 =	sld [smem:$0x3FFB];
	_ =	sdelay $0x3  }
0x92: {  	_ =	strace s18  }
0x93: {  	s3 =	sld [smem:$0x3FFC];
	_ =	sdelay $0x3  }
0x94: {  	_ =	strace s3  }
0x95: {  	s3 =	sld [smem:$0x3FFD];
	_ =	sdelay $0x3  }
0x96: {  	_ =	strace s3  }
0x97: {  	_ =	strace $0x8FFFFFFF  }
0x98: {  	s19 =	sld [smem:$0x3FDB];
	_ =	sdelay $0x1  }
0x99: {  	s4 =	simm.s32 $_scs_section_size  }
0x9a: {  	s5 =	simm.s32 $_size__tile_overlayer_lowered;
	s6 =	simm.s32 $_tile_overlayer_lowered  }
0x9b: {  	s22 =	simm.s32 $0x1BFF;
	s21 =	sshll.u32 s6, $0x1;
	s3 =	sadd.s32 s4, s19  }
0x9c: {  	s7 =	simm.s32 $0x0;
	s20 =	sshll.u32 s5, $0x1;
	s5 =	sadd.s32 s21, s3  }
0x9d: {  	[timem:s7], [sflag:s22] =	dma.local [hbm:s5], s20  }
0x9e: {  	_ =	swait.ge [sflag:s22], s20  }
0x9f: {  	s4 =	ssub.s32 $0x0, s20;
	[sflag:s22] =	ssyncset.done $0x0  }
0xa0: {  	[sflag:s22] =	ssyncadd.s32 s4;
	_ =	sdelay $0x1  }
0xa1: {  	s23 =	simm.s32 $0x1B8B  }
0xa2: {  	_ =	swait.ge [sflag:s23], $0x1  }
0xa3: {  	[sflag:s23] =	ssyncset.done $0x0  }
0xa4: {  	s25 =	simm.s32 $0x1B8E;
	s24 =	sld [smem:$0x3FFE];
	[sflag:s23] =	ssyncadd.s32 $0xFFFFFFFF  }
0xa5: {  	s26 =	simm.s32 $execute0_lowered;
	[smem:$0x3FD2] =	sst s25  }
0xa6: {  	s5 =	sshll.u32 s26, $0x1;
	_ =	strace $0x8000004C;
	[dreg:$0x1] =	wrdreg $0xFFFFFFFF  }
0xa7: {  	s28 =	simm.s32 $_size_execute0_lowered;
	s3 =	sadd.s32 s3, s5;
	[dreg:$0x0] =	wrdreg $0x0  }
0xa8: {  	s5 =	sshll.u32 s28, $0x1;
	[dreg:$0x2] =	wrdreg s3  }
0xa9: {  	[dreg:$0x3] =	wrdreg s5  }
0xaa: {  	[dreg:$0x4] =	wrdreg $0xC0  }
0xab: {  	_ =	task [dreg:s7], $0x5FFFF  }
0xac: {  	[dreg:$0x1] =	wrdreg $0xFFFFFFFF  }
0xad: {  	[dreg:$0x0] =	wrdreg $0x60  }
0xae: {  	[dreg:$0x2] =	wrdreg s2  }
0xaf: {  	[dreg:$0x3] =	wrdreg s24  }
0xb0: {  	[dreg:$0x4] =	wrdreg $0xB9000  }
0xb1: {  	[dreg:$0x5] =	wrdreg $0x9  }
0xb2: {  	_ =	task.clear_ibuf [dreg:s7], $0x6FFFF;
	_ =	strace $0x9000004C  }
0xb3: {  	s29 =	simm.s32 $0x9;
	_ =	strace $0x8000004E  }
0xb4: {  	_ =	swait.ge [sflag:s29], $0x1  }
0xb5: {  	[sflag:s29] =	ssyncadd.s32 $0xFFFFFFFF  }
0xb6: {  	_ =	strace $0x9000004E  }
0xb7: {  	_ =	sfence  }
0xb8: {  	s30 =	sld [smem:$0x0];
	_ =	sdelay $0x2  }
0xb9: {  	s31 =	sshll.u32 s1, $0xD;
	s1 =	sshrl.u32 s1, $0x2  }
0xba: {  	s3 =	sand.u32 $0x4000, s31;
	s1 =	sadd.s32 s1, s30  }
0xbb: {  	s0 =	sor.u32 s3, s0;
	s1 =	sshll.u32 s1, $0x11  }
0xbc: {  	s0 =	sor.u32 s1, s0  }
0xbd: {  	s0 =	sadd.s32 $0x8F2B, s0  }
0xbe: {  	[sflag:s0] =	ssyncadd.remote.s32 $0x1  }
0xbf: {  	_ =	sfence.sel $0xFFFF  }
0xc0: {  	[dreg:$0x0] =	wrdreg $0xFFFFFFFF;
	(pc) =	sbr.abs _section_cstart, $3  }
0xc1: {  	[dreg:$0x1] =	wrdreg $0xFFFFFFFF  }
0xc2: {  	_ =	task.clear_ibuf [dreg:s7], $0x2FFFF;
	_ =	strace $0x9FFFFFFF  }
0xc3: {  	(tm) =	ssettm $0x7FFFFFFF  }
tec
execute0_lowered:
.L_overlay_start_1:
0x0: {  	(tag) =	ssettag $0x1  }
0x1: {  	s1 =	rddreg [dreg:$0x0]  }
0x2: {  	s0 =	srdreg.scid;
	s6 =	rddreg [dreg:$0x1]  }
0x3: {  	s12 =	stileid.u32;
	s3 =	rddreg [dreg:$0x2];
	s4 =	simm.s32 $0x0  }
0x4: {  	s28 =	simm.s32 $0x1;
	s29 =	simm.s32 $0x4;
	s30 =	simm.s32 $0x2  }
0x5: {  	s31 =	simm.s32 $0x5;
	s0 =	sand.u32 $0x1, s0;
	s8 =	smul.u32 $0x13C00, s12  }
0x6: {  	[smem:$0x7FF] =	sst s4;
	s5 =	sadd.s32 $0x5000, s6;
	s11 =	smul.u32 $0x4F000, s12  }
0x7: {  	s10 =	sadd.s32 $0x18C00, s6;
	s18 =	sshll.u32 s12, $0x6;
	s19 =	smul.u32 $0x2760, s12  }
0x8: {  	s2 =	sshll.u32 s0, $0x4;
	s7 =	smul.u32 $0x13C000, s0;
	_ =	strace $0x8000004D  }
0x9: {  	[dreg:$0x4] =	wrdreg s10;
	s15 =	ssub.s32 $0x2, s0;
	s0 =	smul.u32 $0x27600, s0  }
0xa: {  	s2 =	sor.u32 s12, s2;
	s16 =	sshrl.u32 s15, $0x1;
	s17 =	sshrl.u32 s11, $0x2  }
0xb: {  	s2 =	smul.u32 $0x2760, s2;
	s7 =	sadd.s32 s8, s7;
	s10 =	ssub.s32 s15, s16  }
0xc: {  	s14 =	sadd.s32 s17, s3;
	s0 =	sadd.s32 s19, s0;
	s19 =	simm.s32 $0x2780  }
0xd: {  	s7 =	sshrl.u32 s7, $0x3;
	s22 =	sadd.s32 $0x1E0, s0;
	s23 =	sadd.s32 $0x180, s0  }
0xe: {  	s25 =	smax.u32 s10, $0x1;
	s16 =	sadd.s32 $0x120, s0;
	s17 =	sshrl.u32 s14, $0x3  }
0xf: {  	s0 =	simm.s32 $0x6;
	s2 =	sshrl.u32 s2, $0x3;
	s24 =	sshrl.u32 s23, $0x3  }
0x10: {  	[dreg:$0xa] =	wrdreg s25;
	s9 =	sadd.s32 s2, s6;
	s2 =	sadd.s32 s5, s2  }
0x11: {  	s23 =	simm.s32 $0x5900;
	s26 =	sadd.s32 s24, s5;
	[dreg:$0x5] =	wrdreg s2  }
0x12: {  	s25 =	simm.s32 $0x0;
	s20 =	sadd.s32 $0xEE00, s9;
	[dreg:$0xb] =	wrdreg s26  }
0x13: {  	s6 =	sadd.s32 s7, s6;
	s21 =	sadd.s32 $0xC, s2;
	[dreg:$0x6] =	wrdreg s20  }
0x14: {  	s7 =	sor.u32 $0x1C07, s18;
	s2 =	sadd.s32 $0x18, s2;
	[dreg:$0x7] =	wrdreg s21  }
0x15: {  	s18 =	simm.s32 $0x7;
	s6 =	sadd.s32 $0x6A400, s6;
	[dreg:$0x8] =	wrdreg s2  }
0x16: {  	s24 =	simm.s32 $0x2880;
	s26 =	simm.s32 $0x8900;
	[dreg:$0x9] =	wrdreg s6  }
0x17: {  	s2 =	sshrl.u32 s22, $0x3;
	s20 =	simm.s32 $0x60;
	s21 =	simm.s32 $0x2900  }
0x18: {  	s22 =	simm.s32 $0x2800;
	s12 =	sadd.s32 s2, s5;
	s2 =	simm.s32 $0x3  }
.LBB2_1:
0x19: {  	s6 =	rddreg [dreg:$0x4]  }
0x1a: {  	[spmem:s17], [sflag:s7] =	dma.local [hbm:s6], $0x2780  }
0x1b: {  	_ =	swait.ge [sflag:s18], $0x2780  }
0x1c: {  	[sflag:s18] =	ssyncset.done $0x0  }
0x1d: {  	s10 =	rddreg [dreg:$0x6];
	[sflag:s18] =	ssyncadd.s32 $0xFFFFD880  }
0x1e: {  	[tilespmem:s4], [sflag:$0x7] =	stream.linear.gather [hbm4b:s10+s4], $0x2760, $0x38;
	[tilespmem:$0x1F500] =	vst v63  }
0x1f: {  	_ =	swait.ge [sflag:s18], $0x2760  }
0x20: {  	[sflag:s18] =	ssyncset.done $0x0  }
0x21: {  	s11 =	rddreg [dreg:$0x5];
	[sflag:s18] =	ssyncadd.s32 $0xFFFFD8A0  }
0x22: {  	[tilespmem:s19], [sflag:$0x4] =	stream.linear.gather [hbm4b:s11+s4], $0x60, $0x38;
	[tilespmem:$0x1F500] =	vst v63  }
0x23: {  	_ = 	snop  }
0x24: {  	[tilespmem:s21], [sflag:$0x1] =	stream.indirect.gather [hbm4b:s1+s20], $0x80, s4, s20, $0xb8;
	[tilespmem:$0x1F500] =	vst v63  }
0x25: {  	s13 =	rddreg [dreg:$0x7]  }
0x26: {  	[tilespmem:s22], [sflag:$0x5] =	stream.linear.gather [hbm4b:s13+s4], $0x60, $0x38;
	[tilespmem:$0x1F500] =	vst v63  }
0x27: {  	_ = 	snop  }
0x28: {  	[tilespmem:s23], [sflag:$0x2] =	stream.indirect.gather [hbm4b:s1+s20], $0x80, s20, s20, $0xb8;
	[tilespmem:$0x1F500] =	vst v63  }
0x29: {  	s14 =	rddreg [dreg:$0x8]  }
0x2a: {  	[tilespmem:s24], [sflag:$0x6] =	stream.linear.gather [hbm4b:s14+s4], $0x60, $0x38;
	[tilespmem:$0x1F500] =	vst v63  }
0x2b: {  	s15 =	smov.u32 s7;
	s7 =	simm.s32 $0xC0  }
0x2c: {  	[tilespmem:s26], [sflag:$0x3] =	stream.indirect.gather [hbm4b:s1+s20], $0x80, s7, s20, $0xb8;
	[tilespmem:$0x1F500] =	vst v63  }
0x2d: {  	[bflag:$0x0] =	sbarrier.arrive $0xFFFF  }
0x2e: {  	_ =	swait.ge [sflag:s28], $0x3000  }
0x2f: {  	[sflag:s28] =	ssyncset.done $0x0  }
0x30: {  	[sflag:s28] =	ssyncadd.s32 $0xFFFFD000  }
0x31: {  	_ =	swait.ge [sflag:s29], $0x60  }
0x32: {  	[sflag:s29] =	ssyncset.done $0x0  }
0x33: {  	[sflag:s29] =	ssyncadd.s32 $0xFFFFFFA0  }
0x34: {  	[spmem:s3] =	stream.indirect.scatter.add.f32 [tilespmem:s21], [sflag:$0x7], $0x80, s19, s20, $0xb8;
	[tilespmem:$0x1F500] =	vst v63  }
0x35: {  	_ =	swait.ge [sflag:s18], $0x3000  }
0x36: {  	[sflag:s18] =	ssyncset.done $0x0  }
0x37: {  	s8 =	simm.s32 $0x120;
	s9 =	sshrl.u32 s16, $0x3;
	[sflag:s18] =	ssyncadd.s32 $0xFFFFD000  }
0x38: {  	[tilespmem:s21], [sflag:$0x1] =	stream.indirect.gather [hbm4b:s1+s20], $0x80, s8, s20, $0xb8;
	[tilespmem:$0x1F500] =	vst v63  }
0x39: {  	s10 =	sadd.s32 s5, s9  }
0x3a: {  	[tilespmem:s19], [sflag:$0x4] =	stream.linear.gather [hbm4b:s10+s4], $0x60, $0x38;
	[tilespmem:$0x1F500] =	vst v63  }
0x3b: {  	_ =	swait.ge [sflag:s30], $0x3000  }
0x3c: {  	[sflag:s30] =	ssyncset.done $0x0  }
0x3d: {  	[sflag:s30] =	ssyncadd.s32 $0xFFFFD000  }
0x3e: {  	_ =	swait.ge [sflag:s31], $0x60  }
0x3f: {  	[sflag:s31] =	ssyncset.done $0x0  }
0x40: {  	[sflag:s31] =	ssyncadd.s32 $0xFFFFFFA0  }
0x41: {  	[spmem:s3] =	stream.indirect.scatter.add.f32 [tilespmem:s23], [sflag:$0x7], $0x80, s22, s20, $0xb8;
	[tilespmem:$0x1F500] =	vst v63  }
0x42: {  	_ =	swait.ge [sflag:s18], $0x3000  }
0x43: {  	[sflag:s18] =	ssyncset.done $0x0  }
0x44: {  	s11 =	simm.s32 $0x180;
	[sflag:s18] =	ssyncadd.s32 $0xFFFFD000  }
0x45: {  	[tilespmem:s23], [sflag:$0x2] =	stream.indirect.gather [hbm4b:s1+s20], $0x80, s11, s20, $0xb8;
	[tilespmem:$0x1F500] =	vst v63  }
0x46: {  	s13 =	rddreg [dreg:$0xb]  }
0x47: {  	[tilespmem:s22], [sflag:$0x5] =	stream.linear.gather [hbm4b:s13+s4], $0x60, $0x38;
	[tilespmem:$0x1F500] =	vst v63  }
0x48: {  	_ =	swait.ge [sflag:s2], $0x3000  }
0x49: {  	[sflag:s2] =	ssyncset.done $0x0  }
0x4a: {  	[sflag:s2] =	ssyncadd.s32 $0xFFFFD000  }
0x4b: {  	_ =	swait.ge [sflag:s0], $0x60  }
0x4c: {  	[sflag:s0] =	ssyncset.done $0x0  }
0x4d: {  	[sflag:s0] =	ssyncadd.s32 $0xFFFFFFA0  }
0x4e: {  	[spmem:s3] =	stream.indirect.scatter.add.f32 [tilespmem:s26], [sflag:$0x7], $0x80, s24, s20, $0xb8;
	[tilespmem:$0x1F500] =	vst v63  }
0x4f: {  	_ =	swait.ge [sflag:s18], $0x3000  }
0x50: {  	s6 =	simm.s32 $0x480;
	[sflag:s18] =	ssyncset.done $0x0  }
0x51: {  	s9 =	sadd.s32 $0x24, s12;
	s14 =	simm.s32 $0x1E0;
	[sflag:s18] =	ssyncadd.s32 $0xFFFFD000  }
0x52: {  	[tilespmem:s26], [sflag:$0x3] =	stream.indirect.gather [hbm4b:s1+s20], $0x80, s14, s20, $0xb8;
	[tilespmem:$0x1F500] =	vst v63  }
0x53: {  	s10 =	sadd.s32 $0x24, s13;
	s11 =	sadd.s32 $0x120, s16;
	s14 =	smov.u32 s12  }
.LBB2_2:
0x54: {  	[tilespmem:s24], [sflag:$0x6] =	stream.linear.gather [hbm4b:s14+s4], $0x60, $0x38;
	[tilespmem:$0x1F500] =	vst v63  }
0x55: {  	s13 =	smov.u32 s6;
	s14 =	smov.u32 s9  }
0x56: {  	p0 =	sne.s32 s6, $0x9480;
	s6 =	sadd.s32 $0x480, s6;
	_ =	swait.ge [sflag:s28], $0x3000  }
0x57: {  	[sflag:s28] =	ssyncset.done $0x0  }
0x58: {  	[sflag:s28] =	ssyncadd.s32 $0xFFFFD000  }
0x59: {  	_ =	swait.ge [sflag:s29], $0x60  }
0x5a: {  	[sflag:s29] =	ssyncset.done $0x0  }
0x5b: {  	[sflag:s29] =	ssyncadd.s32 $0xFFFFFFA0  }
0x5c: {  	[spmem:s3] =	stream.indirect.scatter.add.f32 [tilespmem:s21], [sflag:$0x7], $0x80, s19, s20, $0xb8;
	[tilespmem:$0x1F500] =	vst v63  }
0x5d: {  	_ =	swait.ge [sflag:s18], $0x3000  }
0x5e: {  	s13 =	sshra.s32 s13, $0x2;
	[sflag:s18] =	ssyncset.done $0x0  }
0x5f: {  	s7 =	sshrl.u32 s11, $0x3;
	s8 =	sadd.s32 $0x120, s13;
	[sflag:s18] =	ssyncadd.s32 $0xFFFFD000  }
0x60: {  	[tilespmem:s21], [sflag:$0x1] =	stream.indirect.gather [hbm4b:s1+s20], $0x80, s8, s20, $0xb8;
	[tilespmem:$0x1F500] =	vst v63  }
0x61: {  	s7 =	sadd.s32 s5, s7  }
0x62: {  	[tilespmem:s19], [sflag:$0x4] =	stream.linear.gather [hbm4b:s7+s4], $0x60, $0x38;
	[tilespmem:$0x1F500] =	vst v63  }
0x63: {  	_ =	swait.ge [sflag:s30], $0x3000  }
0x64: {  	[sflag:s30] =	ssyncset.done $0x0  }
0x65: {  	[sflag:s30] =	ssyncadd.s32 $0xFFFFD000  }
0x66: {  	_ =	swait.ge [sflag:s31], $0x60  }
0x67: {  	[sflag:s31] =	ssyncset.done $0x0  }
0x68: {  	[sflag:s31] =	ssyncadd.s32 $0xFFFFFFA0  }
0x69: {  	[spmem:s3] =	stream.indirect.scatter.add.f32 [tilespmem:s23], [sflag:$0x7], $0x80, s22, s20, $0xb8;
	[tilespmem:$0x1F500] =	vst v63  }
0x6a: {  	_ =	swait.ge [sflag:s18], $0x3000  }
0x6b: {  	[sflag:s18] =	ssyncset.done $0x0  }
0x6c: {  	s7 =	sadd.s32 $0x180, s13;
	[sflag:s18] =	ssyncadd.s32 $0xFFFFD000  }
0x6d: {  	[tilespmem:s23], [sflag:$0x2] =	stream.indirect.gather [hbm4b:s1+s20], $0x80, s7, s20, $0xb8;
	[tilespmem:$0x1F500] =	vst v63  }
0x6e: {  	_ = 	snop  }
0x6f: {  	[tilespmem:s22], [sflag:$0x5] =	stream.linear.gather [hbm4b:s10+s4], $0x60, $0x38;
	[tilespmem:$0x1F500] =	vst v63  }
0x70: {  	_ =	swait.ge [sflag:s2], $0x3000  }
0x71: {  	[sflag:s2] =	ssyncset.done $0x0  }
0x72: {  	[sflag:s2] =	ssyncadd.s32 $0xFFFFD000  }
0x73: {  	_ =	swait.ge [sflag:s0], $0x60  }
0x74: {  	[sflag:s0] =	ssyncset.done $0x0  }
0x75: {  	[sflag:s0] =	ssyncadd.s32 $0xFFFFFFA0  }
0x76: {  	[spmem:s3] =	stream.indirect.scatter.add.f32 [tilespmem:s26], [sflag:$0x7], $0x80, s24, s20, $0xb8;
	[tilespmem:$0x1F500] =	vst v63  }
.Ltmp0:
0x77: {  	_ =	swait.ge [sflag:s18], $0x3000;
	(pc) =	sbr.rel @p0 .LBB2_2-.Ltmp0, $4  }
0x78: {  	[sflag:s18] =	ssyncset.done $0x0  }
0x79: {  	s7 =	sadd.s32 $0x1E0, s13;
	[sflag:s18] =	ssyncadd.s32 $0xFFFFD000  }
0x7a: {  	[tilespmem:s26], [sflag:$0x3] =	stream.indirect.gather [hbm4b:s1+s20], $0x80, s7, s20, $0xb8;
	[tilespmem:$0x1F500] =	vst v63  }
0x7b: {  	s9 =	sadd.s32 $0x24, s9;
	s11 =	sadd.s32 $0x120, s11;
	s10 =	sadd.s32 $0x24, s10  }
0x7c: {  	[tilespmem:s24], [sflag:$0x6] =	stream.linear.gather [hbm4b:s14+s4], $0x60, $0x38;
	[tilespmem:$0x1F500] =	vst v63  }
0x7d: {  	_ =	swait.ge [sflag:s28], $0x3000  }
0x7e: {  	[sflag:s28] =	ssyncset.done $0x0  }
0x7f: {  	[sflag:s28] =	ssyncadd.s32 $0xFFFFD000  }
0x80: {  	_ =	swait.ge [sflag:s29], $0x60  }
0x81: {  	[sflag:s29] =	ssyncset.done $0x0  }
0x82: {  	[sflag:s29] =	ssyncadd.s32 $0xFFFFFFA0  }
0x83: {  	[spmem:s3] =	stream.indirect.scatter.add.f32 [tilespmem:s21], [sflag:$0x7], $0x80, s19, s20, $0xb8;
	[tilespmem:$0x1F500] =	vst v63  }
0x84: {  	_ =	swait.ge [sflag:s18], $0x3000  }
0x85: {  	[sflag:s18] =	ssyncset.done $0x0  }
0x86: {  	[sflag:s18] =	ssyncadd.s32 $0xFFFFD000  }
0x87: {  	_ =	swait.ge [sflag:s30], $0x3000  }
0x88: {  	[sflag:s30] =	ssyncset.done $0x0  }
0x89: {  	[sflag:s30] =	ssyncadd.s32 $0xFFFFD000  }
0x8a: {  	_ =	swait.ge [sflag:s31], $0x60  }
0x8b: {  	[sflag:s31] =	ssyncset.done $0x0  }
0x8c: {  	[sflag:s31] =	ssyncadd.s32 $0xFFFFFFA0  }
0x8d: {  	[spmem:s3] =	stream.indirect.scatter.add.f32 [tilespmem:s23], [sflag:$0x7], $0x80, s22, s20, $0xb8;
	[tilespmem:$0x1F500] =	vst v63  }
0x8e: {  	_ =	swait.ge [sflag:s18], $0x3000  }
0x8f: {  	[sflag:s18] =	ssyncset.done $0x0  }
0x90: {  	[sflag:s18] =	ssyncadd.s32 $0xFFFFD000  }
0x91: {  	_ =	swait.ge [sflag:s2], $0x3000  }
0x92: {  	[sflag:s2] =	ssyncset.done $0x0  }
0x93: {  	[sflag:s2] =	ssyncadd.s32 $0xFFFFD000  }
0x94: {  	_ =	swait.ge [sflag:s0], $0x60  }
0x95: {  	[sflag:s0] =	ssyncset.done $0x0  }
0x96: {  	[sflag:s0] =	ssyncadd.s32 $0xFFFFFFA0  }
0x97: {  	[spmem:s3] =	stream.indirect.scatter.add.f32 [tilespmem:s26], [sflag:$0x7], $0x80, s24, s20, $0xb8;
	[tilespmem:$0x1F500] =	vst v63  }
0x98: {  	_ =	swait.ge [sflag:s18], $0x3000  }
0x99: {  	[sflag:s18] =	ssyncset.done $0x0  }
0x9a: {  	[sflag:s18] =	ssyncadd.s32 $0xFFFFD000  }
0x9b: {  	[bflag:$0x0] =	sbarrier.arrive $0xFFFF  }
0x9c: {  	s6 =	rddreg [dreg:$0x9]  }
0x9d: {  	[hbm:s6], [sflag:s15] =	dma.local [spmem:s17], $0x2780  }
0x9e: {  	_ =	swait.ge [sflag:s18], $0x2780  }
0x9f: {  	s7 =	smov.u32 s15;
	s25 =	sadd.s32 $0x1, s25;
	s15 =	rddreg [dreg:$0xa]  }
0xa0: {  	p0 =	sne.s32 s25, s15  }
.Ltmp1:
0xa1: {  	_ = 	snop;
	(pc) =	sbr.rel @p0 .LBB2_1-.Ltmp1, $3  }
0xa2: {  	_ =	sdelay $0x1  }
0xa3: {  	[sflag:s18] =	ssyncset.done $0x0  }
0xa4: {  	[sflag:s18] =	ssyncadd.s32 $0xFFFFD880  }
0xa5: {  	_ =	sfence.sel $0x180000  }
0xa6: {  	[bflag:$0x0] =	sbarrier.arrive $0xFFFF  }
0xa7: {  	_ =	strace $0x9000004D  }
0xa8: {  	s0 =	stileid.u32;
	[bflag:$0x2] =	sbarrier.arrive $0xFFFF  }
0xa9: {  	p0 =	sne.s32 s0, $0x0;
	s0 =	rddreg [dreg:$0x3]  }
0xaa: {  	s0 =	sadd.s32 @!p0 $0x100000, s0  }
0xab: {  	[sflag:s0] =	ssyncadd.tile.s32 @!p0 $0x1;
	_ =	shalt  }
.Lfunc_end2:
_tile_overlayer_lowered:
.L_overlay_start_2:
0xac: {  	(tag) =	ssettag $0x2  }
0xad: {  	s0 =	rddreg [dreg:$0x0];
	s2 =	stileid.u32  }
0xae: {  	s1 =	rddreg [dreg:$0x1];
	p0 =	sne.s32 s2, $0x0  }
0xaf: {  	s3 =	rddreg [dreg:$0x2];
	[bflag:$0x3] =	sbarrier.arrive $0xFFFF;
	s2 =	simm.s32 @!p0 $0x1C07  }
0xb0: {  	[timem:s3], [sflag:s2] =	dma.local @!p0 [hbm:s0], s1  }
0xb1: {  	s0 =	simm.s32 @!p0 $0x7  }
0xb2: {  	_ =	swait.ge @!p0 [sflag:s0], s1  }
0xb3: {  	s1 =	ssub.s32 @!p0 $0x0, s1;
	[sflag:s0] =	ssyncset.done @!p0 $0x0  }
0xb4: {  	[sflag:s0] =	ssyncadd.s32 @!p0 s1  }
0xb5: {  	[bflag:$0x3] =	sbarrier.arrive $0xFFFF  }
0xb6: {  	_ =	shalt  }

// kernel: kernel.19.cloned.1.call-start
scs
__scs_entry_jumppad:
0x0: {  	(pc) =	sbr.rel $0x88, $3  }
0x1: {  	(tag) =	ssettag $0x0;
	lr =	simm.s32 $0x1  }
0x2: {  	[smem:$0x3F93] =	sst lr;
	_ =	strace $0xD0000000  }
0x3: {  	_ = 	snop  }
0x4: {  	_ = 	snop  }
0x5: {  	_ = 	snop  }
0x6: {  	_ = 	snop  }
0x7: {  	_ = 	snop  }
__scs_overlays_trampoline_lowered:
0x8: {  	[smem:$0x3FA2] =	sst s0  }
0x9: {  	[smem:$0x3FA3] =	sst s1  }
0xa: {  	[smem:$0x3FA4] =	sst s2  }
0xb: {  	[smem:$0x3FA5] =	sst s3  }
0xc: {  	[smem:$0x3FA6] =	sst s4  }
0xd: {  	[smem:$0x3FA7] =	sst s5  }
0xe: {  	[smem:$0x3FA8] =	sst s6  }
0xf: {  	[smem:$0x3FA9] =	sst s7  }
0x10: {  	[smem:$0x3FAA] =	sst s8  }
0x11: {  	[smem:$0x3FAB] =	sst s9;
	s0 =	simm.s32 @!p0 $0x0  }
0x12: {  	s1 =	sld [smem:$0x3F91];
	s0 =	simm.s32 @p0 $0x1  }
0x13: {  	[smem:$0x3FAC] =	sst s0;
	s0 =	simm.s32 @!p1 $0x0  }
0x14: {  	s2 =	sld [smem:$0x3F90];
	s0 =	simm.s32 @p1 $0x1  }
0x15: {  	[smem:$0x3FAD] =	sst s0;
	s0 =	simm.s32 @!p2 $0x0  }
0x16: {  	s3 =	sld [smem:$0x3FDB];
	s0 =	simm.s32 @p2 $0x1  }
0x17: {  	s4 =	simm.s32 $0x1BF5;
	[smem:$0x3FAF] =	sst s0  }
0x18: {  	s0 =	sld [smem:$0x3F92];
	_ =	swait.ge [sflag:s4], $0x0  }
0x19: {  	s7 =	sld [smem:$0x3F93]  }
0x1a: {  	s8 =	sadd.s32 $0xFFFFE003, lr  }
0x1b: {  	s9 =	sadd.s32 $0xFFFFFEF7, lr;
	s5 =	simm.s32 $0xFFFFFFFF;
	p2 =	slt.u32 s8, $0xFFFFF086  }
0x1c: {  	p1 =	slt.u32 s9, $0xF7A;
	s5 =	simm.s32 @!p2 $0x0  }
0x1d: {  	s5 =	simm.s32 @p1 $0x1;
	p0 =	seq.s32 s7, s2  }
0x1e: {  	s7 =	smul.u32 @!p0 $0xF7A, s2;
	p2 =	seq.s32 @!p0 s5, $0x0  }
0x1f: {  	s9 =	smul.u32 $0xF7A, s1;
	s8 =	simm.s32 @!p0 $0x1BF5;
	p2 =	por !p2, p0  }
0x20: {  	[sflag:s8] =	ssyncset.s32 @!p0 $0xFFFFF086;
	s6 =	sadd.s32 @!p0 s3, s7;
	s7 =	simm.s32 @!p0 $0x108  }
0x21: {  	s3 =	sadd.s32 s3, s9;
	s6 =	sadd.s32 @!p0 $0x88, s6;
	s7 =	simm.s32 @p2 $0x1082  }
0x22: {  	[simem:s7], [sflag:s8] =	dma.local @!p0 [hbm:s6], $0xF7A  }
0x23: {  	s9 =	sor.u32 $0xD0000000, s2;
	s6 =	simm.s32 $0x108;
	_ =	swait.ge @!p0 [sflag:s8], $0x0  }
0x24: {  	s3 =	sadd.s32 $0x88, s3;
	s6 =	simm.s32 @!p1 $0x1082;
	[sflag:s4] =	ssyncset.s32 $0xFFFFF086  }
0x25: {  	[simem:s6], [sflag:s4] =	dma.local [hbm:s3], $0xF7A  }
0x26: {  	[smem:$0x3F93] =	sst s1;
	(tag) =	ssettag s2;
	_ =	strace s9  }
0x27: {  	s1 =	sld [smem:$0x3FA3]  }
0x28: {  	s2 =	sld [smem:$0x3FA4]  }
0x29: {  	s4 =	sld [smem:$0x3FA6]  }
0x2a: {  	p0 =	seq.s32 s5, $0x0;
	s5 =	sld [smem:$0x3FA7]  }
0x2b: {  	s6 =	sld [smem:$0x3FA8]  }
0x2c: {  	s7 =	sld [smem:$0x3FA9]  }
0x2d: {  	s3 =	simm.s32 $0x108;
	s8 =	sld [smem:$0x3FAA]  }
0x2e: {  	s3 =	simm.s32 @!p0 $0x1082;
	s9 =	sld [smem:$0x3FAB]  }
0x2f: {  	lr =	sadd.s32 s0, s3;
	s0 =	sld [smem:$0x3FA2]  }
0x30: {  	s3 =	sld [smem:$0x3FA5]  }
0x31: {  	[smem:$0x3FAE] =	sst s10  }
0x32: {  	s10 =	sld [smem:$0x3FAC];
	_ =	sdelay $0x3  }
0x33: {  	p0 =	seq.s32 s10, $0x1;
	s10 =	sld [smem:$0x3FAE];
	_ =	sdelay $0x3  }
0x34: {  	[smem:$0x3FAE] =	sst s10  }
0x35: {  	s10 =	sld [smem:$0x3FAD];
	_ =	sdelay $0x3  }
0x36: {  	p1 =	seq.s32 s10, $0x1;
	s10 =	sld [smem:$0x3FAE];
	_ =	sdelay $0x3  }
0x37: {  	[smem:$0x3FAE] =	sst s10  }
0x38: {  	s10 =	sld [smem:$0x3FAF]  }
0x39: {  	_ = 	snop;
	(pc) =	sbr.ind lr, $3  }
0x3a: {  	_ = 	snop  }
0x3b: {  	_ = 	snop  }
0x3c: {  	p2 =	seq.s32 s10, $0x1;
	s10 =	sld [smem:$0x3FAE]  }
0x3d: {  	_ =	shalt  }
0x3e: {  	_ =	shalt  }
0x3f: {  	_ =	shalt  }
0x40: {  	_ =	shalt  }
0x41: {  	_ =	shalt  }
0x42: {  	_ =	shalt  }
0x43: {  	_ =	shalt  }
0x44: {  	_ =	shalt  }
0x45: {  	_ =	shalt  }
0x46: {  	_ =	shalt  }
0x47: {  	_ =	shalt  }
0x48: {  	_ =	shalt  }
0x49: {  	_ =	shalt  }
0x4a: {  	_ =	shalt  }
0x4b: {  	_ =	shalt  }
0x4c: {  	_ =	shalt  }
0x4d: {  	_ =	shalt  }
0x4e: {  	_ =	shalt  }
0x4f: {  	_ =	shalt  }
0x50: {  	_ =	shalt  }
0x51: {  	_ =	shalt  }
0x52: {  	_ =	shalt  }
0x53: {  	_ =	shalt  }
0x54: {  	_ =	shalt  }
0x55: {  	_ =	shalt  }
0x56: {  	_ =	shalt  }
0x57: {  	_ =	shalt  }
0x58: {  	_ =	shalt  }
0x59: {  	_ =	shalt  }
0x5a: {  	_ =	shalt  }
0x5b: {  	_ =	shalt  }
0x5c: {  	_ =	shalt  }
0x5d: {  	_ =	shalt  }
0x5e: {  	_ =	shalt  }
0x5f: {  	_ =	shalt  }
0x60: {  	_ =	shalt  }
0x61: {  	_ =	shalt  }
0x62: {  	_ =	shalt  }
0x63: {  	_ =	shalt  }
0x64: {  	_ =	shalt  }
0x65: {  	_ =	shalt  }
0x66: {  	_ =	shalt  }
0x67: {  	_ =	shalt  }
0x68: {  	_ =	shalt  }
0x69: {  	_ =	shalt  }
0x6a: {  	_ =	shalt  }
0x6b: {  	_ =	shalt  }
0x6c: {  	_ =	shalt  }
0x6d: {  	_ =	shalt  }
0x6e: {  	_ =	shalt  }
0x6f: {  	_ =	shalt  }
0x70: {  	_ =	shalt  }
0x71: {  	_ =	shalt  }
0x72: {  	_ =	shalt  }
0x73: {  	_ =	shalt  }
0x74: {  	_ =	shalt  }
0x75: {  	_ =	shalt  }
0x76: {  	_ =	shalt  }
0x77: {  	_ =	shalt  }
0x78: {  	_ =	shalt  }
0x79: {  	_ =	shalt  }
0x7a: {  	_ =	shalt  }
0x7b: {  	_ =	shalt  }
0x7c: {  	_ =	shalt  }
0x7d: {  	_ =	shalt  }
0x7e: {  	_ =	shalt  }
0x7f: {  	_ =	shalt  }
0x80: {  	_ =	shalt  }
0x81: {  	_ =	shalt  }
0x82: {  	_ =	shalt  }
0x83: {  	_ =	shalt  }
0x84: {  	_ =	shalt  }
0x85: {  	_ =	shalt  }
0x86: {  	_ =	shalt  }
0x87: {  	_ =	shalt  }
.Lfunc_end0:
.L_simem_size_0:
called_computation.3_lowered:
.L_overlay_start_0:
0x88: {  	s2 =	sld [smem:$0x3FD9]  }
0x89: {  	s3 =	sld [smem:$0x3FFE];
	_ =	sdelay $0x1  }
0x8a: {  	s1 =	srdreg.scid  }
0x8b: {  	s0 =	sand.u32 $0x1, s1  }
0x8c: {  	s17 =	sshll.u32 s0, $0xA;
	s2 =	sadd.s32 s3, s2  }
0x8d: {  	s2 =	sadd.s32 s2, s17  }
0x8e: {  	[smem:$0x3FBA] =	sst s2  }
0x8f: {  	_ = 	snop  }
0x90: {  	s2 =	sld [smem:$0x3FD0];
	(tm) =	ssettm $0x1  }
0x91: {  	s18 =	sld [smem:$0x3FFB];
	_ =	sdelay $0x3  }
0x92: {  	_ =	strace s18  }
0x93: {  	s3 =	sld [smem:$0x3FFC];
	_ =	sdelay $0x3  }
0x94: {  	_ =	strace s3  }
0x95: {  	s3 =	sld [smem:$0x3FFD];
	_ =	sdelay $0x3  }
0x96: {  	_ =	strace s3  }
0x97: {  	_ =	strace $0x8FFFFFFF  }
0x98: {  	s19 =	sld [smem:$0x3FDB];
	_ =	sdelay $0x1  }
0x99: {  	s4 =	simm.s32 $_scs_section_size  }
0x9a: {  	s5 =	simm.s32 $_size__tile_overlayer_lowered;
	s6 =	simm.s32 $_tile_overlayer_lowered  }
0x9b: {  	s22 =	simm.s32 $0x1BFF;
	s21 =	sshll.u32 s6, $0x1;
	s3 =	sadd.s32 s4, s19  }
0x9c: {  	s7 =	simm.s32 $0x0;
	s20 =	sshll.u32 s5, $0x1;
	s5 =	sadd.s32 s21, s3  }
0x9d: {  	[timem:s7], [sflag:s22] =	dma.local [hbm:s5], s20  }
0x9e: {  	_ =	swait.ge [sflag:s22], s20  }
0x9f: {  	s4 =	ssub.s32 $0x0, s20;
	[sflag:s22] =	ssyncset.done $0x0  }
0xa0: {  	[sflag:s22] =	ssyncadd.s32 s4;
	_ =	sdelay $0x1  }
0xa1: {  	s23 =	simm.s32 $0x1B8B  }
0xa2: {  	_ =	swait.ge [sflag:s23], $0x1  }
0xa3: {  	[sflag:s23] =	ssyncset.done $0x0  }
0xa4: {  	s25 =	simm.s32 $0x1B8E;
	s24 =	sld [smem:$0x3FFE];
	[sflag:s23] =	ssyncadd.s32 $0xFFFFFFFF  }
0xa5: {  	s26 =	simm.s32 $execute0_lowered;
	[smem:$0x3FD2] =	sst s25  }
0xa6: {  	s5 =	sshll.u32 s26, $0x1;
	_ =	strace $0x8000004F;
	[dreg:$0x1] =	wrdreg $0xFFFFFFFF  }
0xa7: {  	s28 =	simm.s32 $_size_execute0_lowered;
	s3 =	sadd.s32 s3, s5;
	[dreg:$0x0] =	wrdreg $0x0  }
0xa8: {  	s5 =	sshll.u32 s28, $0x1;
	[dreg:$0x2] =	wrdreg s3  }
0xa9: {  	[dreg:$0x3] =	wrdreg s5  }
0xaa: {  	[dreg:$0x4] =	wrdreg $0xC0  }
0xab: {  	_ =	task [dreg:s7], $0x5FFFF  }
0xac: {  	[dreg:$0x1] =	wrdreg $0xFFFFFFFF  }
0xad: {  	[dreg:$0x0] =	wrdreg $0x60  }
0xae: {  	[dreg:$0x2] =	wrdreg s2  }
0xaf: {  	[dreg:$0x3] =	wrdreg s24  }
0xb0: {  	[dreg:$0x4] =	wrdreg $0xB9000  }
0xb1: {  	[dreg:$0x5] =	wrdreg $0x9  }
0xb2: {  	_ =	task.clear_ibuf [dreg:s7], $0x6FFFF;
	_ =	strace $0x9000004F  }
0xb3: {  	s29 =	simm.s32 $0x9;
	_ =	strace $0x80000051  }
0xb4: {  	_ =	swait.ge [sflag:s29], $0x1  }
0xb5: {  	[sflag:s29] =	ssyncadd.s32 $0xFFFFFFFF  }
0xb6: {  	_ =	strace $0x90000051  }
0xb7: {  	_ =	sfence  }
0xb8: {  	s30 =	sld [smem:$0x0];
	_ =	sdelay $0x2  }
0xb9: {  	s31 =	sshll.u32 s1, $0xD;
	s1 =	sshrl.u32 s1, $0x2  }
0xba: {  	s3 =	sand.u32 $0x4000, s31;
	s1 =	sadd.s32 s1, s30  }
0xbb: {  	s0 =	sor.u32 s3, s0;
	s1 =	sshll.u32 s1, $0x11  }
0xbc: {  	s0 =	sor.u32 s1, s0  }
0xbd: {  	s0 =	sadd.s32 $0x8F2B, s0  }
0xbe: {  	[sflag:s0] =	ssyncadd.remote.s32 $0x1  }
0xbf: {  	_ =	sfence.sel $0xFFFF  }
0xc0: {  	[dreg:$0x0] =	wrdreg $0xFFFFFFFF;
	(pc) =	sbr.abs _section_cstart, $3  }
0xc1: {  	[dreg:$0x1] =	wrdreg $0xFFFFFFFF  }
0xc2: {  	_ =	task.clear_ibuf [dreg:s7], $0x2FFFF;
	_ =	strace $0x9FFFFFFF  }
0xc3: {  	(tm) =	ssettm $0x7FFFFFFF  }
tec
execute0_lowered:
.L_overlay_start_1:
0x0: {  	(tag) =	ssettag $0x1  }
0x1: {  	s1 =	rddreg [dreg:$0x0]  }
0x2: {  	s0 =	srdreg.scid;
	s6 =	rddreg [dreg:$0x1]  }
0x3: {  	s12 =	stileid.u32;
	s3 =	rddreg [dreg:$0x2];
	s4 =	simm.s32 $0x0  }
0x4: {  	s28 =	simm.s32 $0x1;
	s29 =	simm.s32 $0x4;
	s30 =	simm.s32 $0x2  }
0x5: {  	s31 =	simm.s32 $0x5;
	s0 =	sand.u32 $0x1, s0;
	s8 =	smul.u32 $0x13C00, s12  }
0x6: {  	[smem:$0x7FF] =	sst s4;
	s5 =	sadd.s32 $0x5000, s6;
	s11 =	smul.u32 $0x4F000, s12  }
0x7: {  	s10 =	sadd.s32 $0x18C00, s6;
	s18 =	sshll.u32 s12, $0x6;
	s19 =	smul.u32 $0x2760, s12  }
0x8: {  	s2 =	sshll.u32 s0, $0x4;
	s7 =	smul.u32 $0x13C000, s0;
	_ =	strace $0x80000050  }
0x9: {  	[dreg:$0x4] =	wrdreg s10;
	s15 =	ssub.s32 $0x2, s0;
	s0 =	smul.u32 $0x27600, s0  }
0xa: {  	s2 =	sor.u32 s12, s2;
	s16 =	sshrl.u32 s15, $0x1;
	s17 =	sshrl.u32 s11, $0x2  }
0xb: {  	s2 =	smul.u32 $0x2760, s2;
	s7 =	sadd.s32 s8, s7;
	s10 =	ssub.s32 s15, s16  }
0xc: {  	s14 =	sadd.s32 s17, s3;
	s0 =	sadd.s32 s19, s0;
	s19 =	simm.s32 $0x2780  }
0xd: {  	s7 =	sshrl.u32 s7, $0x3;
	s22 =	sadd.s32 $0x1E0, s0;
	s23 =	sadd.s32 $0x180, s0  }
0xe: {  	s25 =	smax.u32 s10, $0x1;
	s16 =	sadd.s32 $0x120, s0;
	s17 =	sshrl.u32 s14, $0x3  }
0xf: {  	s0 =	simm.s32 $0x6;
	s2 =	sshrl.u32 s2, $0x3;
	s24 =	sshrl.u32 s23, $0x3  }
0x10: {  	[dreg:$0xa] =	wrdreg s25;
	s9 =	sadd.s32 s2, s6;
	s2 =	sadd.s32 s5, s2  }
0x11: {  	s23 =	simm.s32 $0x5900;
	s26 =	sadd.s32 s24, s5;
	[dreg:$0x5] =	wrdreg s2  }
0x12: {  	s25 =	simm.s32 $0x0;
	s20 =	sadd.s32 $0xEE00, s9;
	[dreg:$0xb] =	wrdreg s26  }
0x13: {  	s6 =	sadd.s32 s7, s6;
	s21 =	sadd.s32 $0xC, s2;
	[dreg:$0x6] =	wrdreg s20  }
0x14: {  	s7 =	sor.u32 $0x1C07, s18;
	s2 =	sadd.s32 $0x18, s2;
	[dreg:$0x7] =	wrdreg s21  }
0x15: {  	s18 =	simm.s32 $0x7;
	s6 =	sadd.s32 $0x6A400, s6;
	[dreg:$0x8] =	wrdreg s2  }
0x16: {  	s24 =	simm.s32 $0x2880;
	s26 =	simm.s32 $0x8900;
	[dreg:$0x9] =	wrdreg s6  }
0x17: {  	s2 =	sshrl.u32 s22, $0x3;
	s20 =	simm.s32 $0x60;
	s21 =	simm.s32 $0x2900  }
0x18: {  	s22 =	simm.s32 $0x2800;
	s12 =	sadd.s32 s2, s5;
	s2 =	simm.s32 $0x3  }
.LBB2_1:
0x19: {  	s6 =	rddreg [dreg:$0x4]  }
0x1a: {  	[spmem:s17], [sflag:s7] =	dma.local [hbm:s6], $0x2780  }
0x1b: {  	_ =	swait.ge [sflag:s18], $0x2780  }
0x1c: {  	[sflag:s18] =	ssyncset.done $0x0  }
0x1d: {  	s10 =	rddreg [dreg:$0x6];
	[sflag:s18] =	ssyncadd.s32 $0xFFFFD880  }
0x1e: {  	[tilespmem:s4], [sflag:$0x7] =	stream.linear.gather [hbm4b:s10+s4], $0x2760, $0x38;
	[tilespmem:$0x1F500] =	vst v63  }
0x1f: {  	_ =	swait.ge [sflag:s18], $0x2760  }
0x20: {  	[sflag:s18] =	ssyncset.done $0x0  }
0x21: {  	s11 =	rddreg [dreg:$0x5];
	[sflag:s18] =	ssyncadd.s32 $0xFFFFD8A0  }
0x22: {  	[tilespmem:s19], [sflag:$0x4] =	stream.linear.gather [hbm4b:s11+s4], $0x60, $0x38;
	[tilespmem:$0x1F500] =	vst v63  }
0x23: {  	_ = 	snop  }
0x24: {  	[tilespmem:s21], [sflag:$0x1] =	stream.indirect.gather [hbm4b:s1+s20], $0x80, s4, s20, $0xb8;
	[tilespmem:$0x1F500] =	vst v63  }
0x25: {  	s13 =	rddreg [dreg:$0x7]  }
0x26: {  	[tilespmem:s22], [sflag:$0x5] =	stream.linear.gather [hbm4b:s13+s4], $0x60, $0x38;
	[tilespmem:$0x1F500] =	vst v63  }
0x27: {  	_ = 	snop  }
0x28: {  	[tilespmem:s23], [sflag:$0x2] =	stream.indirect.gather [hbm4b:s1+s20], $0x80, s20, s20, $0xb8;
	[tilespmem:$0x1F500] =	vst v63  }
0x29: {  	s14 =	rddreg [dreg:$0x8]  }
0x2a: {  	[tilespmem:s24], [sflag:$0x6] =	stream.linear.gather [hbm4b:s14+s4], $0x60, $0x38;
	[tilespmem:$0x1F500] =	vst v63  }
0x2b: {  	s15 =	smov.u32 s7;
	s7 =	simm.s32 $0xC0  }
0x2c: {  	[tilespmem:s26], [sflag:$0x3] =	stream.indirect.gather [hbm4b:s1+s20], $0x80, s7, s20, $0xb8;
	[tilespmem:$0x1F500] =	vst v63  }
0x2d: {  	[bflag:$0x0] =	sbarrier.arrive $0xFFFF  }
0x2e: {  	_ =	swait.ge [sflag:s28], $0x3000  }
0x2f: {  	[sflag:s28] =	ssyncset.done $0x0  }
0x30: {  	[sflag:s28] =	ssyncadd.s32 $0xFFFFD000  }
0x31: {  	_ =	swait.ge [sflag:s29], $0x60  }
0x32: {  	[sflag:s29] =	ssyncset.done $0x0  }
0x33: {  	[sflag:s29] =	ssyncadd.s32 $0xFFFFFFA0  }
0x34: {  	[spmem:s3] =	stream.indirect.scatter.add.f32 [tilespmem:s21], [sflag:$0x7], $0x80, s19, s20, $0xb8;
	[tilespmem:$0x1F500] =	vst v63  }
0x35: {  	_ =	swait.ge [sflag:s18], $0x3000  }
0x36: {  	[sflag:s18] =	ssyncset.done $0x0  }
0x37: {  	s8 =	simm.s32 $0x120;
	s9 =	sshrl.u32 s16, $0x3;
	[sflag:s18] =	ssyncadd.s32 $0xFFFFD000  }
0x38: {  	[tilespmem:s21], [sflag:$0x1] =	stream.indirect.gather [hbm4b:s1+s20], $0x80, s8, s20, $0xb8;
	[tilespmem:$0x1F500] =	vst v63  }
0x39: {  	s10 =	sadd.s32 s5, s9  }
0x3a: {  	[tilespmem:s19], [sflag:$0x4] =	stream.linear.gather [hbm4b:s10+s4], $0x60, $0x38;
	[tilespmem:$0x1F500] =	vst v63  }
0x3b: {  	_ =	swait.ge [sflag:s30], $0x3000  }
0x3c: {  	[sflag:s30] =	ssyncset.done $0x0  }
0x3d: {  	[sflag:s30] =	ssyncadd.s32 $0xFFFFD000  }
0x3e: {  	_ =	swait.ge [sflag:s31], $0x60  }
0x3f: {  	[sflag:s31] =	ssyncset.done $0x0  }
0x40: {  	[sflag:s31] =	ssyncadd.s32 $0xFFFFFFA0  }
0x41: {  	[spmem:s3] =	stream.indirect.scatter.add.f32 [tilespmem:s23], [sflag:$0x7], $0x80, s22, s20, $0xb8;
	[tilespmem:$0x1F500] =	vst v63  }
0x42: {  	_ =	swait.ge [sflag:s18], $0x3000  }
0x43: {  	[sflag:s18] =	ssyncset.done $0x0  }
0x44: {  	s11 =	simm.s32 $0x180;
	[sflag:s18] =	ssyncadd.s32 $0xFFFFD000  }
0x45: {  	[tilespmem:s23], [sflag:$0x2] =	stream.indirect.gather [hbm4b:s1+s20], $0x80, s11, s20, $0xb8;
	[tilespmem:$0x1F500] =	vst v63  }
0x46: {  	s13 =	rddreg [dreg:$0xb]  }
0x47: {  	[tilespmem:s22], [sflag:$0x5] =	stream.linear.gather [hbm4b:s13+s4], $0x60, $0x38;
	[tilespmem:$0x1F500] =	vst v63  }
0x48: {  	_ =	swait.ge [sflag:s2], $0x3000  }
0x49: {  	[sflag:s2] =	ssyncset.done $0x0  }
0x4a: {  	[sflag:s2] =	ssyncadd.s32 $0xFFFFD000  }
0x4b: {  	_ =	swait.ge [sflag:s0], $0x60  }
0x4c: {  	[sflag:s0] =	ssyncset.done $0x0  }
0x4d: {  	[sflag:s0] =	ssyncadd.s32 $0xFFFFFFA0  }
0x4e: {  	[spmem:s3] =	stream.indirect.scatter.add.f32 [tilespmem:s26], [sflag:$0x7], $0x80, s24, s20, $0xb8;
	[tilespmem:$0x1F500] =	vst v63  }
0x4f: {  	_ =	swait.ge [sflag:s18], $0x3000  }
0x50: {  	s6 =	simm.s32 $0x480;
	[sflag:s18] =	ssyncset.done $0x0  }
0x51: {  	s9 =	sadd.s32 $0x24, s12;
	s14 =	simm.s32 $0x1E0;
	[sflag:s18] =	ssyncadd.s32 $0xFFFFD000  }
0x52: {  	[tilespmem:s26], [sflag:$0x3] =	stream.indirect.gather [hbm4b:s1+s20], $0x80, s14, s20, $0xb8;
	[tilespmem:$0x1F500] =	vst v63  }
0x53: {  	s10 =	sadd.s32 $0x24, s13;
	s11 =	sadd.s32 $0x120, s16;
	s14 =	smov.u32 s12  }
.LBB2_2:
0x54: {  	[tilespmem:s24], [sflag:$0x6] =	stream.linear.gather [hbm4b:s14+s4], $0x60, $0x38;
	[tilespmem:$0x1F500] =	vst v63  }
0x55: {  	s13 =	smov.u32 s6;
	s14 =	smov.u32 s9  }
0x56: {  	p0 =	sne.s32 s6, $0x9480;
	s6 =	sadd.s32 $0x480, s6;
	_ =	swait.ge [sflag:s28], $0x3000  }
0x57: {  	[sflag:s28] =	ssyncset.done $0x0  }
0x58: {  	[sflag:s28] =	ssyncadd.s32 $0xFFFFD000  }
0x59: {  	_ =	swait.ge [sflag:s29], $0x60  }
0x5a: {  	[sflag:s29] =	ssyncset.done $0x0  }
0x5b: {  	[sflag:s29] =	ssyncadd.s32 $0xFFFFFFA0  }
0x5c: {  	[spmem:s3] =	stream.indirect.scatter.add.f32 [tilespmem:s21], [sflag:$0x7], $0x80, s19, s20, $0xb8;
	[tilespmem:$0x1F500] =	vst v63  }
0x5d: {  	_ =	swait.ge [sflag:s18], $0x3000  }
0x5e: {  	s13 =	sshra.s32 s13, $0x2;
	[sflag:s18] =	ssyncset.done $0x0  }
0x5f: {  	s7 =	sshrl.u32 s11, $0x3;
	s8 =	sadd.s32 $0x120, s13;
	[sflag:s18] =	ssyncadd.s32 $0xFFFFD000  }
0x60: {  	[tilespmem:s21], [sflag:$0x1] =	stream.indirect.gather [hbm4b:s1+s20], $0x80, s8, s20, $0xb8;
	[tilespmem:$0x1F500] =	vst v63  }
0x61: {  	s7 =	sadd.s32 s5, s7  }
0x62: {  	[tilespmem:s19], [sflag:$0x4] =	stream.linear.gather [hbm4b:s7+s4], $0x60, $0x38;
	[tilespmem:$0x1F500] =	vst v63  }
0x63: {  	_ =	swait.ge [sflag:s30], $0x3000  }
0x64: {  	[sflag:s30] =	ssyncset.done $0x0  }
0x65: {  	[sflag:s30] =	ssyncadd.s32 $0xFFFFD000  }
0x66: {  	_ =	swait.ge [sflag:s31], $0x60  }
0x67: {  	[sflag:s31] =	ssyncset.done $0x0  }
0x68: {  	[sflag:s31] =	ssyncadd.s32 $0xFFFFFFA0  }
0x69: {  	[spmem:s3] =	stream.indirect.scatter.add.f32 [tilespmem:s23], [sflag:$0x7], $0x80, s22, s20, $0xb8;
	[tilespmem:$0x1F500] =	vst v63  }
0x6a: {  	_ =	swait.ge [sflag:s18], $0x3000  }
0x6b: {  	[sflag:s18] =	ssyncset.done $0x0  }
0x6c: {  	s7 =	sadd.s32 $0x180, s13;
	[sflag:s18] =	ssyncadd.s32 $0xFFFFD000  }
0x6d: {  	[tilespmem:s23], [sflag:$0x2] =	stream.indirect.gather [hbm4b:s1+s20], $0x80, s7, s20, $0xb8;
	[tilespmem:$0x1F500] =	vst v63  }
0x6e: {  	_ = 	snop  }
0x6f: {  	[tilespmem:s22], [sflag:$0x5] =	stream.linear.gather [hbm4b:s10+s4], $0x60, $0x38;
	[tilespmem:$0x1F500] =	vst v63  }
0x70: {  	_ =	swait.ge [sflag:s2], $0x3000  }
0x71: {  	[sflag:s2] =	ssyncset.done $0x0  }
0x72: {  	[sflag:s2] =	ssyncadd.s32 $0xFFFFD000  }
0x73: {  	_ =	swait.ge [sflag:s0], $0x60  }
0x74: {  	[sflag:s0] =	ssyncset.done $0x0  }
0x75: {  	[sflag:s0] =	ssyncadd.s32 $0xFFFFFFA0  }
0x76: {  	[spmem:s3] =	stream.indirect.scatter.add.f32 [tilespmem:s26], [sflag:$0x7], $0x80, s24, s20, $0xb8;
	[tilespmem:$0x1F500] =	vst v63  }
.Ltmp0:
0x77: {  	_ =	swait.ge [sflag:s18], $0x3000;
	(pc) =	sbr.rel @p0 .LBB2_2-.Ltmp0, $4  }
0x78: {  	[sflag:s18] =	ssyncset.done $0x0  }
0x79: {  	s7 =	sadd.s32 $0x1E0, s13;
	[sflag:s18] =	ssyncadd.s32 $0xFFFFD000  }
0x7a: {  	[tilespmem:s26], [sflag:$0x3] =	stream.indirect.gather [hbm4b:s1+s20], $0x80, s7, s20, $0xb8;
	[tilespmem:$0x1F500] =	vst v63  }
0x7b: {  	s9 =	sadd.s32 $0x24, s9;
	s11 =	sadd.s32 $0x120, s11;
	s10 =	sadd.s32 $0x24, s10  }
0x7c: {  	[tilespmem:s24], [sflag:$0x6] =	stream.linear.gather [hbm4b:s14+s4], $0x60, $0x38;
	[tilespmem:$0x1F500] =	vst v63  }
0x7d: {  	_ =	swait.ge [sflag:s28], $0x3000  }
0x7e: {  	[sflag:s28] =	ssyncset.done $0x0  }
0x7f: {  	[sflag:s28] =	ssyncadd.s32 $0xFFFFD000  }
0x80: {  	_ =	swait.ge [sflag:s29], $0x60  }
0x81: {  	[sflag:s29] =	ssyncset.done $0x0  }
0x82: {  	[sflag:s29] =	ssyncadd.s32 $0xFFFFFFA0  }
0x83: {  	[spmem:s3] =	stream.indirect.scatter.add.f32 [tilespmem:s21], [sflag:$0x7], $0x80, s19, s20, $0xb8;
	[tilespmem:$0x1F500] =	vst v63  }
0x84: {  	_ =	swait.ge [sflag:s18], $0x3000  }
0x85: {  	[sflag:s18] =	ssyncset.done $0x0  }
0x86: {  	[sflag:s18] =	ssyncadd.s32 $0xFFFFD000  }
0x87: {  	_ =	swait.ge [sflag:s30], $0x3000  }
0x88: {  	[sflag:s30] =	ssyncset.done $0x0  }
0x89: {  	[sflag:s30] =	ssyncadd.s32 $0xFFFFD000  }
0x8a: {  	_ =	swait.ge [sflag:s31], $0x60  }
0x8b: {  	[sflag:s31] =	ssyncset.done $0x0  }
0x8c: {  	[sflag:s31] =	ssyncadd.s32 $0xFFFFFFA0  }
0x8d: {  	[spmem:s3] =	stream.indirect.scatter.add.f32 [tilespmem:s23], [sflag:$0x7], $0x80, s22, s20, $0xb8;
	[tilespmem:$0x1F500] =	vst v63  }
0x8e: {  	_ =	swait.ge [sflag:s18], $0x3000  }
0x8f: {  	[sflag:s18] =	ssyncset.done $0x0  }
0x90: {  	[sflag:s18] =	ssyncadd.s32 $0xFFFFD000  }
0x91: {  	_ =	swait.ge [sflag:s2], $0x3000  }
0x92: {  	[sflag:s2] =	ssyncset.done $0x0  }
0x93: {  	[sflag:s2] =	ssyncadd.s32 $0xFFFFD000  }
0x94: {  	_ =	swait.ge [sflag:s0], $0x60  }
0x95: {  	[sflag:s0] =	ssyncset.done $0x0  }
0x96: {  	[sflag:s0] =	ssyncadd.s32 $0xFFFFFFA0  }
0x97: {  	[spmem:s3] =	stream.indirect.scatter.add.f32 [tilespmem:s26], [sflag:$0x7], $0x80, s24, s20, $0xb8;
	[tilespmem:$0x1F500] =	vst v63  }
0x98: {  	_ =	swait.ge [sflag:s18], $0x3000  }
0x99: {  	[sflag:s18] =	ssyncset.done $0x0  }
0x9a: {  	[sflag:s18] =	ssyncadd.s32 $0xFFFFD000  }
0x9b: {  	[bflag:$0x0] =	sbarrier.arrive $0xFFFF  }
0x9c: {  	s6 =	rddreg [dreg:$0x9]  }
0x9d: {  	[hbm:s6], [sflag:s15] =	dma.local [spmem:s17], $0x2780  }
0x9e: {  	_ =	swait.ge [sflag:s18], $0x2780  }
0x9f: {  	s7 =	smov.u32 s15;
	s25 =	sadd.s32 $0x1, s25;
	s15 =	rddreg [dreg:$0xa]  }
0xa0: {  	p0 =	sne.s32 s25, s15  }
.Ltmp1:
0xa1: {  	_ = 	snop;
	(pc) =	sbr.rel @p0 .LBB2_1-.Ltmp1, $3  }
0xa2: {  	_ =	sdelay $0x1  }
0xa3: {  	[sflag:s18] =	ssyncset.done $0x0  }
0xa4: {  	[sflag:s18] =	ssyncadd.s32 $0xFFFFD880  }
0xa5: {  	_ =	sfence.sel $0x180000  }
0xa6: {  	[bflag:$0x0] =	sbarrier.arrive $0xFFFF  }
0xa7: {  	_ =	strace $0x90000050  }
0xa8: {  	s0 =	stileid.u32;
	[bflag:$0x2] =	sbarrier.arrive $0xFFFF  }
0xa9: {  	p0 =	sne.s32 s0, $0x0;
	s0 =	rddreg [dreg:$0x3]  }
0xaa: {  	s0 =	sadd.s32 @!p0 $0x100000, s0  }
0xab: {  	[sflag:s0] =	ssyncadd.tile.s32 @!p0 $0x1;
	_ =	shalt  }
.Lfunc_end2:
_tile_overlayer_lowered:
.L_overlay_start_2:
0xac: {  	(tag) =	ssettag $0x2  }
0xad: {  	s0 =	rddreg [dreg:$0x0];
	s2 =	stileid.u32  }
0xae: {  	s1 =	rddreg [dreg:$0x1];
	p0 =	sne.s32 s2, $0x0  }
0xaf: {  	s3 =	rddreg [dreg:$0x2];
	[bflag:$0x3] =	sbarrier.arrive $0xFFFF;
	s2 =	simm.s32 @!p0 $0x1C07  }
0xb0: {  	[timem:s3], [sflag:s2] =	dma.local @!p0 [hbm:s0], s1  }
0xb1: {  	s0 =	simm.s32 @!p0 $0x7  }
0xb2: {  	_ =	swait.ge @!p0 [sflag:s0], s1  }
0xb3: {  	s1 =	ssub.s32 @!p0 $0x0, s1;
	[sflag:s0] =	ssyncset.done @!p0 $0x0  }
0xb4: {  	[sflag:s0] =	ssyncadd.s32 @!p0 s1  }
0xb5: {  	[bflag:$0x3] =	sbarrier.arrive $0xFFFF  }
0xb6: {  	_ =	shalt  }

</sc_bundles>
